<compile_context>
chip_gen: v7x
topology: tpu7x:2x2x1
jax: 0.10.2.dev20260603
libtpu: 0.0.44.dev20260713+nightly
codegen_flags: <defaults>
</compile_context>

<pallas_src>
import functools

import jax
import jax.numpy as jnp
from jax import lax
from jax.experimental import pallas as pl
from jax.experimental.pallas import tpu as pltpu
from jax.experimental.pallas import tpu_sc as plsc

N, C, H, W = 2, 3, 345, 456
A = -0.75

NB2 = 232
WPE = 466
RPB = 2 * H * NB2
NS = 16
ROWS_PER_T = (H + NS - 1) // NS
STAGE = RPB // NS
XB = 29
WOUT = XB * 16
GROW = XB * 128


def _c1(t):
    return ((A + 2.0) * t - (A + 3.0)) * t * t + 1.0


def _c2(t):
    return ((A * t - 5.0 * A) * t + 8.0 * A) * t - 4.0 * A


def _floor(v):
    ti = v.astype(jnp.int32)
    tf = ti.astype(jnp.float32)
    adj = tf > v
    return tf - jnp.where(adj, 1.0, 0.0), ti - jnp.where(adj, 1, 0)


XB0 = 15
G0 = XB0 * 128
G1 = GROW - G0


def _bicubic_body(table_hbm, ixy_hbm, out_hbm, tab_s, ixy_v, idx_v, buf_v,
                  wgt_v, orow_v, gsem, hsem):
    n = lax.axis_index("c")
    s = lax.axis_index("s")

    pltpu.async_copy(
        table_hbm.at[n, pl.ds(s * STAGE, STAGE)],
        tab_s.at[pl.ds(s * STAGE, STAGE)], gsem).wait()
    plsc.subcore_barrier()

    iota = lax.iota(jnp.int32, 16)
    cols = [jnp.full((16,), (j * 4 + c) & 7, jnp.int32)
            for j in range(4) for c in range(3)]

    def do_row(y):
        r = n * H + y
        pltpu.sync_copy(ixy_hbm.at[r], ixy_v)

        def phase_a(b, _):
            ix = ixy_v[0, pl.ds(b * 16, 16)]
            iy = ixy_v[1, pl.ds(b * 16, 16)]
            fx, ix0 = _floor(ix)
            fy, iy0 = _floor(iy)
            tx = ix - fx
            ty = iy - fy
            wx = [_c2(tx + 1.0), _c1(tx), _c1(1.0 - tx), _c2(2.0 - tx)]
            wy = [_c2(ty + 1.0), _c1(ty), _c1(1.0 - ty), _c2(2.0 - ty)]
            bxp = jnp.clip(ix0 + 2, 0, 458)
            blk = bxp >> 1
            kh = (bxp & 1) * H
            for j in range(4):
                cj = ix0 + (j - 1)
                x_in = (cj >= 0) & (cj < W)
                wgt_v[pl.ds(b * 128 + j * 16, 16)] = jnp.where(x_in, wx[j], 0.0)
            for i in range(4):
                yi = iy0 + (i - 1)
                y_in = (yi >= 0) & (yi < H)
                yc = jnp.where(yi < 0, 0, jnp.where(yi >= H, H - 1, yi))
                wgt_v[pl.ds(b * 128 + (4 + i) * 16, 16)] = jnp.where(y_in, wy[i], 0.0)
                base = (kh + yc) * NB2 + blk
                idx_v[pl.ds(b * 128 + i * 32, 16)] = base
                idx_v[pl.ds(b * 128 + i * 32 + 16, 16)] = base + 1
            return 0

        lax.fori_loop(0, XB0, phase_a, 0)
        pltpu.async_copy(tab_s.at[idx_v.at[pl.ds(0, G0)]],
                         buf_v.at[pl.ds(0, G0)], gsem)
        lax.fori_loop(XB0, XB, phase_a, 0)
        pltpu.async_copy(tab_s.at[idx_v.at[pl.ds(G0, G1)]],
                         buf_v.at[pl.ds(G0, G1)], hsem)

        def phase_d(b, _):
            w = [wgt_v[pl.ds(b * 128 + s2 * 16, 16)] for s2 in range(8)]
            rbase = iota + b * 128
            acc = [jnp.zeros((16,), jnp.float32) for _ in range(3)]
            for i in range(4):
                for j in range(4):
                    wij = w[4 + i] * w[j]
                    for c in range(3):
                        e = j * 4 + c
                        ri = rbase + (i * 32 + (e >> 3) * 16)
                        val = plsc.load_gather(buf_v, [ri, cols[j * 3 + c]])
                        acc[c] = acc[c] + wij * val
            for c in range(3):
                orow_v[c, pl.ds(b * 16, 16)] = acc[c]
            return 0

        pltpu.make_async_copy(
            table_hbm.at[0, pl.ds(0, G0)], buf_v.at[pl.ds(0, G0)], gsem).wait()
        lax.fori_loop(0, XB0, phase_d, 0)
        pltpu.make_async_copy(
            table_hbm.at[0, pl.ds(0, G1)], buf_v.at[pl.ds(G0, G1)], hsem).wait()
        lax.fori_loop(XB0, XB, phase_d, 0)
        pltpu.sync_copy(orow_v, out_hbm.at[r])

    def row_iter(yy, _):
        y = s + NS * yy

        @pl.when(y < H)
        def _():
            do_row(y)
        return 0

    lax.fori_loop(0, ROWS_PER_T, row_iter, 0)


_mesh = plsc.VectorSubcoreMesh(core_axis_name="c", subcore_axis_name="s")

_bicubic = functools.partial(
    pl.kernel,
    out_type=jax.ShapeDtypeStruct((N * H, 4, WOUT), jnp.float32),
    mesh=_mesh,
    scratch_types=[
        pltpu.VMEM_SHARED((RPB, 8), jnp.float32),
        pltpu.VMEM((2, WOUT), jnp.float32),
        pltpu.VMEM((GROW,), jnp.int32),
        pltpu.VMEM((GROW, 8), jnp.float32),
        pltpu.VMEM((XB * 8 * 16,), jnp.float32),
        pltpu.VMEM((4, WOUT), jnp.float32),
        pltpu.SemaphoreType.DMA,
        pltpu.SemaphoreType.DMA,
    ],
    compiler_params=pltpu.CompilerParams(
        needs_layout_passes=False, use_tc_tiling_on_sc=False),
)(_bicubic_body)


def _build_table(inp):
    p = jnp.transpose(inp, (0, 2, 3, 1))
    p = jnp.pad(p, ((0, 0), (0, 0), (3, WPE - 3 - W), (0, 1)))
    slabs = [p[:, :, k:k + 2 * NB2, :].reshape(N, H, NB2, 8) for k in range(2)]
    return jnp.stack(slabs, axis=1).reshape(N, RPB, 8)


def _build_ixy(theta):
    xs = (2.0 * jnp.arange(W, dtype=jnp.float32) + 1.0) / W - 1.0
    ys = (2.0 * jnp.arange(H, dtype=jnp.float32) + 1.0) / H - 1.0
    gx, gy = jnp.meshgrid(xs, ys)
    base = jnp.stack([gx, gy, jnp.ones_like(gx)], axis=-1).reshape(-1, 3)
    grid = jnp.einsum('pk,nck->npc', base, theta).reshape(N, H, W, 2)
    ix = ((grid[..., 0] + 1.0) * W - 1.0) / 2.0
    iy = ((grid[..., 1] + 1.0) * H - 1.0) / 2.0
    ixp = jnp.pad(ix.reshape(N * H, W), ((0, 0), (0, WOUT - W)),
                  constant_values=-10.0)
    iyp = jnp.pad(iy.reshape(N * H, W), ((0, 0), (0, WOUT - W)),
                  constant_values=-10.0)
    return jnp.stack([ixp, iyp], axis=1)


def kernel(arg0_1, arg1_1):
    table = _build_table(arg0_1)
    ixy = _build_ixy(arg1_1)
    res = _bicubic(table, ixy)
    out = res.reshape(N, H, 4, WOUT)[:, :, :C, :W]
    return jnp.transpose(out, (0, 2, 1, 3))

# --- scband reference (transcript-rebuilt; emitter-appended) ---
"""Pipeline reference for scband-repro-56057913147433 (READ-ONLY COPY).

The authoritative reference and input builder live on the scoring server;
editing this copy changes nothing except your own understanding.
"""

import jax, jax.numpy as jnp
import numpy as np

N, C, H, W = 2, 3, 345, 456
A = -0.75

def _cubic1(t):
    return ((A + 2.0) * t - (A + 3.0)) * t * t + 1.0

def _cubic2(t):
    return ((A * t - 5.0 * A) * t + 8.0 * A) * t - 4.0 * A

def _coeffs(t):
    return [_cubic2(t + 1.0), _cubic1(t), _cubic1(1.0 - t), _cubic2(2.0 - t)]

def _affine_grid(theta):
    # align_corners=False linspace: (2*i+1)/size - 1
    xs = (2.0 * jnp.arange(W, dtype=jnp.float32) + 1.0) / W - 1.0
    ys = (2.0 * jnp.arange(H, dtype=jnp.float32) + 1.0) / H - 1.0
    gx, gy = jnp.meshgrid(xs, ys)  # [H, W]
    base = jnp.stack([gx, gy, jnp.ones_like(gx)], axis=-1).reshape(-1, 3)  # [H*W, 3]
    grid = jnp.einsum('pk,nck->npc', base, theta)  # [N, H*W, 2]
    return grid.reshape(theta.shape[0], H, W, 2)

def _grid_sample_bicubic_zeros(inp, grid):
    n, c, h, w = inp.shape
    # unnormalize, align_corners=False: ((x+1)*size - 1)/2
    ix = ((grid[..., 0] + 1.0) * w - 1.0) / 2.0
    iy = ((grid[..., 1] + 1.0) * h - 1.0) / 2.0
    ix0 = jnp.floor(ix)
    iy0 = jnp.floor(iy)
    tx = ix - ix0
    ty = iy - iy0
    wx = _coeffs(tx)
    wy = _coeffs(ty)
    ix0i = ix0.astype(jnp.int32)
    iy0i = iy0.astype(jnp.int32)
    inp_t = jnp.transpose(inp, (0, 2, 3, 1))  # [N,H,W,C]
    b = jnp.arange(n).reshape(n, 1, 1)
    out = jnp.zeros(grid.shape[:3] + (c,), dtype=inp.dtype)
    for i in range(4):
        yi = iy0i - 1 + i
        y_in = (yi >= 0) & (yi < h)
        ys = jnp.where(y_in, yi, 0)
        for j in range(4):
            xj = ix0i - 1 + j
            x_in = (xj >= 0) & (xj < w)
            xs = jnp.where(x_in, xj, 0)
            mask = (y_in & x_in).astype(inp.dtype)
            val = inp_t[b, ys, xs]  # [N,Ho,Wo,C] gather
            out = out + val * (mask * wy[i] * wx[j])[..., None]
    return jnp.transpose(out, (0, 3, 1, 2))

def setup_inputs(seed: int = 0):
    key = jax.random.key(seed)
    k1, k2 = jax.random.split(key)
    arg0_1 = jax.random.normal(k1, (N, C, H, W), dtype=jnp.float32)
    arg1_1 = jax.random.normal(k2, (N, 2, 3), dtype=jnp.float32)
    return {"arg0_1": arg0_1, "arg1_1": arg1_1}

def reference(arg0_1, arg1_1):
    grid = _affine_grid(arg1_1)
    return _grid_sample_bicubic_zeros(arg0_1, grid)

if __name__ == "__main__":
    import jax
    _d = setup_inputs()
    print(jax.jit(kernel)(*tuple(_d.values())))

</pallas_src>

<mosaic_0001>
#map = affine_map<(d0, d1) -> (0, 0, 0)>
module attributes {stable_mosaic.version = 14 : i64} {
  func.func @_bicubic_body(%arg0: i32, %arg1: i32, %arg2: memref<2x160080x8xf32, #tpu.memory_space<hbm>>, %arg3: memref<690x2x464xf32, #tpu.memory_space<hbm>>, %arg4: memref<690x4x464xf32, #tpu.memory_space<hbm>>, %arg5: memref<160080x8xf32, #tpu.memory_space<vmem_shared>>, %arg6: memref<2x464xf32, #tpu.memory_space<vmem>>, %arg7: memref<3712xi32, #tpu.memory_space<vmem>>, %arg8: memref<3712x8xf32, #tpu.memory_space<vmem>>, %arg9: memref<3712xf32, #tpu.memory_space<vmem>>, %arg10: memref<4x464xf32, #tpu.memory_space<vmem>>, %arg11: memref<!tpu.dma_semaphore, #tpu.memory_space<semaphore_mem>>, %arg12: memref<!tpu.dma_semaphore, #tpu.memory_space<semaphore_mem>>) attributes {dimension_semantics = [#tpu.dimension_semantics<core_parallel>, #tpu.dimension_semantics<subcore_parallel>], iteration_bounds = array<i64: 2, 16>, scalar_prefetch = 0 : i64, scratch_operands = 8 : i64, tpu.core_type = #tpu.core_type<sc_vector_subcore>, window_params = [{transform_indices = #map}, {transform_indices = #map}, {transform_indices = #map}]} {
    %mul3A = arith.constant 10005 : i32
    %mul3A_0 = arith.muli %arg1, %mul3A : i32
    %mul3A_1 = arith.constant 10005 : i32
    %mul3A_2 = arith.muli %arg1, %mul3A_1 : i32
    %dma_start3A = arith.constant 0 : i32
    %dma_start3A_3 = tpu.memref_slice %arg5[%mul3A_2, %dma_start3A] : memref<160080x8xf32, #tpu.memory_space<vmem_shared>> -> memref<10005x8xf32, #tpu.memory_space<vmem_shared>>
    %dma_start3A_4 = arith.constant 0 : i32
    %dma_start3A_5 = tpu.memref_slice %arg2[%arg0, %mul3A_0, %dma_start3A_4] : memref<2x160080x8xf32, #tpu.memory_space<hbm>> -> memref<1x10005x8xf32, #tpu.memory_space<hbm>>
    %dma_start3A_6 = tpu.memref_squeeze %dma_start3A_5 : memref<1x10005x8xf32, #tpu.memory_space<hbm>> -> memref<10005x8xf32, #tpu.memory_space<hbm>>
    tpu.enqueue_dma source(%dma_start3A_6 : memref<10005x8xf32, #tpu.memory_space<hbm>>) target(%dma_start3A_3 : memref<10005x8xf32, #tpu.memory_space<vmem_shared>>) target_semaphore(%arg11 : memref<!tpu.dma_semaphore, #tpu.memory_space<semaphore_mem>>)
    %dma_wait3A = arith.constant 0 : i32
    %dma_wait3A_7 = tpu.memref_slice %arg5[%mul3A_2, %dma_wait3A] : memref<160080x8xf32, #tpu.memory_space<vmem_shared>> -> memref<10005x8xf32, #tpu.memory_space<vmem_shared>>
    %dma_wait3A_8 = arith.constant 0 : i32
    %dma_wait3A_9 = tpu.memref_slice %arg2[%arg0, %mul3A_0, %dma_wait3A_8] : memref<2x160080x8xf32, #tpu.memory_space<hbm>> -> memref<1x10005x8xf32, #tpu.memory_space<hbm>>
    %dma_wait3A_10 = tpu.memref_squeeze %dma_wait3A_9 : memref<1x10005x8xf32, #tpu.memory_space<hbm>> -> memref<10005x8xf32, #tpu.memory_space<hbm>>
    tpu.wait_dma2 semaphore(%arg11 : memref<!tpu.dma_semaphore, #tpu.memory_space<semaphore_mem>>) src(%dma_wait3A_10 : memref<10005x8xf32, #tpu.memory_space<hbm>>) dst(%dma_wait3A_7 : memref<10005x8xf32, #tpu.memory_space<vmem_shared>>)
    %barrier3A = arith.constant 0 : index
    tpu.barrier barrier_id(%barrier3A)
    %iota3A = tpu.iota {dimensions = array<i32: 0>} : vector<16xi32>
    %broadcast_in_dim3A = arith.constant 0 : i32
    %broadcast_in_dim3A_11 = vector.broadcast %broadcast_in_dim3A : i32 to vector<16xi32>
    %broadcast_in_dim3A_12 = arith.constant 1 : i32
    %broadcast_in_dim3A_13 = vector.broadcast %broadcast_in_dim3A_12 : i32 to vector<16xi32>
    %broadcast_in_dim3A_14 = arith.constant 2 : i32
    %broadcast_in_dim3A_15 = vector.broadcast %broadcast_in_dim3A_14 : i32 to vector<16xi32>
    %broadcast_in_dim3A_16 = arith.constant 4 : i32
    %broadcast_in_dim3A_17 = vector.broadcast %broadcast_in_dim3A_16 : i32 to vector<16xi32>
    %broadcast_in_dim3A_18 = arith.constant 5 : i32
    %broadcast_in_dim3A_19 = vector.broadcast %broadcast_in_dim3A_18 : i32 to vector<16xi32>
    %broadcast_in_dim3A_20 = arith.constant 6 : i32
    %broadcast_in_dim3A_21 = vector.broadcast %broadcast_in_dim3A_20 : i32 to vector<16xi32>
    %broadcast_in_dim3A_22 = arith.constant 0 : i32
    %broadcast_in_dim3A_23 = vector.broadcast %broadcast_in_dim3A_22 : i32 to vector<16xi32>
    %broadcast_in_dim3A_24 = arith.constant 1 : i32
    %broadcast_in_dim3A_25 = vector.broadcast %broadcast_in_dim3A_24 : i32 to vector<16xi32>
    %broadcast_in_dim3A_26 = arith.constant 2 : i32
    %broadcast_in_dim3A_27 = vector.broadcast %broadcast_in_dim3A_26 : i32 to vector<16xi32>
    %broadcast_in_dim3A_28 = arith.constant 4 : i32
    %broadcast_in_dim3A_29 = vector.broadcast %broadcast_in_dim3A_28 : i32 to vector<16xi32>
    %broadcast_in_dim3A_30 = arith.constant 5 : i32
    %broadcast_in_dim3A_31 = vector.broadcast %broadcast_in_dim3A_30 : i32 to vector<16xi32>
    %broadcast_in_dim3A_32 = arith.constant 6 : i32
    %broadcast_in_dim3A_33 = vector.broadcast %broadcast_in_dim3A_32 : i32 to vector<16xi32>
    %scan3A = arith.constant 0 : i32
    %scan3A_34 = arith.constant 0 : i32
    %scan3A_35 = arith.constant 22 : i32
    %scan3A_36 = arith.addi %scan3A_34, %scan3A_35 : i32
    %scan3A_37 = arith.constant 1 : i32
    %scan3A_38 = scf.for %scan3A_40 = %scan3A_34 to %scan3A_36 step %scan3A_37 iter_args(%scan3A_41 = %scan3A) -> (i32)  : i32 {
      %mul3A_42 = arith.constant 16 : i32
      %mul3A_43 = arith.muli %mul3A_42, %scan3A_40 : i32
      %add3A = arith.addi %arg1, %mul3A_43 : i32
      %lt3A = arith.constant 345 : i32
      %lt3A_44 = arith.cmpi slt, %add3A, %lt3A : i32
      %convert_element_type3A = arith.extui %lt3A_44 : i1 to i32
      %cond3A = arith.constant 0 : i32
      %cond3A_45 = arith.cmpi ne, %convert_element_type3A, %cond3A : i32
      scf.if %cond3A_45 {
        %mul3A_47 = arith.constant 345 : i32
        %mul3A_48 = arith.muli %arg0, %mul3A_47 : i32
        %add3A_49 = arith.addi %mul3A_48, %add3A : i32
        "tpu.region"() ({
          %run_scoped3A = tpu.sem_alloc : memref<!tpu.dma_semaphore, #tpu.memory_space<semaphore_mem>>
          %dma_start3A_124 = arith.constant 0 : i32
          %dma_start3A_125 = arith.constant 0 : i32
          %dma_start3A_126 = tpu.memref_slice %arg3[%add3A_49, %dma_start3A_124, %dma_start3A_125] : memref<690x2x464xf32, #tpu.memory_space<hbm>> -> memref<1x2x464xf32, #tpu.memory_space<hbm>>
          %dma_start3A_127 = tpu.memref_squeeze %dma_start3A_126 : memref<1x2x464xf32, #tpu.memory_space<hbm>> -> memref<2x464xf32, #tpu.memory_space<hbm>>
          %dma_start3A_128 = arith.constant 0 : i32
          %dma_start3A_129 = arith.constant 0 : i32
          %dma_start3A_130 = tpu.memref_slice %arg3[%add3A_49, %dma_start3A_128, %dma_start3A_129] : memref<690x2x464xf32, #tpu.memory_space<hbm>> -> memref<1x2x464xf32, #tpu.memory_space<hbm>>
          %dma_start3A_131 = tpu.memref_squeeze %dma_start3A_130 : memref<1x2x464xf32, #tpu.memory_space<hbm>> -> memref<2x464xf32, #tpu.memory_space<hbm>>
          tpu.enqueue_dma source(%dma_start3A_131 : memref<2x464xf32, #tpu.memory_space<hbm>>) target(%arg6 : memref<2x464xf32, #tpu.memory_space<vmem>>) target_semaphore(%run_scoped3A : memref<!tpu.dma_semaphore, #tpu.memory_space<semaphore_mem>>)
          %dma_wait3A_132 = arith.constant 0 : i32
          %dma_wait3A_133 = arith.constant 0 : i32
          %dma_wait3A_134 = tpu.memref_slice %arg3[%add3A_49, %dma_wait3A_132, %dma_wait3A_133] : memref<690x2x464xf32, #tpu.memory_space<hbm>> -> memref<1x2x464xf32, #tpu.memory_space<hbm>>
          %dma_wait3A_135 = tpu.memref_squeeze %dma_wait3A_134 : memref<1x2x464xf32, #tpu.memory_space<hbm>> -> memref<2x464xf32, #tpu.memory_space<hbm>>
          %dma_wait3A_136 = arith.constant 0 : i32
          %dma_wait3A_137 = arith.constant 0 : i32
          %dma_wait3A_138 = tpu.memref_slice %arg3[%add3A_49, %dma_wait3A_136, %dma_wait3A_137] : memref<690x2x464xf32, #tpu.memory_space<hbm>> -> memref<1x2x464xf32, #tpu.memory_space<hbm>>
          %dma_wait3A_139 = tpu.memref_squeeze %dma_wait3A_138 : memref<1x2x464xf32, #tpu.memory_space<hbm>> -> memref<2x464xf32, #tpu.memory_space<hbm>>
          tpu.wait_dma2 semaphore(%run_scoped3A : memref<!tpu.dma_semaphore, #tpu.memory_space<semaphore_mem>>) src(%dma_wait3A_139 : memref<2x464xf32, #tpu.memory_space<hbm>>) dst(%arg6 : memref<2x464xf32, #tpu.memory_space<vmem>>)
          tpu.yield
        }) : () -> ()
        %scan3A_50 = arith.constant 0 : i32
        %scan3A_51 = arith.constant 0 : i32
        %scan3A_52 = arith.constant 15 : i32
        %scan3A_53 = arith.addi %scan3A_51, %scan3A_52 : i32
        %scan3A_54 = arith.constant 1 : i32
        %scan3A_55 = scf.for %scan3A_124 = %scan3A_51 to %scan3A_53 step %scan3A_54 iter_args(%scan3A_125 = %scan3A_50) -> (i32)  : i32 {
          %mul3A_126 = arith.constant 16 : i32
          %mul3A_127 = arith.muli %scan3A_124, %mul3A_126 : i32
          %get3A = arith.constant 0 : i32
          %get3A_128 = arith.index_cast %get3A : i32 to index
          %get3A_129 = arith.index_cast %mul3A_127 : i32 to index
          %get3A_130 = tpu.vector_load %arg6[%get3A_128, %get3A_129] {strides = array<i32>} : memref<2x464xf32, #tpu.memory_space<vmem>>, vector<16xf32>,
          %mul3A_131 = arith.constant 16 : i32
          %mul3A_132 = arith.muli %scan3A_124, %mul3A_131 : i32
          %get3A_133 = arith.constant 1 : i32
          %get3A_134 = arith.index_cast %get3A_133 : i32 to index
          %get3A_135 = arith.index_cast %mul3A_132 : i32 to index
          %get3A_136 = tpu.vector_load %arg6[%get3A_134, %get3A_135] {strides = array<i32>} : memref<2x464xf32, #tpu.memory_space<vmem>>, vector<16xf32>,
          %convert_element_type3A_137 = arith.fptosi %get3A_130 : vector<16xf32> to vector<16xi32>
          %convert_element_type3A_138 = arith.sitofp %convert_element_type3A_137 : vector<16xi32> to vector<16xf32>
          %gt3A = arith.cmpf ogt, %convert_element_type3A_138, %get3A_130 : vector<16xf32>
          %jit3A = arith.constant 1.000000e+00 : f32
          %jit3A_139 = arith.constant 0.000000e+00 : f32
          %broadcast_in_dim3A_140 = vector.broadcast %jit3A : f32 to vector<16xf32>
          %broadcast_in_dim3A_141 = vector.broadcast %jit3A_139 : f32 to vector<16xf32>
          %select_n3A = arith.select %gt3A, %broadcast_in_dim3A_140, %broadcast_in_dim3A_141 : vector<16xi1>, vector<16xf32>
          %sub3A = arith.subf %convert_element_type3A_138, %select_n3A : vector<16xf32>
          %jit3A_142 = arith.constant 1 : i32
          %jit3A_143 = arith.constant 0 : i32
          %broadcast_in_dim3A_144 = vector.broadcast %jit3A_142 : i32 to vector<16xi32>
          %broadcast_in_dim3A_145 = vector.broadcast %jit3A_143 : i32 to vector<16xi32>
          %select_n3A_146 = arith.select %gt3A, %broadcast_in_dim3A_144, %broadcast_in_dim3A_145 : vector<16xi1>, vector<16xi32>
          %sub3A_147 = arith.subi %convert_element_type3A_137, %select_n3A_146 : vector<16xi32>
          %convert_element_type3A_148 = arith.fptosi %get3A_136 : vector<16xf32> to vector<16xi32>
          %convert_element_type3A_149 = arith.sitofp %convert_element_type3A_148 : vector<16xi32> to vector<16xf32>
          %gt3A_150 = arith.cmpf ogt, %convert_element_type3A_149, %get3A_136 : vector<16xf32>
          %jit3A_151 = arith.constant 1.000000e+00 : f32
          %jit3A_152 = arith.constant 0.000000e+00 : f32
          %broadcast_in_dim3A_153 = vector.broadcast %jit3A_151 : f32 to vector<16xf32>
          %broadcast_in_dim3A_154 = vector.broadcast %jit3A_152 : f32 to vector<16xf32>
          %select_n3A_155 = arith.select %gt3A_150, %broadcast_in_dim3A_153, %broadcast_in_dim3A_154 : vector<16xi1>, vector<16xf32>
          %sub3A_156 = arith.subf %convert_element_type3A_149, %select_n3A_155 : vector<16xf32>
          %jit3A_157 = arith.constant 1 : i32
          %jit3A_158 = arith.constant 0 : i32
          %broadcast_in_dim3A_159 = vector.broadcast %jit3A_157 : i32 to vector<16xi32>
          %broadcast_in_dim3A_160 = vector.broadcast %jit3A_158 : i32 to vector<16xi32>
          %select_n3A_161 = arith.select %gt3A_150, %broadcast_in_dim3A_159, %broadcast_in_dim3A_160 : vector<16xi1>, vector<16xi32>
          %sub3A_162 = arith.subi %convert_element_type3A_148, %select_n3A_161 : vector<16xi32>
          %sub3A_163 = arith.subf %get3A_130, %sub3A : vector<16xf32>
          %sub3A_164 = arith.subf %get3A_136, %sub3A_156 : vector<16xf32>
          %add3A_165 = arith.constant 1.000000e+00 : f32
          %add3A_166 = vector.broadcast %add3A_165 : f32 to vector<16xf32>
          %add3A_167 = arith.addf %sub3A_163, %add3A_166 : vector<16xf32>
          %mul3A_168 = arith.constant -7.500000e-01 : f32
          %mul3A_169 = vector.broadcast %mul3A_168 : f32 to vector<16xf32>
          %mul3A_170 = arith.mulf %mul3A_169, %add3A_167 : vector<16xf32>
          %sub3A_171 = arith.constant -3.750000e+00 : f32
          %sub3A_172 = vector.broadcast %sub3A_171 : f32 to vector<16xf32>
          %sub3A_173 = arith.subf %mul3A_170, %sub3A_172 : vector<16xf32>
          %mul3A_174 = arith.mulf %sub3A_173, %add3A_167 : vector<16xf32>
          %add3A_175 = arith.constant -6.000000e+00 : f32
          %add3A_176 = vector.broadcast %add3A_175 : f32 to vector<16xf32>
          %add3A_177 = arith.addf %mul3A_174, %add3A_176 : vector<16xf32>
          %mul3A_178 = arith.mulf %add3A_177, %add3A_167 : vector<16xf32>
          %sub3A_179 = arith.constant -3.000000e+00 : f32
          %sub3A_180 = vector.broadcast %sub3A_179 : f32 to vector<16xf32>
          %sub3A_181 = arith.subf %mul3A_178, %sub3A_180 : vector<16xf32>
          %mul3A_182 = arith.constant 1.250000e+00 : f32
          %mul3A_183 = vector.broadcast %mul3A_182 : f32 to vector<16xf32>
          %mul3A_184 = arith.mulf %mul3A_183, %sub3A_163 : vector<16xf32>
          %sub3A_185 = arith.constant 2.250000e+00 : f32
          %sub3A_186 = vector.broadcast %sub3A_185 : f32 to vector<16xf32>
          %sub3A_187 = arith.subf %mul3A_184, %sub3A_186 : vector<16xf32>
          %mul3A_188 = arith.mulf %sub3A_187, %sub3A_163 : vector<16xf32>
          %mul3A_189 = arith.mulf %mul3A_188, %sub3A_163 : vector<16xf32>
          %add3A_190 = arith.constant 1.000000e+00 : f32
          %add3A_191 = vector.broadcast %add3A_190 : f32 to vector<16xf32>
          %add3A_192 = arith.addf %mul3A_189, %add3A_191 : vector<16xf32>
          %sub3A_193 = arith.constant 1.000000e+00 : f32
          %sub3A_194 = vector.broadcast %sub3A_193 : f32 to vector<16xf32>
          %sub3A_195 = arith.subf %sub3A_194, %sub3A_163 : vector<16xf32>
          %mul3A_196 = arith.constant 1.250000e+00 : f32
          %mul3A_197 = vector.broadcast %mul3A_196 : f32 to vector<16xf32>
          %mul3A_198 = arith.mulf %mul3A_197, %sub3A_195 : vector<16xf32>
          %sub3A_199 = arith.constant 2.250000e+00 : f32
          %sub3A_200 = vector.broadcast %sub3A_199 : f32 to vector<16xf32>
          %sub3A_201 = arith.subf %mul3A_198, %sub3A_200 : vector<16xf32>
          %mul3A_202 = arith.mulf %sub3A_201, %sub3A_195 : vector<16xf32>
          %mul3A_203 = arith.mulf %mul3A_202, %sub3A_195 : vector<16xf32>
          %add3A_204 = arith.constant 1.000000e+00 : f32
          %add3A_205 = vector.broadcast %add3A_204 : f32 to vector<16xf32>
          %add3A_206 = arith.addf %mul3A_203, %add3A_205 : vector<16xf32>
          %sub3A_207 = arith.constant 2.000000e+00 : f32
          %sub3A_208 = vector.broadcast %sub3A_207 : f32 to vector<16xf32>
          %sub3A_209 = arith.subf %sub3A_208, %sub3A_163 : vector<16xf32>
          %mul3A_210 = arith.constant -7.500000e-01 : f32
          %mul3A_211 = vector.broadcast %mul3A_210 : f32 to vector<16xf32>
          %mul3A_212 = arith.mulf %mul3A_211, %sub3A_209 : vector<16xf32>
          %sub3A_213 = arith.constant -3.750000e+00 : f32
          %sub3A_214 = vector.broadcast %sub3A_213 : f32 to vector<16xf32>
          %sub3A_215 = arith.subf %mul3A_212, %sub3A_214 : vector<16xf32>
          %mul3A_216 = arith.mulf %sub3A_215, %sub3A_209 : vector<16xf32>
          %add3A_217 = arith.constant -6.000000e+00 : f32
          %add3A_218 = vector.broadcast %add3A_217 : f32 to vector<16xf32>
          %add3A_219 = arith.addf %mul3A_216, %add3A_218 : vector<16xf32>
          %mul3A_220 = arith.mulf %add3A_219, %sub3A_209 : vector<16xf32>
          %sub3A_221 = arith.constant -3.000000e+00 : f32
          %sub3A_222 = vector.broadcast %sub3A_221 : f32 to vector<16xf32>
          %sub3A_223 = arith.subf %mul3A_220, %sub3A_222 : vector<16xf32>
          %add3A_224 = arith.constant 1.000000e+00 : f32
          %add3A_225 = vector.broadcast %add3A_224 : f32 to vector<16xf32>
          %add3A_226 = arith.addf %sub3A_164, %add3A_225 : vector<16xf32>
          %mul3A_227 = arith.constant -7.500000e-01 : f32
          %mul3A_228 = vector.broadcast %mul3A_227 : f32 to vector<16xf32>
          %mul3A_229 = arith.mulf %mul3A_228, %add3A_226 : vector<16xf32>
          %sub3A_230 = arith.constant -3.750000e+00 : f32
          %sub3A_231 = vector.broadcast %sub3A_230 : f32 to vector<16xf32>
          %sub3A_232 = arith.subf %mul3A_229, %sub3A_231 : vector<16xf32>
          %mul3A_233 = arith.mulf %sub3A_232, %add3A_226 : vector<16xf32>
          %add3A_234 = arith.constant -6.000000e+00 : f32
          %add3A_235 = vector.broadcast %add3A_234 : f32 to vector<16xf32>
          %add3A_236 = arith.addf %mul3A_233, %add3A_235 : vector<16xf32>
          %mul3A_237 = arith.mulf %add3A_236, %add3A_226 : vector<16xf32>
          %sub3A_238 = arith.constant -3.000000e+00 : f32
          %sub3A_239 = vector.broadcast %sub3A_238 : f32 to vector<16xf32>
          %sub3A_240 = arith.subf %mul3A_237, %sub3A_239 : vector<16xf32>
          %mul3A_241 = arith.constant 1.250000e+00 : f32
          %mul3A_242 = vector.broadcast %mul3A_241 : f32 to vector<16xf32>
          %mul3A_243 = arith.mulf %mul3A_242, %sub3A_164 : vector<16xf32>
          %sub3A_244 = arith.constant 2.250000e+00 : f32
          %sub3A_245 = vector.broadcast %sub3A_244 : f32 to vector<16xf32>
          %sub3A_246 = arith.subf %mul3A_243, %sub3A_245 : vector<16xf32>
          %mul3A_247 = arith.mulf %sub3A_246, %sub3A_164 : vector<16xf32>
          %mul3A_248 = arith.mulf %mul3A_247, %sub3A_164 : vector<16xf32>
          %add3A_249 = arith.constant 1.000000e+00 : f32
          %add3A_250 = vector.broadcast %add3A_249 : f32 to vector<16xf32>
          %add3A_251 = arith.addf %mul3A_248, %add3A_250 : vector<16xf32>
          %sub3A_252 = arith.constant 1.000000e+00 : f32
          %sub3A_253 = vector.broadcast %sub3A_252 : f32 to vector<16xf32>
          %sub3A_254 = arith.subf %sub3A_253, %sub3A_164 : vector<16xf32>
          %mul3A_255 = arith.constant 1.250000e+00 : f32
          %mul3A_256 = vector.broadcast %mul3A_255 : f32 to vector<16xf32>
          %mul3A_257 = arith.mulf %mul3A_256, %sub3A_254 : vector<16xf32>
          %sub3A_258 = arith.constant 2.250000e+00 : f32
          %sub3A_259 = vector.broadcast %sub3A_258 : f32 to vector<16xf32>
          %sub3A_260 = arith.subf %mul3A_257, %sub3A_259 : vector<16xf32>
          %mul3A_261 = arith.mulf %sub3A_260, %sub3A_254 : vector<16xf32>
          %mul3A_262 = arith.mulf %mul3A_261, %sub3A_254 : vector<16xf32>
          %add3A_263 = arith.constant 1.000000e+00 : f32
          %add3A_264 = vector.broadcast %add3A_263 : f32 to vector<16xf32>
          %add3A_265 = arith.addf %mul3A_262, %add3A_264 : vector<16xf32>
          %sub3A_266 = arith.constant 2.000000e+00 : f32
          %sub3A_267 = vector.broadcast %sub3A_266 : f32 to vector<16xf32>
          %sub3A_268 = arith.subf %sub3A_267, %sub3A_164 : vector<16xf32>
          %mul3A_269 = arith.constant -7.500000e-01 : f32
          %mul3A_270 = vector.broadcast %mul3A_269 : f32 to vector<16xf32>
          %mul3A_271 = arith.mulf %mul3A_270, %sub3A_268 : vector<16xf32>
          %sub3A_272 = arith.constant -3.750000e+00 : f32
          %sub3A_273 = vector.broadcast %sub3A_272 : f32 to vector<16xf32>
          %sub3A_274 = arith.subf %mul3A_271, %sub3A_273 : vector<16xf32>
          %mul3A_275 = arith.mulf %sub3A_274, %sub3A_268 : vector<16xf32>
          %add3A_276 = arith.constant -6.000000e+00 : f32
          %add3A_277 = vector.broadcast %add3A_276 : f32 to vector<16xf32>
          %add3A_278 = arith.addf %mul3A_275, %add3A_277 : vector<16xf32>
          %mul3A_279 = arith.mulf %add3A_278, %sub3A_268 : vector<16xf32>
          %sub3A_280 = arith.constant -3.000000e+00 : f32
          %sub3A_281 = vector.broadcast %sub3A_280 : f32 to vector<16xf32>
          %sub3A_282 = arith.subf %mul3A_279, %sub3A_281 : vector<16xf32>
          %add3A_283 = arith.constant 2 : i32
          %add3A_284 = vector.broadcast %add3A_283 : i32 to vector<16xi32>
          %add3A_285 = arith.addi %sub3A_147, %add3A_284 : vector<16xi32>
          %jit3A_286 = arith.constant 0 : i32
          %jit3A_287 = arith.constant 458 : i32
          %max3A = vector.broadcast %jit3A_286 : i32 to vector<16xi32>
          %max3A_288 = arith.maxsi %max3A, %add3A_285 : vector<16xi32>
          %min3A = vector.broadcast %jit3A_287 : i32 to vector<16xi32>
          %min3A_289 = arith.minsi %min3A, %max3A_288 : vector<16xi32>
          %shift_right_arithmetic3A = arith.constant 1 : i32
          %shift_right_arithmetic3A_290 = vector.broadcast %shift_right_arithmetic3A : i32 to vector<16xi32>
          %shift_right_arithmetic3A_291 = arith.shrsi %min3A_289, %shift_right_arithmetic3A_290 : vector<16xi32>
          %and3A = arith.constant 1 : i32
          %and3A_292 = vector.broadcast %and3A : i32 to vector<16xi32>
          %and3A_293 = arith.andi %min3A_289, %and3A_292 : vector<16xi32>
          %mul3A_294 = arith.constant 345 : i32
          %mul3A_295 = vector.broadcast %mul3A_294 : i32 to vector<16xi32>
          %mul3A_296 = arith.muli %and3A_293, %mul3A_295 : vector<16xi32>
          %add3A_297 = arith.constant -1 : i32
          %add3A_298 = vector.broadcast %add3A_297 : i32 to vector<16xi32>
          %add3A_299 = arith.addi %sub3A_147, %add3A_298 : vector<16xi32>
          %ge3A = arith.constant 0 : i32
          %ge3A_300 = vector.broadcast %ge3A : i32 to vector<16xi32>
          %ge3A_301 = arith.cmpi sge, %add3A_299, %ge3A_300 : vector<16xi32>
          %lt3A_302 = arith.constant 456 : i32
          %lt3A_303 = vector.broadcast %lt3A_302 : i32 to vector<16xi32>
          %lt3A_304 = arith.cmpi slt, %add3A_299, %lt3A_303 : vector<16xi32>
          %and3A_305 = arith.andi %ge3A_301, %lt3A_304 : vector<16xi1>
          %jit3A_306 = arith.constant 0.000000e+00 : f32
          %broadcast_in_dim3A_307 = vector.broadcast %jit3A_306 : f32 to vector<16xf32>
          %select_n3A_308 = arith.select %and3A_305, %sub3A_181, %broadcast_in_dim3A_307 : vector<16xi1>, vector<16xf32>
          %mul3A_309 = arith.constant 128 : i32
          %mul3A_310 = arith.muli %scan3A_124, %mul3A_309 : i32
          %add3A_311 = arith.constant 0 : i32
          %add3A_312 = arith.addi %mul3A_310, %add3A_311 : i32
          %swap3A = arith.index_cast %add3A_312 : i32 to index
          %swap3A_313 = tpu.vector_load %arg9[%swap3A] {strides = array<i32>} : memref<3712xf32, #tpu.memory_space<vmem>>, vector<16xf32>,
          tpu.vector_store %arg9[%swap3A], %select_n3A_308 {strides = array<i32>} : memref<3712xf32, #tpu.memory_space<vmem>>, vector<16xf32>,
          %add3A_314 = arith.constant 0 : i32
          %add3A_315 = vector.broadcast %add3A_314 : i32 to vector<16xi32>
          %add3A_316 = arith.addi %sub3A_147, %add3A_315 : vector<16xi32>
          %ge3A_317 = arith.constant 0 : i32
          %ge3A_318 = vector.broadcast %ge3A_317 : i32 to vector<16xi32>
          %ge3A_319 = arith.cmpi sge, %add3A_316, %ge3A_318 : vector<16xi32>
          %lt3A_320 = arith.constant 456 : i32
          %lt3A_321 = vector.broadcast %lt3A_320 : i32 to vector<16xi32>
          %lt3A_322 = arith.cmpi slt, %add3A_316, %lt3A_321 : vector<16xi32>
          %and3A_323 = arith.andi %ge3A_319, %lt3A_322 : vector<16xi1>
          %jit3A_324 = arith.constant 0.000000e+00 : f32
          %broadcast_in_dim3A_325 = vector.broadcast %jit3A_324 : f32 to vector<16xf32>
          %select_n3A_326 = arith.select %and3A_323, %add3A_192, %broadcast_in_dim3A_325 : vector<16xi1>, vector<16xf32>
          %mul3A_327 = arith.constant 128 : i32
          %mul3A_328 = arith.muli %scan3A_124, %mul3A_327 : i32
          %add3A_329 = arith.constant 16 : i32
          %add3A_330 = arith.addi %mul3A_328, %add3A_329 : i32
          %swap3A_331 = arith.index_cast %add3A_330 : i32 to index
          %swap3A_332 = tpu.vector_load %arg9[%swap3A_331] {strides = array<i32>} : memref<3712xf32, #tpu.memory_space<vmem>>, vector<16xf32>,
          tpu.vector_store %arg9[%swap3A_331], %select_n3A_326 {strides = array<i32>} : memref<3712xf32, #tpu.memory_space<vmem>>, vector<16xf32>,
          %add3A_333 = arith.constant 1 : i32
          %add3A_334 = vector.broadcast %add3A_333 : i32 to vector<16xi32>
          %add3A_335 = arith.addi %sub3A_147, %add3A_334 : vector<16xi32>
          %ge3A_336 = arith.constant 0 : i32
          %ge3A_337 = vector.broadcast %ge3A_336 : i32 to vector<16xi32>
          %ge3A_338 = arith.cmpi sge, %add3A_335, %ge3A_337 : vector<16xi32>
          %lt3A_339 = arith.constant 456 : i32
          %lt3A_340 = vector.broadcast %lt3A_339 : i32 to vector<16xi32>
          %lt3A_341 = arith.cmpi slt, %add3A_335, %lt3A_340 : vector<16xi32>
          %and3A_342 = arith.andi %ge3A_338, %lt3A_341 : vector<16xi1>
          %jit3A_343 = arith.constant 0.000000e+00 : f32
          %broadcast_in_dim3A_344 = vector.broadcast %jit3A_343 : f32 to vector<16xf32>
          %select_n3A_345 = arith.select %and3A_342, %add3A_206, %broadcast_in_dim3A_344 : vector<16xi1>, vector<16xf32>
          %mul3A_346 = arith.constant 128 : i32
          %mul3A_347 = arith.muli %scan3A_124, %mul3A_346 : i32
          %add3A_348 = arith.constant 32 : i32
          %add3A_349 = arith.addi %mul3A_347, %add3A_348 : i32
          %swap3A_350 = arith.index_cast %add3A_349 : i32 to index
          %swap3A_351 = tpu.vector_load %arg9[%swap3A_350] {strides = array<i32>} : memref<3712xf32, #tpu.memory_space<vmem>>, vector<16xf32>,
          tpu.vector_store %arg9[%swap3A_350], %select_n3A_345 {strides = array<i32>} : memref<3712xf32, #tpu.memory_space<vmem>>, vector<16xf32>,
          %add3A_352 = arith.constant 2 : i32
          %add3A_353 = vector.broadcast %add3A_352 : i32 to vector<16xi32>
          %add3A_354 = arith.addi %sub3A_147, %add3A_353 : vector<16xi32>
          %ge3A_355 = arith.constant 0 : i32
          %ge3A_356 = vector.broadcast %ge3A_355 : i32 to vector<16xi32>
          %ge3A_357 = arith.cmpi sge, %add3A_354, %ge3A_356 : vector<16xi32>
          %lt3A_358 = arith.constant 456 : i32
          %lt3A_359 = vector.broadcast %lt3A_358 : i32 to vector<16xi32>
          %lt3A_360 = arith.cmpi slt, %add3A_354, %lt3A_359 : vector<16xi32>
          %and3A_361 = arith.andi %ge3A_357, %lt3A_360 : vector<16xi1>
          %jit3A_362 = arith.constant 0.000000e+00 : f32
          %broadcast_in_dim3A_363 = vector.broadcast %jit3A_362 : f32 to vector<16xf32>
          %select_n3A_364 = arith.select %and3A_361, %sub3A_223, %broadcast_in_dim3A_363 : vector<16xi1>, vector<16xf32>
          %mul3A_365 = arith.constant 128 : i32
          %mul3A_366 = arith.muli %scan3A_124, %mul3A_365 : i32
          %add3A_367 = arith.constant 48 : i32
          %add3A_368 = arith.addi %mul3A_366, %add3A_367 : i32
          %swap3A_369 = arith.index_cast %add3A_368 : i32 to index
          %swap3A_370 = tpu.vector_load %arg9[%swap3A_369] {strides = array<i32>} : memref<3712xf32, #tpu.memory_space<vmem>>, vector<16xf32>,
          tpu.vector_store %arg9[%swap3A_369], %select_n3A_364 {strides = array<i32>} : memref<3712xf32, #tpu.memory_space<vmem>>, vector<16xf32>,
          %add3A_371 = arith.constant -1 : i32
          %add3A_372 = vector.broadcast %add3A_371 : i32 to vector<16xi32>
          %add3A_373 = arith.addi %sub3A_162, %add3A_372 : vector<16xi32>
          %ge3A_374 = arith.constant 0 : i32
          %ge3A_375 = vector.broadcast %ge3A_374 : i32 to vector<16xi32>
          %ge3A_376 = arith.cmpi sge, %add3A_373, %ge3A_375 : vector<16xi32>
          %lt3A_377 = arith.constant 345 : i32
          %lt3A_378 = vector.broadcast %lt3A_377 : i32 to vector<16xi32>
          %lt3A_379 = arith.cmpi slt, %add3A_373, %lt3A_378 : vector<16xi32>
          %and3A_380 = arith.andi %ge3A_376, %lt3A_379 : vector<16xi1>
          %lt3A_381 = arith.constant 0 : i32
          %lt3A_382 = vector.broadcast %lt3A_381 : i32 to vector<16xi32>
          %lt3A_383 = arith.cmpi slt, %add3A_373, %lt3A_382 : vector<16xi32>
          %ge3A_384 = arith.constant 345 : i32
          %ge3A_385 = vector.broadcast %ge3A_384 : i32 to vector<16xi32>
          %ge3A_386 = arith.cmpi sge, %add3A_373, %ge3A_385 : vector<16xi32>
          %jit3A_387 = arith.constant 344 : i32
          %broadcast_in_dim3A_388 = vector.broadcast %jit3A_387 : i32 to vector<16xi32>
          %select_n3A_389 = arith.select %ge3A_386, %broadcast_in_dim3A_388, %add3A_373 : vector<16xi1>, vector<16xi32>
          %jit3A_390 = arith.constant 0 : i32
          %broadcast_in_dim3A_391 = vector.broadcast %jit3A_390 : i32 to vector<16xi32>
          %select_n3A_392 = arith.select %lt3A_383, %broadcast_in_dim3A_391, %select_n3A_389 : vector<16xi1>, vector<16xi32>
          %jit3A_393 = arith.constant 0.000000e+00 : f32
          %broadcast_in_dim3A_394 = vector.broadcast %jit3A_393 : f32 to vector<16xf32>
          %select_n3A_395 = arith.select %and3A_380, %sub3A_240, %broadcast_in_dim3A_394 : vector<16xi1>, vector<16xf32>
          %mul3A_396 = arith.constant 128 : i32
          %mul3A_397 = arith.muli %scan3A_124, %mul3A_396 : i32
          %add3A_398 = arith.constant 64 : i32
          %add3A_399 = arith.addi %mul3A_397, %add3A_398 : i32
          %swap3A_400 = arith.index_cast %add3A_399 : i32 to index
          %swap3A_401 = tpu.vector_load %arg9[%swap3A_400] {strides = array<i32>} : memref<3712xf32, #tpu.memory_space<vmem>>, vector<16xf32>,
          tpu.vector_store %arg9[%swap3A_400], %select_n3A_395 {strides = array<i32>} : memref<3712xf32, #tpu.memory_space<vmem>>, vector<16xf32>,
          %add3A_402 = arith.addi %mul3A_296, %select_n3A_392 : vector<16xi32>
          %mul3A_403 = arith.constant 232 : i32
          %mul3A_404 = vector.broadcast %mul3A_403 : i32 to vector<16xi32>
          %mul3A_405 = arith.muli %add3A_402, %mul3A_404 : vector<16xi32>
          %add3A_406 = arith.addi %mul3A_405, %shift_right_arithmetic3A_291 : vector<16xi32>
          %mul3A_407 = arith.constant 128 : i32
          %mul3A_408 = arith.muli %scan3A_124, %mul3A_407 : i32
          %add3A_409 = arith.constant 0 : i32
          %add3A_410 = arith.addi %mul3A_408, %add3A_409 : i32
          %swap3A_411 = arith.index_cast %add3A_410 : i32 to index
          %swap3A_412 = tpu.vector_load %arg7[%swap3A_411] {strides = array<i32>} : memref<3712xi32, #tpu.memory_space<vmem>>, vector<16xi32>,
          tpu.vector_store %arg7[%swap3A_411], %add3A_406 {strides = array<i32>} : memref<3712xi32, #tpu.memory_space<vmem>>, vector<16xi32>,
          %add3A_413 = arith.constant 1 : i32
          %add3A_414 = vector.broadcast %add3A_413 : i32 to vector<16xi32>
          %add3A_415 = arith.addi %add3A_406, %add3A_414 : vector<16xi32>
          %mul3A_416 = arith.constant 128 : i32
          %mul3A_417 = arith.muli %scan3A_124, %mul3A_416 : i32
          %add3A_418 = arith.constant 0 : i32
          %add3A_419 = arith.addi %mul3A_417, %add3A_418 : i32
          %add3A_420 = arith.constant 16 : i32
          %add3A_421 = arith.addi %add3A_419, %add3A_420 : i32
          %swap3A_422 = arith.index_cast %add3A_421 : i32 to index
          %swap3A_423 = tpu.vector_load %arg7[%swap3A_422] {strides = array<i32>} : memref<3712xi32, #tpu.memory_space<vmem>>, vector<16xi32>,
          tpu.vector_store %arg7[%swap3A_422], %add3A_415 {strides = array<i32>} : memref<3712xi32, #tpu.memory_space<vmem>>, vector<16xi32>,
          %add3A_424 = arith.constant 0 : i32
          %add3A_425 = vector.broadcast %add3A_424 : i32 to vector<16xi32>
          %add3A_426 = arith.addi %sub3A_162, %add3A_425 : vector<16xi32>
          %ge3A_427 = arith.constant 0 : i32
          %ge3A_428 = vector.broadcast %ge3A_427 : i32 to vector<16xi32>
          %ge3A_429 = arith.cmpi sge, %add3A_426, %ge3A_428 : vector<16xi32>
          %lt3A_430 = arith.constant 345 : i32
          %lt3A_431 = vector.broadcast %lt3A_430 : i32 to vector<16xi32>
          %lt3A_432 = arith.cmpi slt, %add3A_426, %lt3A_431 : vector<16xi32>
          %and3A_433 = arith.andi %ge3A_429, %lt3A_432 : vector<16xi1>
          %lt3A_434 = arith.constant 0 : i32
          %lt3A_435 = vector.broadcast %lt3A_434 : i32 to vector<16xi32>
          %lt3A_436 = arith.cmpi slt, %add3A_426, %lt3A_435 : vector<16xi32>
          %ge3A_437 = arith.constant 345 : i32
          %ge3A_438 = vector.broadcast %ge3A_437 : i32 to vector<16xi32>
          %ge3A_439 = arith.cmpi sge, %add3A_426, %ge3A_438 : vector<16xi32>
          %jit3A_440 = arith.constant 344 : i32
          %broadcast_in_dim3A_441 = vector.broadcast %jit3A_440 : i32 to vector<16xi32>
          %select_n3A_442 = arith.select %ge3A_439, %broadcast_in_dim3A_441, %add3A_426 : vector<16xi1>, vector<16xi32>
          %jit3A_443 = arith.constant 0 : i32
          %broadcast_in_dim3A_444 = vector.broadcast %jit3A_443 : i32 to vector<16xi32>
          %select_n3A_445 = arith.select %lt3A_436, %broadcast_in_dim3A_444, %select_n3A_442 : vector<16xi1>, vector<16xi32>
          %jit3A_446 = arith.constant 0.000000e+00 : f32
          %broadcast_in_dim3A_447 = vector.broadcast %jit3A_446 : f32 to vector<16xf32>
          %select_n3A_448 = arith.select %and3A_433, %add3A_251, %broadcast_in_dim3A_447 : vector<16xi1>, vector<16xf32>
          %mul3A_449 = arith.constant 128 : i32
          %mul3A_450 = arith.muli %scan3A_124, %mul3A_449 : i32
          %add3A_451 = arith.constant 80 : i32
          %add3A_452 = arith.addi %mul3A_450, %add3A_451 : i32
          %swap3A_453 = arith.index_cast %add3A_452 : i32 to index
          %swap3A_454 = tpu.vector_load %arg9[%swap3A_453] {strides = array<i32>} : memref<3712xf32, #tpu.memory_space<vmem>>, vector<16xf32>,
          tpu.vector_store %arg9[%swap3A_453], %select_n3A_448 {strides = array<i32>} : memref<3712xf32, #tpu.memory_space<vmem>>, vector<16xf32>,
          %add3A_455 = arith.addi %mul3A_296, %select_n3A_445 : vector<16xi32>
          %mul3A_456 = arith.constant 232 : i32
          %mul3A_457 = vector.broadcast %mul3A_456 : i32 to vector<16xi32>
          %mul3A_458 = arith.muli %add3A_455, %mul3A_457 : vector<16xi32>
          %add3A_459 = arith.addi %mul3A_458, %shift_right_arithmetic3A_291 : vector<16xi32>
          %mul3A_460 = arith.constant 128 : i32
          %mul3A_461 = arith.muli %scan3A_124, %mul3A_460 : i32
          %add3A_462 = arith.constant 32 : i32
          %add3A_463 = arith.addi %mul3A_461, %add3A_462 : i32
          %swap3A_464 = arith.index_cast %add3A_463 : i32 to index
          %swap3A_465 = tpu.vector_load %arg7[%swap3A_464] {strides = array<i32>} : memref<3712xi32, #tpu.memory_space<vmem>>, vector<16xi32>,
          tpu.vector_store %arg7[%swap3A_464], %add3A_459 {strides = array<i32>} : memref<3712xi32, #tpu.memory_space<vmem>>, vector<16xi32>,
          %add3A_466 = arith.constant 1 : i32
          %add3A_467 = vector.broadcast %add3A_466 : i32 to vector<16xi32>
          %add3A_468 = arith.addi %add3A_459, %add3A_467 : vector<16xi32>
          %mul3A_469 = arith.constant 128 : i32
          %mul3A_470 = arith.muli %scan3A_124, %mul3A_469 : i32
          %add3A_471 = arith.constant 32 : i32
          %add3A_472 = arith.addi %mul3A_470, %add3A_471 : i32
          %add3A_473 = arith.constant 16 : i32
          %add3A_474 = arith.addi %add3A_472, %add3A_473 : i32
          %swap3A_475 = arith.index_cast %add3A_474 : i32 to index
          %swap3A_476 = tpu.vector_load %arg7[%swap3A_475] {strides = array<i32>} : memref<3712xi32, #tpu.memory_space<vmem>>, vector<16xi32>,
          tpu.vector_store %arg7[%swap3A_475], %add3A_468 {strides = array<i32>} : memref<3712xi32, #tpu.memory_space<vmem>>, vector<16xi32>,
          %add3A_477 = arith.constant 1 : i32
          %add3A_478 = vector.broadcast %add3A_477 : i32 to vector<16xi32>
          %add3A_479 = arith.addi %sub3A_162, %add3A_478 : vector<16xi32>
          %ge3A_480 = arith.constant 0 : i32
          %ge3A_481 = vector.broadcast %ge3A_480 : i32 to vector<16xi32>
          %ge3A_482 = arith.cmpi sge, %add3A_479, %ge3A_481 : vector<16xi32>
          %lt3A_483 = arith.constant 345 : i32
          %lt3A_484 = vector.broadcast %lt3A_483 : i32 to vector<16xi32>
          %lt3A_485 = arith.cmpi slt, %add3A_479, %lt3A_484 : vector<16xi32>
          %and3A_486 = arith.andi %ge3A_482, %lt3A_485 : vector<16xi1>
          %lt3A_487 = arith.constant 0 : i32
          %lt3A_488 = vector.broadcast %lt3A_487 : i32 to vector<16xi32>
          %lt3A_489 = arith.cmpi slt, %add3A_479, %lt3A_488 : vector<16xi32>
          %ge3A_490 = arith.constant 345 : i32
          %ge3A_491 = vector.broadcast %ge3A_490 : i32 to vector<16xi32>
          %ge3A_492 = arith.cmpi sge, %add3A_479, %ge3A_491 : vector<16xi32>
          %jit3A_493 = arith.constant 344 : i32
          %broadcast_in_dim3A_494 = vector.broadcast %jit3A_493 : i32 to vector<16xi32>
          %select_n3A_495 = arith.select %ge3A_492, %broadcast_in_dim3A_494, %add3A_479 : vector<16xi1>, vector<16xi32>
          %jit3A_496 = arith.constant 0 : i32
          %broadcast_in_dim3A_497 = vector.broadcast %jit3A_496 : i32 to vector<16xi32>
          %select_n3A_498 = arith.select %lt3A_489, %broadcast_in_dim3A_497, %select_n3A_495 : vector<16xi1>, vector<16xi32>
          %jit3A_499 = arith.constant 0.000000e+00 : f32
          %broadcast_in_dim3A_500 = vector.broadcast %jit3A_499 : f32 to vector<16xf32>
          %select_n3A_501 = arith.select %and3A_486, %add3A_265, %broadcast_in_dim3A_500 : vector<16xi1>, vector<16xf32>
          %mul3A_502 = arith.constant 128 : i32
          %mul3A_503 = arith.muli %scan3A_124, %mul3A_502 : i32
          %add3A_504 = arith.constant 96 : i32
          %add3A_505 = arith.addi %mul3A_503, %add3A_504 : i32
          %swap3A_506 = arith.index_cast %add3A_505 : i32 to index
          %swap3A_507 = tpu.vector_load %arg9[%swap3A_506] {strides = array<i32>} : memref<3712xf32, #tpu.memory_space<vmem>>, vector<16xf32>,
          tpu.vector_store %arg9[%swap3A_506], %select_n3A_501 {strides = array<i32>} : memref<3712xf32, #tpu.memory_space<vmem>>, vector<16xf32>,
          %add3A_508 = arith.addi %mul3A_296, %select_n3A_498 : vector<16xi32>
          %mul3A_509 = arith.constant 232 : i32
          %mul3A_510 = vector.broadcast %mul3A_509 : i32 to vector<16xi32>
          %mul3A_511 = arith.muli %add3A_508, %mul3A_510 : vector<16xi32>
          %add3A_512 = arith.addi %mul3A_511, %shift_right_arithmetic3A_291 : vector<16xi32>
          %mul3A_513 = arith.constant 128 : i32
          %mul3A_514 = arith.muli %scan3A_124, %mul3A_513 : i32
          %add3A_515 = arith.constant 64 : i32
          %add3A_516 = arith.addi %mul3A_514, %add3A_515 : i32
          %swap3A_517 = arith.index_cast %add3A_516 : i32 to index
          %swap3A_518 = tpu.vector_load %arg7[%swap3A_517] {strides = array<i32>} : memref<3712xi32, #tpu.memory_space<vmem>>, vector<16xi32>,
          tpu.vector_store %arg7[%swap3A_517], %add3A_512 {strides = array<i32>} : memref<3712xi32, #tpu.memory_space<vmem>>, vector<16xi32>,
          %add3A_519 = arith.constant 1 : i32
          %add3A_520 = vector.broadcast %add3A_519 : i32 to vector<16xi32>
          %add3A_521 = arith.addi %add3A_512, %add3A_520 : vector<16xi32>
          %mul3A_522 = arith.constant 128 : i32
          %mul3A_523 = arith.muli %scan3A_124, %mul3A_522 : i32
          %add3A_524 = arith.constant 64 : i32
          %add3A_525 = arith.addi %mul3A_523, %add3A_524 : i32
          %add3A_526 = arith.constant 16 : i32
          %add3A_527 = arith.addi %add3A_525, %add3A_526 : i32
          %swap3A_528 = arith.index_cast %add3A_527 : i32 to index
          %swap3A_529 = tpu.vector_load %arg7[%swap3A_528] {strides = array<i32>} : memref<3712xi32, #tpu.memory_space<vmem>>, vector<16xi32>,
          tpu.vector_store %arg7[%swap3A_528], %add3A_521 {strides = array<i32>} : memref<3712xi32, #tpu.memory_space<vmem>>, vector<16xi32>,
          %add3A_530 = arith.constant 2 : i32
          %add3A_531 = vector.broadcast %add3A_530 : i32 to vector<16xi32>
          %add3A_532 = arith.addi %sub3A_162, %add3A_531 : vector<16xi32>
          %ge3A_533 = arith.constant 0 : i32
          %ge3A_534 = vector.broadcast %ge3A_533 : i32 to vector<16xi32>
          %ge3A_535 = arith.cmpi sge, %add3A_532, %ge3A_534 : vector<16xi32>
          %lt3A_536 = arith.constant 345 : i32
          %lt3A_537 = vector.broadcast %lt3A_536 : i32 to vector<16xi32>
          %lt3A_538 = arith.cmpi slt, %add3A_532, %lt3A_537 : vector<16xi32>
          %and3A_539 = arith.andi %ge3A_535, %lt3A_538 : vector<16xi1>
          %lt3A_540 = arith.constant 0 : i32
          %lt3A_541 = vector.broadcast %lt3A_540 : i32 to vector<16xi32>
          %lt3A_542 = arith.cmpi slt, %add3A_532, %lt3A_541 : vector<16xi32>
          %ge3A_543 = arith.constant 345 : i32
          %ge3A_544 = vector.broadcast %ge3A_543 : i32 to vector<16xi32>
          %ge3A_545 = arith.cmpi sge, %add3A_532, %ge3A_544 : vector<16xi32>
          %jit3A_546 = arith.constant 344 : i32
          %broadcast_in_dim3A_547 = vector.broadcast %jit3A_546 : i32 to vector<16xi32>
          %select_n3A_548 = arith.select %ge3A_545, %broadcast_in_dim3A_547, %add3A_532 : vector<16xi1>, vector<16xi32>
          %jit3A_549 = arith.constant 0 : i32
          %broadcast_in_dim3A_550 = vector.broadcast %jit3A_549 : i32 to vector<16xi32>
          %select_n3A_551 = arith.select %lt3A_542, %broadcast_in_dim3A_550, %select_n3A_548 : vector<16xi1>, vector<16xi32>
          %jit3A_552 = arith.constant 0.000000e+00 : f32
          %broadcast_in_dim3A_553 = vector.broadcast %jit3A_552 : f32 to vector<16xf32>
          %select_n3A_554 = arith.select %and3A_539, %sub3A_282, %broadcast_in_dim3A_553 : vector<16xi1>, vector<16xf32>
          %mul3A_555 = arith.constant 128 : i32
          %mul3A_556 = arith.muli %scan3A_124, %mul3A_555 : i32
          %add3A_557 = arith.constant 112 : i32
          %add3A_558 = arith.addi %mul3A_556, %add3A_557 : i32
          %swap3A_559 = arith.index_cast %add3A_558 : i32 to index
          %swap3A_560 = tpu.vector_load %arg9[%swap3A_559] {strides = array<i32>} : memref<3712xf32, #tpu.memory_space<vmem>>, vector<16xf32>,
          tpu.vector_store %arg9[%swap3A_559], %select_n3A_554 {strides = array<i32>} : memref<3712xf32, #tpu.memory_space<vmem>>, vector<16xf32>,
          %add3A_561 = arith.addi %mul3A_296, %select_n3A_551 : vector<16xi32>
          %mul3A_562 = arith.constant 232 : i32
          %mul3A_563 = vector.broadcast %mul3A_562 : i32 to vector<16xi32>
          %mul3A_564 = arith.muli %add3A_561, %mul3A_563 : vector<16xi32>
          %add3A_565 = arith.addi %mul3A_564, %shift_right_arithmetic3A_291 : vector<16xi32>
          %mul3A_566 = arith.constant 128 : i32
          %mul3A_567 = arith.muli %scan3A_124, %mul3A_566 : i32
          %add3A_568 = arith.constant 96 : i32
          %add3A_569 = arith.addi %mul3A_567, %add3A_568 : i32
          %swap3A_570 = arith.index_cast %add3A_569 : i32 to index
          %swap3A_571 = tpu.vector_load %arg7[%swap3A_570] {strides = array<i32>} : memref<3712xi32, #tpu.memory_space<vmem>>, vector<16xi32>,
          tpu.vector_store %arg7[%swap3A_570], %add3A_565 {strides = array<i32>} : memref<3712xi32, #tpu.memory_space<vmem>>, vector<16xi32>,
          %add3A_572 = arith.constant 1 : i32
          %add3A_573 = vector.broadcast %add3A_572 : i32 to vector<16xi32>
          %add3A_574 = arith.addi %add3A_565, %add3A_573 : vector<16xi32>
          %mul3A_575 = arith.constant 128 : i32
          %mul3A_576 = arith.muli %scan3A_124, %mul3A_575 : i32
          %add3A_577 = arith.constant 96 : i32
          %add3A_578 = arith.addi %mul3A_576, %add3A_577 : i32
          %add3A_579 = arith.constant 16 : i32
          %add3A_580 = arith.addi %add3A_578, %add3A_579 : i32
          %swap3A_581 = arith.index_cast %add3A_580 : i32 to index
          %swap3A_582 = tpu.vector_load %arg7[%swap3A_581] {strides = array<i32>} : memref<3712xi32, #tpu.memory_space<vmem>>, vector<16xi32>,
          tpu.vector_store %arg7[%swap3A_581], %add3A_574 {strides = array<i32>} : memref<3712xi32, #tpu.memory_space<vmem>>, vector<16xi32>,
          %scan3A_583 = arith.constant 0 : i32
          scf.yield %scan3A_583 : i32
        }
        %scan3A_56 = arith.constant 15 : i32
        %dma_start3A_57 = arith.constant 0 : i32
        %dma_start3A_58 = arith.constant 0 : i32
        %dma_start3A_59 = tpu.memref_slice %arg8[%dma_start3A_57, %dma_start3A_58] : memref<3712x8xf32, #tpu.memory_space<vmem>> -> memref<1920x8xf32, #tpu.memory_space<vmem>>
        %dma_start3A_60 = arith.constant 0 : i32
        %dma_start3A_61 = tpu.memref_slice %arg7[%dma_start3A_60] : memref<3712xi32, #tpu.memory_space<vmem>> -> memref<1920xi32, #tpu.memory_space<vmem>>
        %dma_start3A_62 = arith.constant 0 : i32
        %dma_start3A_63 = arith.constant 0 : i32
        %dma_start3A_64 = tpu.memref_slice %arg5[%dma_start3A_62, %dma_start3A_63] : memref<160080x8xf32, #tpu.memory_space<vmem_shared>> -> memref<160080x8xf32, #tpu.memory_space<vmem_shared>>
        tpu.enqueue_indirect_dma source(%dma_start3A_64 : memref<160080x8xf32, #tpu.memory_space<vmem_shared>>) target(%dma_start3A_59 : memref<1920x8xf32, #tpu.memory_space<vmem>>) offsets(%dma_start3A_61 : memref<1920xi32, #tpu.memory_space<vmem>>) semaphore(%arg11 : memref<!tpu.dma_semaphore, #tpu.memory_space<semaphore_mem>>)
        %scan3A_65 = arith.constant 0 : i32
        %scan3A_66 = arith.constant 15 : i32
        %scan3A_67 = arith.constant 14 : i32
        %scan3A_68 = arith.addi %scan3A_66, %scan3A_67 : i32
        %scan3A_69 = arith.constant 1 : i32
        %scan3A_70 = scf.for %scan3A_124 = %scan3A_66 to %scan3A_68 step %scan3A_69 iter_args(%scan3A_125 = %scan3A_65) -> (i32)  : i32 {
          %mul3A_126 = arith.constant 16 : i32
          %mul3A_127 = arith.muli %scan3A_124, %mul3A_126 : i32
          %get3A = arith.constant 0 : i32
          %get3A_128 = arith.index_cast %get3A : i32 to index
          %get3A_129 = arith.index_cast %mul3A_127 : i32 to index
          %get3A_130 = tpu.vector_load %arg6[%get3A_128, %get3A_129] {strides = array<i32>} : memref<2x464xf32, #tpu.memory_space<vmem>>, vector<16xf32>,
          %mul3A_131 = arith.constant 16 : i32
          %mul3A_132 = arith.muli %scan3A_124, %mul3A_131 : i32
          %get3A_133 = arith.constant 1 : i32
          %get3A_134 = arith.index_cast %get3A_133 : i32 to index
          %get3A_135 = arith.index_cast %mul3A_132 : i32 to index
          %get3A_136 = tpu.vector_load %arg6[%get3A_134, %get3A_135] {strides = array<i32>} : memref<2x464xf32, #tpu.memory_space<vmem>>, vector<16xf32>,
          %convert_element_type3A_137 = arith.fptosi %get3A_130 : vector<16xf32> to vector<16xi32>
          %convert_element_type3A_138 = arith.sitofp %convert_element_type3A_137 : vector<16xi32> to vector<16xf32>
          %gt3A = arith.cmpf ogt, %convert_element_type3A_138, %get3A_130 : vector<16xf32>
          %jit3A = arith.constant 1.000000e+00 : f32
          %jit3A_139 = arith.constant 0.000000e+00 : f32
          %broadcast_in_dim3A_140 = vector.broadcast %jit3A : f32 to vector<16xf32>
          %broadcast_in_dim3A_141 = vector.broadcast %jit3A_139 : f32 to vector<16xf32>
          %select_n3A = arith.select %gt3A, %broadcast_in_dim3A_140, %broadcast_in_dim3A_141 : vector<16xi1>, vector<16xf32>
          %sub3A = arith.subf %convert_element_type3A_138, %select_n3A : vector<16xf32>
          %jit3A_142 = arith.constant 1 : i32
          %jit3A_143 = arith.constant 0 : i32
          %broadcast_in_dim3A_144 = vector.broadcast %jit3A_142 : i32 to vector<16xi32>
          %broadcast_in_dim3A_145 = vector.broadcast %jit3A_143 : i32 to vector<16xi32>
          %select_n3A_146 = arith.select %gt3A, %broadcast_in_dim3A_144, %broadcast_in_dim3A_145 : vector<16xi1>, vector<16xi32>
          %sub3A_147 = arith.subi %convert_element_type3A_137, %select_n3A_146 : vector<16xi32>
          %convert_element_type3A_148 = arith.fptosi %get3A_136 : vector<16xf32> to vector<16xi32>
          %convert_element_type3A_149 = arith.sitofp %convert_element_type3A_148 : vector<16xi32> to vector<16xf32>
          %gt3A_150 = arith.cmpf ogt, %convert_element_type3A_149, %get3A_136 : vector<16xf32>
          %jit3A_151 = arith.constant 1.000000e+00 : f32
          %jit3A_152 = arith.constant 0.000000e+00 : f32
          %broadcast_in_dim3A_153 = vector.broadcast %jit3A_151 : f32 to vector<16xf32>
          %broadcast_in_dim3A_154 = vector.broadcast %jit3A_152 : f32 to vector<16xf32>
          %select_n3A_155 = arith.select %gt3A_150, %broadcast_in_dim3A_153, %broadcast_in_dim3A_154 : vector<16xi1>, vector<16xf32>
          %sub3A_156 = arith.subf %convert_element_type3A_149, %select_n3A_155 : vector<16xf32>
          %jit3A_157 = arith.constant 1 : i32
          %jit3A_158 = arith.constant 0 : i32
          %broadcast_in_dim3A_159 = vector.broadcast %jit3A_157 : i32 to vector<16xi32>
          %broadcast_in_dim3A_160 = vector.broadcast %jit3A_158 : i32 to vector<16xi32>
          %select_n3A_161 = arith.select %gt3A_150, %broadcast_in_dim3A_159, %broadcast_in_dim3A_160 : vector<16xi1>, vector<16xi32>
          %sub3A_162 = arith.subi %convert_element_type3A_148, %select_n3A_161 : vector<16xi32>
          %sub3A_163 = arith.subf %get3A_130, %sub3A : vector<16xf32>
          %sub3A_164 = arith.subf %get3A_136, %sub3A_156 : vector<16xf32>
          %add3A_165 = arith.constant 1.000000e+00 : f32
          %add3A_166 = vector.broadcast %add3A_165 : f32 to vector<16xf32>
          %add3A_167 = arith.addf %sub3A_163, %add3A_166 : vector<16xf32>
          %mul3A_168 = arith.constant -7.500000e-01 : f32
          %mul3A_169 = vector.broadcast %mul3A_168 : f32 to vector<16xf32>
          %mul3A_170 = arith.mulf %mul3A_169, %add3A_167 : vector<16xf32>
          %sub3A_171 = arith.constant -3.750000e+00 : f32
          %sub3A_172 = vector.broadcast %sub3A_171 : f32 to vector<16xf32>
          %sub3A_173 = arith.subf %mul3A_170, %sub3A_172 : vector<16xf32>
          %mul3A_174 = arith.mulf %sub3A_173, %add3A_167 : vector<16xf32>
          %add3A_175 = arith.constant -6.000000e+00 : f32
          %add3A_176 = vector.broadcast %add3A_175 : f32 to vector<16xf32>
          %add3A_177 = arith.addf %mul3A_174, %add3A_176 : vector<16xf32>
          %mul3A_178 = arith.mulf %add3A_177, %add3A_167 : vector<16xf32>
          %sub3A_179 = arith.constant -3.000000e+00 : f32
          %sub3A_180 = vector.broadcast %sub3A_179 : f32 to vector<16xf32>
          %sub3A_181 = arith.subf %mul3A_178, %sub3A_180 : vector<16xf32>
          %mul3A_182 = arith.constant 1.250000e+00 : f32
          %mul3A_183 = vector.broadcast %mul3A_182 : f32 to vector<16xf32>
          %mul3A_184 = arith.mulf %mul3A_183, %sub3A_163 : vector<16xf32>
          %sub3A_185 = arith.constant 2.250000e+00 : f32
          %sub3A_186 = vector.broadcast %sub3A_185 : f32 to vector<16xf32>
          %sub3A_187 = arith.subf %mul3A_184, %sub3A_186 : vector<16xf32>
          %mul3A_188 = arith.mulf %sub3A_187, %sub3A_163 : vector<16xf32>
          %mul3A_189 = arith.mulf %mul3A_188, %sub3A_163 : vector<16xf32>
          %add3A_190 = arith.constant 1.000000e+00 : f32
          %add3A_191 = vector.broadcast %add3A_190 : f32 to vector<16xf32>
          %add3A_192 = arith.addf %mul3A_189, %add3A_191 : vector<16xf32>
          %sub3A_193 = arith.constant 1.000000e+00 : f32
          %sub3A_194 = vector.broadcast %sub3A_193 : f32 to vector<16xf32>
          %sub3A_195 = arith.subf %sub3A_194, %sub3A_163 : vector<16xf32>
          %mul3A_196 = arith.constant 1.250000e+00 : f32
          %mul3A_197 = vector.broadcast %mul3A_196 : f32 to vector<16xf32>
          %mul3A_198 = arith.mulf %mul3A_197, %sub3A_195 : vector<16xf32>
          %sub3A_199 = arith.constant 2.250000e+00 : f32
          %sub3A_200 = vector.broadcast %sub3A_199 : f32 to vector<16xf32>
          %sub3A_201 = arith.subf %mul3A_198, %sub3A_200 : vector<16xf32>
          %mul3A_202 = arith.mulf %sub3A_201, %sub3A_195 : vector<16xf32>
          %mul3A_203 = arith.mulf %mul3A_202, %sub3A_195 : vector<16xf32>
          %add3A_204 = arith.constant 1.000000e+00 : f32
          %add3A_205 = vector.broadcast %add3A_204 : f32 to vector<16xf32>
          %add3A_206 = arith.addf %mul3A_203, %add3A_205 : vector<16xf32>
          %sub3A_207 = arith.constant 2.000000e+00 : f32
          %sub3A_208 = vector.broadcast %sub3A_207 : f32 to vector<16xf32>
          %sub3A_209 = arith.subf %sub3A_208, %sub3A_163 : vector<16xf32>
          %mul3A_210 = arith.constant -7.500000e-01 : f32
          %mul3A_211 = vector.broadcast %mul3A_210 : f32 to vector<16xf32>
          %mul3A_212 = arith.mulf %mul3A_211, %sub3A_209 : vector<16xf32>
          %sub3A_213 = arith.constant -3.750000e+00 : f32
          %sub3A_214 = vector.broadcast %sub3A_213 : f32 to vector<16xf32>
          %sub3A_215 = arith.subf %mul3A_212, %sub3A_214 : vector<16xf32>
          %mul3A_216 = arith.mulf %sub3A_215, %sub3A_209 : vector<16xf32>
          %add3A_217 = arith.constant -6.000000e+00 : f32
          %add3A_218 = vector.broadcast %add3A_217 : f32 to vector<16xf32>
          %add3A_219 = arith.addf %mul3A_216, %add3A_218 : vector<16xf32>
          %mul3A_220 = arith.mulf %add3A_219, %sub3A_209 : vector<16xf32>
          %sub3A_221 = arith.constant -3.000000e+00 : f32
          %sub3A_222 = vector.broadcast %sub3A_221 : f32 to vector<16xf32>
          %sub3A_223 = arith.subf %mul3A_220, %sub3A_222 : vector<16xf32>
          %add3A_224 = arith.constant 1.000000e+00 : f32
          %add3A_225 = vector.broadcast %add3A_224 : f32 to vector<16xf32>
          %add3A_226 = arith.addf %sub3A_164, %add3A_225 : vector<16xf32>
          %mul3A_227 = arith.constant -7.500000e-01 : f32
          %mul3A_228 = vector.broadcast %mul3A_227 : f32 to vector<16xf32>
          %mul3A_229 = arith.mulf %mul3A_228, %add3A_226 : vector<16xf32>
          %sub3A_230 = arith.constant -3.750000e+00 : f32
          %sub3A_231 = vector.broadcast %sub3A_230 : f32 to vector<16xf32>
          %sub3A_232 = arith.subf %mul3A_229, %sub3A_231 : vector<16xf32>
          %mul3A_233 = arith.mulf %sub3A_232, %add3A_226 : vector<16xf32>
          %add3A_234 = arith.constant -6.000000e+00 : f32
          %add3A_235 = vector.broadcast %add3A_234 : f32 to vector<16xf32>
          %add3A_236 = arith.addf %mul3A_233, %add3A_235 : vector<16xf32>
          %mul3A_237 = arith.mulf %add3A_236, %add3A_226 : vector<16xf32>
          %sub3A_238 = arith.constant -3.000000e+00 : f32
          %sub3A_239 = vector.broadcast %sub3A_238 : f32 to vector<16xf32>
          %sub3A_240 = arith.subf %mul3A_237, %sub3A_239 : vector<16xf32>
          %mul3A_241 = arith.constant 1.250000e+00 : f32
          %mul3A_242 = vector.broadcast %mul3A_241 : f32 to vector<16xf32>
          %mul3A_243 = arith.mulf %mul3A_242, %sub3A_164 : vector<16xf32>
          %sub3A_244 = arith.constant 2.250000e+00 : f32
          %sub3A_245 = vector.broadcast %sub3A_244 : f32 to vector<16xf32>
          %sub3A_246 = arith.subf %mul3A_243, %sub3A_245 : vector<16xf32>
          %mul3A_247 = arith.mulf %sub3A_246, %sub3A_164 : vector<16xf32>
          %mul3A_248 = arith.mulf %mul3A_247, %sub3A_164 : vector<16xf32>
          %add3A_249 = arith.constant 1.000000e+00 : f32
          %add3A_250 = vector.broadcast %add3A_249 : f32 to vector<16xf32>
          %add3A_251 = arith.addf %mul3A_248, %add3A_250 : vector<16xf32>
          %sub3A_252 = arith.constant 1.000000e+00 : f32
          %sub3A_253 = vector.broadcast %sub3A_252 : f32 to vector<16xf32>
          %sub3A_254 = arith.subf %sub3A_253, %sub3A_164 : vector<16xf32>
          %mul3A_255 = arith.constant 1.250000e+00 : f32
          %mul3A_256 = vector.broadcast %mul3A_255 : f32 to vector<16xf32>
          %mul3A_257 = arith.mulf %mul3A_256, %sub3A_254 : vector<16xf32>
          %sub3A_258 = arith.constant 2.250000e+00 : f32
          %sub3A_259 = vector.broadcast %sub3A_258 : f32 to vector<16xf32>
          %sub3A_260 = arith.subf %mul3A_257, %sub3A_259 : vector<16xf32>
          %mul3A_261 = arith.mulf %sub3A_260, %sub3A_254 : vector<16xf32>
          %mul3A_262 = arith.mulf %mul3A_261, %sub3A_254 : vector<16xf32>
          %add3A_263 = arith.constant 1.000000e+00 : f32
          %add3A_264 = vector.broadcast %add3A_263 : f32 to vector<16xf32>
          %add3A_265 = arith.addf %mul3A_262, %add3A_264 : vector<16xf32>
          %sub3A_266 = arith.constant 2.000000e+00 : f32
          %sub3A_267 = vector.broadcast %sub3A_266 : f32 to vector<16xf32>
          %sub3A_268 = arith.subf %sub3A_267, %sub3A_164 : vector<16xf32>
          %mul3A_269 = arith.constant -7.500000e-01 : f32
          %mul3A_270 = vector.broadcast %mul3A_269 : f32 to vector<16xf32>
          %mul3A_271 = arith.mulf %mul3A_270, %sub3A_268 : vector<16xf32>
          %sub3A_272 = arith.constant -3.750000e+00 : f32
          %sub3A_273 = vector.broadcast %sub3A_272 : f32 to vector<16xf32>
          %sub3A_274 = arith.subf %mul3A_271, %sub3A_273 : vector<16xf32>
          %mul3A_275 = arith.mulf %sub3A_274, %sub3A_268 : vector<16xf32>
          %add3A_276 = arith.constant -6.000000e+00 : f32
          %add3A_277 = vector.broadcast %add3A_276 : f32 to vector<16xf32>
          %add3A_278 = arith.addf %mul3A_275, %add3A_277 : vector<16xf32>
          %mul3A_279 = arith.mulf %add3A_278, %sub3A_268 : vector<16xf32>
          %sub3A_280 = arith.constant -3.000000e+00 : f32
          %sub3A_281 = vector.broadcast %sub3A_280 : f32 to vector<16xf32>
          %sub3A_282 = arith.subf %mul3A_279, %sub3A_281 : vector<16xf32>
          %add3A_283 = arith.constant 2 : i32
          %add3A_284 = vector.broadcast %add3A_283 : i32 to vector<16xi32>
          %add3A_285 = arith.addi %sub3A_147, %add3A_284 : vector<16xi32>
          %jit3A_286 = arith.constant 0 : i32
          %jit3A_287 = arith.constant 458 : i32
          %max3A = vector.broadcast %jit3A_286 : i32 to vector<16xi32>
          %max3A_288 = arith.maxsi %max3A, %add3A_285 : vector<16xi32>
          %min3A = vector.broadcast %jit3A_287 : i32 to vector<16xi32>
          %min3A_289 = arith.minsi %min3A, %max3A_288 : vector<16xi32>
          %shift_right_arithmetic3A = arith.constant 1 : i32
          %shift_right_arithmetic3A_290 = vector.broadcast %shift_right_arithmetic3A : i32 to vector<16xi32>
          %shift_right_arithmetic3A_291 = arith.shrsi %min3A_289, %shift_right_arithmetic3A_290 : vector<16xi32>
          %and3A = arith.constant 1 : i32
          %and3A_292 = vector.broadcast %and3A : i32 to vector<16xi32>
          %and3A_293 = arith.andi %min3A_289, %and3A_292 : vector<16xi32>
          %mul3A_294 = arith.constant 345 : i32
          %mul3A_295 = vector.broadcast %mul3A_294 : i32 to vector<16xi32>
          %mul3A_296 = arith.muli %and3A_293, %mul3A_295 : vector<16xi32>
          %add3A_297 = arith.constant -1 : i32
          %add3A_298 = vector.broadcast %add3A_297 : i32 to vector<16xi32>
          %add3A_299 = arith.addi %sub3A_147, %add3A_298 : vector<16xi32>
          %ge3A = arith.constant 0 : i32
          %ge3A_300 = vector.broadcast %ge3A : i32 to vector<16xi32>
          %ge3A_301 = arith.cmpi sge, %add3A_299, %ge3A_300 : vector<16xi32>
          %lt3A_302 = arith.constant 456 : i32
          %lt3A_303 = vector.broadcast %lt3A_302 : i32 to vector<16xi32>
          %lt3A_304 = arith.cmpi slt, %add3A_299, %lt3A_303 : vector<16xi32>
          %and3A_305 = arith.andi %ge3A_301, %lt3A_304 : vector<16xi1>
          %jit3A_306 = arith.constant 0.000000e+00 : f32
          %broadcast_in_dim3A_307 = vector.broadcast %jit3A_306 : f32 to vector<16xf32>
          %select_n3A_308 = arith.select %and3A_305, %sub3A_181, %broadcast_in_dim3A_307 : vector<16xi1>, vector<16xf32>
          %mul3A_309 = arith.constant 128 : i32
          %mul3A_310 = arith.muli %scan3A_124, %mul3A_309 : i32
          %add3A_311 = arith.constant 0 : i32
          %add3A_312 = arith.addi %mul3A_310, %add3A_311 : i32
          %swap3A = arith.index_cast %add3A_312 : i32 to index
          %swap3A_313 = tpu.vector_load %arg9[%swap3A] {strides = array<i32>} : memref<3712xf32, #tpu.memory_space<vmem>>, vector<16xf32>,
          tpu.vector_store %arg9[%swap3A], %select_n3A_308 {strides = array<i32>} : memref<3712xf32, #tpu.memory_space<vmem>>, vector<16xf32>,
          %add3A_314 = arith.constant 0 : i32
          %add3A_315 = vector.broadcast %add3A_314 : i32 to vector<16xi32>
          %add3A_316 = arith.addi %sub3A_147, %add3A_315 : vector<16xi32>
          %ge3A_317 = arith.constant 0 : i32
          %ge3A_318 = vector.broadcast %ge3A_317 : i32 to vector<16xi32>
          %ge3A_319 = arith.cmpi sge, %add3A_316, %ge3A_318 : vector<16xi32>
          %lt3A_320 = arith.constant 456 : i32
          %lt3A_321 = vector.broadcast %lt3A_320 : i32 to vector<16xi32>
          %lt3A_322 = arith.cmpi slt, %add3A_316, %lt3A_321 : vector<16xi32>
          %and3A_323 = arith.andi %ge3A_319, %lt3A_322 : vector<16xi1>
          %jit3A_324 = arith.constant 0.000000e+00 : f32
          %broadcast_in_dim3A_325 = vector.broadcast %jit3A_324 : f32 to vector<16xf32>
          %select_n3A_326 = arith.select %and3A_323, %add3A_192, %broadcast_in_dim3A_325 : vector<16xi1>, vector<16xf32>
          %mul3A_327 = arith.constant 128 : i32
          %mul3A_328 = arith.muli %scan3A_124, %mul3A_327 : i32
          %add3A_329 = arith.constant 16 : i32
          %add3A_330 = arith.addi %mul3A_328, %add3A_329 : i32
          %swap3A_331 = arith.index_cast %add3A_330 : i32 to index
          %swap3A_332 = tpu.vector_load %arg9[%swap3A_331] {strides = array<i32>} : memref<3712xf32, #tpu.memory_space<vmem>>, vector<16xf32>,
          tpu.vector_store %arg9[%swap3A_331], %select_n3A_326 {strides = array<i32>} : memref<3712xf32, #tpu.memory_space<vmem>>, vector<16xf32>,
          %add3A_333 = arith.constant 1 : i32
          %add3A_334 = vector.broadcast %add3A_333 : i32 to vector<16xi32>
          %add3A_335 = arith.addi %sub3A_147, %add3A_334 : vector<16xi32>
          %ge3A_336 = arith.constant 0 : i32
          %ge3A_337 = vector.broadcast %ge3A_336 : i32 to vector<16xi32>
          %ge3A_338 = arith.cmpi sge, %add3A_335, %ge3A_337 : vector<16xi32>
          %lt3A_339 = arith.constant 456 : i32
          %lt3A_340 = vector.broadcast %lt3A_339 : i32 to vector<16xi32>
          %lt3A_341 = arith.cmpi slt, %add3A_335, %lt3A_340 : vector<16xi32>
          %and3A_342 = arith.andi %ge3A_338, %lt3A_341 : vector<16xi1>
          %jit3A_343 = arith.constant 0.000000e+00 : f32
          %broadcast_in_dim3A_344 = vector.broadcast %jit3A_343 : f32 to vector<16xf32>
          %select_n3A_345 = arith.select %and3A_342, %add3A_206, %broadcast_in_dim3A_344 : vector<16xi1>, vector<16xf32>
          %mul3A_346 = arith.constant 128 : i32
          %mul3A_347 = arith.muli %scan3A_124, %mul3A_346 : i32
          %add3A_348 = arith.constant 32 : i32
          %add3A_349 = arith.addi %mul3A_347, %add3A_348 : i32
          %swap3A_350 = arith.index_cast %add3A_349 : i32 to index
          %swap3A_351 = tpu.vector_load %arg9[%swap3A_350] {strides = array<i32>} : memref<3712xf32, #tpu.memory_space<vmem>>, vector<16xf32>,
          tpu.vector_store %arg9[%swap3A_350], %select_n3A_345 {strides = array<i32>} : memref<3712xf32, #tpu.memory_space<vmem>>, vector<16xf32>,
          %add3A_352 = arith.constant 2 : i32
          %add3A_353 = vector.broadcast %add3A_352 : i32 to vector<16xi32>
          %add3A_354 = arith.addi %sub3A_147, %add3A_353 : vector<16xi32>
          %ge3A_355 = arith.constant 0 : i32
          %ge3A_356 = vector.broadcast %ge3A_355 : i32 to vector<16xi32>
          %ge3A_357 = arith.cmpi sge, %add3A_354, %ge3A_356 : vector<16xi32>
          %lt3A_358 = arith.constant 456 : i32
          %lt3A_359 = vector.broadcast %lt3A_358 : i32 to vector<16xi32>
          %lt3A_360 = arith.cmpi slt, %add3A_354, %lt3A_359 : vector<16xi32>
          %and3A_361 = arith.andi %ge3A_357, %lt3A_360 : vector<16xi1>
          %jit3A_362 = arith.constant 0.000000e+00 : f32
          %broadcast_in_dim3A_363 = vector.broadcast %jit3A_362 : f32 to vector<16xf32>
          %select_n3A_364 = arith.select %and3A_361, %sub3A_223, %broadcast_in_dim3A_363 : vector<16xi1>, vector<16xf32>
          %mul3A_365 = arith.constant 128 : i32
          %mul3A_366 = arith.muli %scan3A_124, %mul3A_365 : i32
          %add3A_367 = arith.constant 48 : i32
          %add3A_368 = arith.addi %mul3A_366, %add3A_367 : i32
          %swap3A_369 = arith.index_cast %add3A_368 : i32 to index
          %swap3A_370 = tpu.vector_load %arg9[%swap3A_369] {strides = array<i32>} : memref<3712xf32, #tpu.memory_space<vmem>>, vector<16xf32>,
          tpu.vector_store %arg9[%swap3A_369], %select_n3A_364 {strides = array<i32>} : memref<3712xf32, #tpu.memory_space<vmem>>, vector<16xf32>,
          %add3A_371 = arith.constant -1 : i32
          %add3A_372 = vector.broadcast %add3A_371 : i32 to vector<16xi32>
          %add3A_373 = arith.addi %sub3A_162, %add3A_372 : vector<16xi32>
          %ge3A_374 = arith.constant 0 : i32
          %ge3A_375 = vector.broadcast %ge3A_374 : i32 to vector<16xi32>
          %ge3A_376 = arith.cmpi sge, %add3A_373, %ge3A_375 : vector<16xi32>
          %lt3A_377 = arith.constant 345 : i32
          %lt3A_378 = vector.broadcast %lt3A_377 : i32 to vector<16xi32>
          %lt3A_379 = arith.cmpi slt, %add3A_373, %lt3A_378 : vector<16xi32>
          %and3A_380 = arith.andi %ge3A_376, %lt3A_379 : vector<16xi1>
          %lt3A_381 = arith.constant 0 : i32
          %lt3A_382 = vector.broadcast %lt3A_381 : i32 to vector<16xi32>
          %lt3A_383 = arith.cmpi slt, %add3A_373, %lt3A_382 : vector<16xi32>
          %ge3A_384 = arith.constant 345 : i32
          %ge3A_385 = vector.broadcast %ge3A_384 : i32 to vector<16xi32>
          %ge3A_386 = arith.cmpi sge, %add3A_373, %ge3A_385 : vector<16xi32>
          %jit3A_387 = arith.constant 344 : i32
          %broadcast_in_dim3A_388 = vector.broadcast %jit3A_387 : i32 to vector<16xi32>
          %select_n3A_389 = arith.select %ge3A_386, %broadcast_in_dim3A_388, %add3A_373 : vector<16xi1>, vector<16xi32>
          %jit3A_390 = arith.constant 0 : i32
          %broadcast_in_dim3A_391 = vector.broadcast %jit3A_390 : i32 to vector<16xi32>
          %select_n3A_392 = arith.select %lt3A_383, %broadcast_in_dim3A_391, %select_n3A_389 : vector<16xi1>, vector<16xi32>
          %jit3A_393 = arith.constant 0.000000e+00 : f32
          %broadcast_in_dim3A_394 = vector.broadcast %jit3A_393 : f32 to vector<16xf32>
          %select_n3A_395 = arith.select %and3A_380, %sub3A_240, %broadcast_in_dim3A_394 : vector<16xi1>, vector<16xf32>
          %mul3A_396 = arith.constant 128 : i32
          %mul3A_397 = arith.muli %scan3A_124, %mul3A_396 : i32
          %add3A_398 = arith.constant 64 : i32
          %add3A_399 = arith.addi %mul3A_397, %add3A_398 : i32
          %swap3A_400 = arith.index_cast %add3A_399 : i32 to index
          %swap3A_401 = tpu.vector_load %arg9[%swap3A_400] {strides = array<i32>} : memref<3712xf32, #tpu.memory_space<vmem>>, vector<16xf32>,
          tpu.vector_store %arg9[%swap3A_400], %select_n3A_395 {strides = array<i32>} : memref<3712xf32, #tpu.memory_space<vmem>>, vector<16xf32>,
          %add3A_402 = arith.addi %mul3A_296, %select_n3A_392 : vector<16xi32>
          %mul3A_403 = arith.constant 232 : i32
          %mul3A_404 = vector.broadcast %mul3A_403 : i32 to vector<16xi32>
          %mul3A_405 = arith.muli %add3A_402, %mul3A_404 : vector<16xi32>
          %add3A_406 = arith.addi %mul3A_405, %shift_right_arithmetic3A_291 : vector<16xi32>
          %mul3A_407 = arith.constant 128 : i32
          %mul3A_408 = arith.muli %scan3A_124, %mul3A_407 : i32
          %add3A_409 = arith.constant 0 : i32
          %add3A_410 = arith.addi %mul3A_408, %add3A_409 : i32
          %swap3A_411 = arith.index_cast %add3A_410 : i32 to index
          %swap3A_412 = tpu.vector_load %arg7[%swap3A_411] {strides = array<i32>} : memref<3712xi32, #tpu.memory_space<vmem>>, vector<16xi32>,
          tpu.vector_store %arg7[%swap3A_411], %add3A_406 {strides = array<i32>} : memref<3712xi32, #tpu.memory_space<vmem>>, vector<16xi32>,
          %add3A_413 = arith.constant 1 : i32
          %add3A_414 = vector.broadcast %add3A_413 : i32 to vector<16xi32>
          %add3A_415 = arith.addi %add3A_406, %add3A_414 : vector<16xi32>
          %mul3A_416 = arith.constant 128 : i32
          %mul3A_417 = arith.muli %scan3A_124, %mul3A_416 : i32
          %add3A_418 = arith.constant 0 : i32
          %add3A_419 = arith.addi %mul3A_417, %add3A_418 : i32
          %add3A_420 = arith.constant 16 : i32
          %add3A_421 = arith.addi %add3A_419, %add3A_420 : i32
          %swap3A_422 = arith.index_cast %add3A_421 : i32 to index
          %swap3A_423 = tpu.vector_load %arg7[%swap3A_422] {strides = array<i32>} : memref<3712xi32, #tpu.memory_space<vmem>>, vector<16xi32>,
          tpu.vector_store %arg7[%swap3A_422], %add3A_415 {strides = array<i32>} : memref<3712xi32, #tpu.memory_space<vmem>>, vector<16xi32>,
          %add3A_424 = arith.constant 0 : i32
          %add3A_425 = vector.broadcast %add3A_424 : i32 to vector<16xi32>
          %add3A_426 = arith.addi %sub3A_162, %add3A_425 : vector<16xi32>
          %ge3A_427 = arith.constant 0 : i32
          %ge3A_428 = vector.broadcast %ge3A_427 : i32 to vector<16xi32>
          %ge3A_429 = arith.cmpi sge, %add3A_426, %ge3A_428 : vector<16xi32>
          %lt3A_430 = arith.constant 345 : i32
          %lt3A_431 = vector.broadcast %lt3A_430 : i32 to vector<16xi32>
          %lt3A_432 = arith.cmpi slt, %add3A_426, %lt3A_431 : vector<16xi32>
          %and3A_433 = arith.andi %ge3A_429, %lt3A_432 : vector<16xi1>
          %lt3A_434 = arith.constant 0 : i32
          %lt3A_435 = vector.broadcast %lt3A_434 : i32 to vector<16xi32>
          %lt3A_436 = arith.cmpi slt, %add3A_426, %lt3A_435 : vector<16xi32>
          %ge3A_437 = arith.constant 345 : i32
          %ge3A_438 = vector.broadcast %ge3A_437 : i32 to vector<16xi32>
          %ge3A_439 = arith.cmpi sge, %add3A_426, %ge3A_438 : vector<16xi32>
          %jit3A_440 = arith.constant 344 : i32
          %broadcast_in_dim3A_441 = vector.broadcast %jit3A_440 : i32 to vector<16xi32>
          %select_n3A_442 = arith.select %ge3A_439, %broadcast_in_dim3A_441, %add3A_426 : vector<16xi1>, vector<16xi32>
          %jit3A_443 = arith.constant 0 : i32
          %broadcast_in_dim3A_444 = vector.broadcast %jit3A_443 : i32 to vector<16xi32>
          %select_n3A_445 = arith.select %lt3A_436, %broadcast_in_dim3A_444, %select_n3A_442 : vector<16xi1>, vector<16xi32>
          %jit3A_446 = arith.constant 0.000000e+00 : f32
          %broadcast_in_dim3A_447 = vector.broadcast %jit3A_446 : f32 to vector<16xf32>
          %select_n3A_448 = arith.select %and3A_433, %add3A_251, %broadcast_in_dim3A_447 : vector<16xi1>, vector<16xf32>
          %mul3A_449 = arith.constant 128 : i32
          %mul3A_450 = arith.muli %scan3A_124, %mul3A_449 : i32
          %add3A_451 = arith.constant 80 : i32
          %add3A_452 = arith.addi %mul3A_450, %add3A_451 : i32
          %swap3A_453 = arith.index_cast %add3A_452 : i32 to index
          %swap3A_454 = tpu.vector_load %arg9[%swap3A_453] {strides = array<i32>} : memref<3712xf32, #tpu.memory_space<vmem>>, vector<16xf32>,
          tpu.vector_store %arg9[%swap3A_453], %select_n3A_448 {strides = array<i32>} : memref<3712xf32, #tpu.memory_space<vmem>>, vector<16xf32>,
          %add3A_455 = arith.addi %mul3A_296, %select_n3A_445 : vector<16xi32>
          %mul3A_456 = arith.constant 232 : i32
          %mul3A_457 = vector.broadcast %mul3A_456 : i32 to vector<16xi32>
          %mul3A_458 = arith.muli %add3A_455, %mul3A_457 : vector<16xi32>
          %add3A_459 = arith.addi %mul3A_458, %shift_right_arithmetic3A_291 : vector<16xi32>
          %mul3A_460 = arith.constant 128 : i32
          %mul3A_461 = arith.muli %scan3A_124, %mul3A_460 : i32
          %add3A_462 = arith.constant 32 : i32
          %add3A_463 = arith.addi %mul3A_461, %add3A_462 : i32
          %swap3A_464 = arith.index_cast %add3A_463 : i32 to index
          %swap3A_465 = tpu.vector_load %arg7[%swap3A_464] {strides = array<i32>} : memref<3712xi32, #tpu.memory_space<vmem>>, vector<16xi32>,
          tpu.vector_store %arg7[%swap3A_464], %add3A_459 {strides = array<i32>} : memref<3712xi32, #tpu.memory_space<vmem>>, vector<16xi32>,
          %add3A_466 = arith.constant 1 : i32
          %add3A_467 = vector.broadcast %add3A_466 : i32 to vector<16xi32>
          %add3A_468 = arith.addi %add3A_459, %add3A_467 : vector<16xi32>
          %mul3A_469 = arith.constant 128 : i32
          %mul3A_470 = arith.muli %scan3A_124, %mul3A_469 : i32
          %add3A_471 = arith.constant 32 : i32
          %add3A_472 = arith.addi %mul3A_470, %add3A_471 : i32
          %add3A_473 = arith.constant 16 : i32
          %add3A_474 = arith.addi %add3A_472, %add3A_473 : i32
          %swap3A_475 = arith.index_cast %add3A_474 : i32 to index
          %swap3A_476 = tpu.vector_load %arg7[%swap3A_475] {strides = array<i32>} : memref<3712xi32, #tpu.memory_space<vmem>>, vector<16xi32>,
          tpu.vector_store %arg7[%swap3A_475], %add3A_468 {strides = array<i32>} : memref<3712xi32, #tpu.memory_space<vmem>>, vector<16xi32>,
          %add3A_477 = arith.constant 1 : i32
          %add3A_478 = vector.broadcast %add3A_477 : i32 to vector<16xi32>
          %add3A_479 = arith.addi %sub3A_162, %add3A_478 : vector<16xi32>
          %ge3A_480 = arith.constant 0 : i32
          %ge3A_481 = vector.broadcast %ge3A_480 : i32 to vector<16xi32>
          %ge3A_482 = arith.cmpi sge, %add3A_479, %ge3A_481 : vector<16xi32>
          %lt3A_483 = arith.constant 345 : i32
          %lt3A_484 = vector.broadcast %lt3A_483 : i32 to vector<16xi32>
          %lt3A_485 = arith.cmpi slt, %add3A_479, %lt3A_484 : vector<16xi32>
          %and3A_486 = arith.andi %ge3A_482, %lt3A_485 : vector<16xi1>
          %lt3A_487 = arith.constant 0 : i32
          %lt3A_488 = vector.broadcast %lt3A_487 : i32 to vector<16xi32>
          %lt3A_489 = arith.cmpi slt, %add3A_479, %lt3A_488 : vector<16xi32>
          %ge3A_490 = arith.constant 345 : i32
          %ge3A_491 = vector.broadcast %ge3A_490 : i32 to vector<16xi32>
          %ge3A_492 = arith.cmpi sge, %add3A_479, %ge3A_491 : vector<16xi32>
          %jit3A_493 = arith.constant 344 : i32
          %broadcast_in_dim3A_494 = vector.broadcast %jit3A_493 : i32 to vector<16xi32>
          %select_n3A_495 = arith.select %ge3A_492, %broadcast_in_dim3A_494, %add3A_479 : vector<16xi1>, vector<16xi32>
          %jit3A_496 = arith.constant 0 : i32
          %broadcast_in_dim3A_497 = vector.broadcast %jit3A_496 : i32 to vector<16xi32>
          %select_n3A_498 = arith.select %lt3A_489, %broadcast_in_dim3A_497, %select_n3A_495 : vector<16xi1>, vector<16xi32>
          %jit3A_499 = arith.constant 0.000000e+00 : f32
          %broadcast_in_dim3A_500 = vector.broadcast %jit3A_499 : f32 to vector<16xf32>
          %select_n3A_501 = arith.select %and3A_486, %add3A_265, %broadcast_in_dim3A_500 : vector<16xi1>, vector<16xf32>
          %mul3A_502 = arith.constant 128 : i32
          %mul3A_503 = arith.muli %scan3A_124, %mul3A_502 : i32
          %add3A_504 = arith.constant 96 : i32
          %add3A_505 = arith.addi %mul3A_503, %add3A_504 : i32
          %swap3A_506 = arith.index_cast %add3A_505 : i32 to index
          %swap3A_507 = tpu.vector_load %arg9[%swap3A_506] {strides = array<i32>} : memref<3712xf32, #tpu.memory_space<vmem>>, vector<16xf32>,
          tpu.vector_store %arg9[%swap3A_506], %select_n3A_501 {strides = array<i32>} : memref<3712xf32, #tpu.memory_space<vmem>>, vector<16xf32>,
          %add3A_508 = arith.addi %mul3A_296, %select_n3A_498 : vector<16xi32>
          %mul3A_509 = arith.constant 232 : i32
          %mul3A_510 = vector.broadcast %mul3A_509 : i32 to vector<16xi32>
          %mul3A_511 = arith.muli %add3A_508, %mul3A_510 : vector<16xi32>
          %add3A_512 = arith.addi %mul3A_511, %shift_right_arithmetic3A_291 : vector<16xi32>
          %mul3A_513 = arith.constant 128 : i32
          %mul3A_514 = arith.muli %scan3A_124, %mul3A_513 : i32
          %add3A_515 = arith.constant 64 : i32
          %add3A_516 = arith.addi %mul3A_514, %add3A_515 : i32
          %swap3A_517 = arith.index_cast %add3A_516 : i32 to index
          %swap3A_518 = tpu.vector_load %arg7[%swap3A_517] {strides = array<i32>} : memref<3712xi32, #tpu.memory_space<vmem>>, vector<16xi32>,
          tpu.vector_store %arg7[%swap3A_517], %add3A_512 {strides = array<i32>} : memref<3712xi32, #tpu.memory_space<vmem>>, vector<16xi32>,
          %add3A_519 = arith.constant 1 : i32
          %add3A_520 = vector.broadcast %add3A_519 : i32 to vector<16xi32>
          %add3A_521 = arith.addi %add3A_512, %add3A_520 : vector<16xi32>
          %mul3A_522 = arith.constant 128 : i32
          %mul3A_523 = arith.muli %scan3A_124, %mul3A_522 : i32
          %add3A_524 = arith.constant 64 : i32
          %add3A_525 = arith.addi %mul3A_523, %add3A_524 : i32
          %add3A_526 = arith.constant 16 : i32
          %add3A_527 = arith.addi %add3A_525, %add3A_526 : i32
          %swap3A_528 = arith.index_cast %add3A_527 : i32 to index
          %swap3A_529 = tpu.vector_load %arg7[%swap3A_528] {strides = array<i32>} : memref<3712xi32, #tpu.memory_space<vmem>>, vector<16xi32>,
          tpu.vector_store %arg7[%swap3A_528], %add3A_521 {strides = array<i32>} : memref<3712xi32, #tpu.memory_space<vmem>>, vector<16xi32>,
          %add3A_530 = arith.constant 2 : i32
          %add3A_531 = vector.broadcast %add3A_530 : i32 to vector<16xi32>
          %add3A_532 = arith.addi %sub3A_162, %add3A_531 : vector<16xi32>
          %ge3A_533 = arith.constant 0 : i32
          %ge3A_534 = vector.broadcast %ge3A_533 : i32 to vector<16xi32>
          %ge3A_535 = arith.cmpi sge, %add3A_532, %ge3A_534 : vector<16xi32>
          %lt3A_536 = arith.constant 345 : i32
          %lt3A_537 = vector.broadcast %lt3A_536 : i32 to vector<16xi32>
          %lt3A_538 = arith.cmpi slt, %add3A_532, %lt3A_537 : vector<16xi32>
          %and3A_539 = arith.andi %ge3A_535, %lt3A_538 : vector<16xi1>
          %lt3A_540 = arith.constant 0 : i32
          %lt3A_541 = vector.broadcast %lt3A_540 : i32 to vector<16xi32>
          %lt3A_542 = arith.cmpi slt, %add3A_532, %lt3A_541 : vector<16xi32>
          %ge3A_543 = arith.constant 345 : i32
          %ge3A_544 = vector.broadcast %ge3A_543 : i32 to vector<16xi32>
          %ge3A_545 = arith.cmpi sge, %add3A_532, %ge3A_544 : vector<16xi32>
          %jit3A_546 = arith.constant 344 : i32
          %broadcast_in_dim3A_547 = vector.broadcast %jit3A_546 : i32 to vector<16xi32>
          %select_n3A_548 = arith.select %ge3A_545, %broadcast_in_dim3A_547, %add3A_532 : vector<16xi1>, vector<16xi32>
          %jit3A_549 = arith.constant 0 : i32
          %broadcast_in_dim3A_550 = vector.broadcast %jit3A_549 : i32 to vector<16xi32>
          %select_n3A_551 = arith.select %lt3A_542, %broadcast_in_dim3A_550, %select_n3A_548 : vector<16xi1>, vector<16xi32>
          %jit3A_552 = arith.constant 0.000000e+00 : f32
          %broadcast_in_dim3A_553 = vector.broadcast %jit3A_552 : f32 to vector<16xf32>
          %select_n3A_554 = arith.select %and3A_539, %sub3A_282, %broadcast_in_dim3A_553 : vector<16xi1>, vector<16xf32>
          %mul3A_555 = arith.constant 128 : i32
          %mul3A_556 = arith.muli %scan3A_124, %mul3A_555 : i32
          %add3A_557 = arith.constant 112 : i32
          %add3A_558 = arith.addi %mul3A_556, %add3A_557 : i32
          %swap3A_559 = arith.index_cast %add3A_558 : i32 to index
          %swap3A_560 = tpu.vector_load %arg9[%swap3A_559] {strides = array<i32>} : memref<3712xf32, #tpu.memory_space<vmem>>, vector<16xf32>,
          tpu.vector_store %arg9[%swap3A_559], %select_n3A_554 {strides = array<i32>} : memref<3712xf32, #tpu.memory_space<vmem>>, vector<16xf32>,
          %add3A_561 = arith.addi %mul3A_296, %select_n3A_551 : vector<16xi32>
          %mul3A_562 = arith.constant 232 : i32
          %mul3A_563 = vector.broadcast %mul3A_562 : i32 to vector<16xi32>
          %mul3A_564 = arith.muli %add3A_561, %mul3A_563 : vector<16xi32>
          %add3A_565 = arith.addi %mul3A_564, %shift_right_arithmetic3A_291 : vector<16xi32>
          %mul3A_566 = arith.constant 128 : i32
          %mul3A_567 = arith.muli %scan3A_124, %mul3A_566 : i32
          %add3A_568 = arith.constant 96 : i32
          %add3A_569 = arith.addi %mul3A_567, %add3A_568 : i32
          %swap3A_570 = arith.index_cast %add3A_569 : i32 to index
          %swap3A_571 = tpu.vector_load %arg7[%swap3A_570] {strides = array<i32>} : memref<3712xi32, #tpu.memory_space<vmem>>, vector<16xi32>,
          tpu.vector_store %arg7[%swap3A_570], %add3A_565 {strides = array<i32>} : memref<3712xi32, #tpu.memory_space<vmem>>, vector<16xi32>,
          %add3A_572 = arith.constant 1 : i32
          %add3A_573 = vector.broadcast %add3A_572 : i32 to vector<16xi32>
          %add3A_574 = arith.addi %add3A_565, %add3A_573 : vector<16xi32>
          %mul3A_575 = arith.constant 128 : i32
          %mul3A_576 = arith.muli %scan3A_124, %mul3A_575 : i32
          %add3A_577 = arith.constant 96 : i32
          %add3A_578 = arith.addi %mul3A_576, %add3A_577 : i32
          %add3A_579 = arith.constant 16 : i32
          %add3A_580 = arith.addi %add3A_578, %add3A_579 : i32
          %swap3A_581 = arith.index_cast %add3A_580 : i32 to index
          %swap3A_582 = tpu.vector_load %arg7[%swap3A_581] {strides = array<i32>} : memref<3712xi32, #tpu.memory_space<vmem>>, vector<16xi32>,
          tpu.vector_store %arg7[%swap3A_581], %add3A_574 {strides = array<i32>} : memref<3712xi32, #tpu.memory_space<vmem>>, vector<16xi32>,
          %scan3A_583 = arith.constant 0 : i32
          scf.yield %scan3A_583 : i32
        }
        %scan3A_71 = arith.constant 14 : i32
        %dma_start3A_72 = arith.constant 1920 : i32
        %dma_start3A_73 = arith.constant 0 : i32
        %dma_start3A_74 = tpu.memref_slice %arg8[%dma_start3A_72, %dma_start3A_73] : memref<3712x8xf32, #tpu.memory_space<vmem>> -> memref<1792x8xf32, #tpu.memory_space<vmem>>
        %dma_start3A_75 = arith.constant 1920 : i32
        %dma_start3A_76 = tpu.memref_slice %arg7[%dma_start3A_75] : memref<3712xi32, #tpu.memory_space<vmem>> -> memref<1792xi32, #tpu.memory_space<vmem>>
        %dma_start3A_77 = arith.constant 0 : i32
        %dma_start3A_78 = arith.constant 0 : i32
        %dma_start3A_79 = tpu.memref_slice %arg5[%dma_start3A_77, %dma_start3A_78] : memref<160080x8xf32, #tpu.memory_space<vmem_shared>> -> memref<160080x8xf32, #tpu.memory_space<vmem_shared>>
        tpu.enqueue_indirect_dma source(%dma_start3A_79 : memref<160080x8xf32, #tpu.memory_space<vmem_shared>>) target(%dma_start3A_74 : memref<1792x8xf32, #tpu.memory_space<vmem>>) offsets(%dma_start3A_76 : memref<1792xi32, #tpu.memory_space<vmem>>) semaphore(%arg12 : memref<!tpu.dma_semaphore, #tpu.memory_space<semaphore_mem>>)
        %dma_wait3A_80 = arith.constant 0 : i32
        %dma_wait3A_81 = arith.constant 0 : i32
        %dma_wait3A_82 = arith.constant 0 : i32
        %dma_wait3A_83 = tpu.memref_slice %arg8[%dma_wait3A_81, %dma_wait3A_82] : memref<3712x8xf32, #tpu.memory_space<vmem>> -> memref<1920x8xf32, #tpu.memory_space<vmem>>
        %dma_wait3A_84 = arith.constant 0 : i32
        %dma_wait3A_85 = arith.constant 0 : i32
        %dma_wait3A_86 = tpu.memref_slice %arg2[%dma_wait3A_80, %dma_wait3A_84, %dma_wait3A_85] : memref<2x160080x8xf32, #tpu.memory_space<hbm>> -> memref<1x1920x8xf32, #tpu.memory_space<hbm>>
        %dma_wait3A_87 = tpu.memref_squeeze %dma_wait3A_86 : memref<1x1920x8xf32, #tpu.memory_space<hbm>> -> memref<1920x8xf32, #tpu.memory_space<hbm>>
        %dma_wait3A_88 = arith.constant 0 : i32
        %dma_wait3A_89 = arith.constant 0 : i32
        %dma_wait3A_90 = tpu.memref_slice %arg8[%dma_wait3A_88, %dma_wait3A_89] : memref<3712x8xf32, #tpu.memory_space<vmem>> -> memref<1920x8xf32, #tpu.memory_space<vmem>>
        %dma_wait3A_91 = arith.constant 0 : i32
        %dma_wait3A_92 = arith.constant 0 : i32
        %dma_wait3A_93 = tpu.memref_slice %arg2[%dma_wait3A_80, %dma_wait3A_91, %dma_wait3A_92] : memref<2x160080x8xf32, #tpu.memory_space<hbm>> -> memref<1x1920x8xf32, #tpu.memory_space<hbm>>
        %dma_wait3A_94 = tpu.memref_squeeze %dma_wait3A_93 : memref<1x1920x8xf32, #tpu.memory_space<hbm>> -> memref<1920x8xf32, #tpu.memory_space<hbm>>
        tpu.wait_dma2 semaphore(%arg11 : memref<!tpu.dma_semaphore, #tpu.memory_space<semaphore_mem>>) src(%dma_wait3A_94 : memref<1920x8xf32, #tpu.memory_space<hbm>>) dst(%dma_wait3A_90 : memref<1920x8xf32, #tpu.memory_space<vmem>>)
        %scan3A_95 = arith.constant 0 : i32
        %scan3A_96 = arith.constant 0 : i32
        %scan3A_97 = arith.constant 15 : i32
        %scan3A_98 = arith.addi %scan3A_96, %scan3A_97 : i32
        %scan3A_99 = arith.constant 1 : i32
        %scan3A_100 = scf.for %scan3A_124 = %scan3A_96 to %scan3A_98 step %scan3A_99 iter_args(%scan3A_125 = %scan3A_95) -> (i32)  : i32 {
          %mul3A_126 = arith.constant 128 : i32
          %mul3A_127 = arith.muli %scan3A_124, %mul3A_126 : i32
          %add3A_128 = arith.constant 0 : i32
          %add3A_129 = arith.addi %mul3A_127, %add3A_128 : i32
          %get3A = arith.index_cast %add3A_129 : i32 to index
          %get3A_130 = tpu.vector_load %arg9[%get3A] {strides = array<i32>} : memref<3712xf32, #tpu.memory_space<vmem>>, vector<16xf32>,
          %mul3A_131 = arith.constant 128 : i32
          %mul3A_132 = arith.muli %scan3A_124, %mul3A_131 : i32
          %add3A_133 = arith.constant 16 : i32
          %add3A_134 = arith.addi %mul3A_132, %add3A_133 : i32
          %get3A_135 = arith.index_cast %add3A_134 : i32 to index
          %get3A_136 = tpu.vector_load %arg9[%get3A_135] {strides = array<i32>} : memref<3712xf32, #tpu.memory_space<vmem>>, vector<16xf32>,
          %mul3A_137 = arith.constant 128 : i32
          %mul3A_138 = arith.muli %scan3A_124, %mul3A_137 : i32
          %add3A_139 = arith.constant 32 : i32
          %add3A_140 = arith.addi %mul3A_138, %add3A_139 : i32
          %get3A_141 = arith.index_cast %add3A_140 : i32 to index
          %get3A_142 = tpu.vector_load %arg9[%get3A_141] {strides = array<i32>} : memref<3712xf32, #tpu.memory_space<vmem>>, vector<16xf32>,
          %mul3A_143 = arith.constant 128 : i32
          %mul3A_144 = arith.muli %scan3A_124, %mul3A_143 : i32
          %add3A_145 = arith.constant 48 : i32
          %add3A_146 = arith.addi %mul3A_144, %add3A_145 : i32
          %get3A_147 = arith.index_cast %add3A_146 : i32 to index
          %get3A_148 = tpu.vector_load %arg9[%get3A_147] {strides = array<i32>} : memref<3712xf32, #tpu.memory_space<vmem>>, vector<16xf32>,
          %mul3A_149 = arith.constant 128 : i32
          %mul3A_150 = arith.muli %scan3A_124, %mul3A_149 : i32
          %add3A_151 = arith.constant 64 : i32
          %add3A_152 = arith.addi %mul3A_150, %add3A_151 : i32
          %get3A_153 = arith.index_cast %add3A_152 : i32 to index
          %get3A_154 = tpu.vector_load %arg9[%get3A_153] {strides = array<i32>} : memref<3712xf32, #tpu.memory_space<vmem>>, vector<16xf32>,
          %mul3A_155 = arith.constant 128 : i32
          %mul3A_156 = arith.muli %scan3A_124, %mul3A_155 : i32
          %add3A_157 = arith.constant 80 : i32
          %add3A_158 = arith.addi %mul3A_156, %add3A_157 : i32
          %get3A_159 = arith.index_cast %add3A_158 : i32 to index
          %get3A_160 = tpu.vector_load %arg9[%get3A_159] {strides = array<i32>} : memref<3712xf32, #tpu.memory_space<vmem>>, vector<16xf32>,
          %mul3A_161 = arith.constant 128 : i32
          %mul3A_162 = arith.muli %scan3A_124, %mul3A_161 : i32
          %add3A_163 = arith.constant 96 : i32
          %add3A_164 = arith.addi %mul3A_162, %add3A_163 : i32
          %get3A_165 = arith.index_cast %add3A_164 : i32 to index
          %get3A_166 = tpu.vector_load %arg9[%get3A_165] {strides = array<i32>} : memref<3712xf32, #tpu.memory_space<vmem>>, vector<16xf32>,
          %mul3A_167 = arith.constant 128 : i32
          %mul3A_168 = arith.muli %scan3A_124, %mul3A_167 : i32
          %add3A_169 = arith.constant 112 : i32
          %add3A_170 = arith.addi %mul3A_168, %add3A_169 : i32
          %get3A_171 = arith.index_cast %add3A_170 : i32 to index
          %get3A_172 = tpu.vector_load %arg9[%get3A_171] {strides = array<i32>} : memref<3712xf32, #tpu.memory_space<vmem>>, vector<16xf32>,
          %mul3A_173 = arith.constant 128 : i32
          %mul3A_174 = arith.muli %scan3A_124, %mul3A_173 : i32
          %add3A_175 = vector.broadcast %mul3A_174 : i32 to vector<16xi32>
          %add3A_176 = arith.addi %iota3A, %add3A_175 : vector<16xi32>
          %broadcast_in_dim3A_177 = arith.constant 0.000000e+00 : f32
          %broadcast_in_dim3A_178 = vector.broadcast %broadcast_in_dim3A_177 : f32 to vector<16xf32>
          %broadcast_in_dim3A_179 = arith.constant 0.000000e+00 : f32
          %broadcast_in_dim3A_180 = vector.broadcast %broadcast_in_dim3A_179 : f32 to vector<16xf32>
          %broadcast_in_dim3A_181 = arith.constant 0.000000e+00 : f32
          %broadcast_in_dim3A_182 = vector.broadcast %broadcast_in_dim3A_181 : f32 to vector<16xf32>
          %mul3A_183 = arith.mulf %get3A_154, %get3A_130 : vector<16xf32>
          %add3A_184 = arith.constant 0 : i32
          %add3A_185 = vector.broadcast %add3A_184 : i32 to vector<16xi32>
          %add3A_186 = arith.addi %add3A_176, %add3A_185 : vector<16xi32>
          %gather3A = tpu.vector_load_idx %arg8[%add3A_186, %broadcast_in_dim3A_11] : memref<3712x8xf32, #tpu.memory_space<vmem>>[vector<16xi32>, vector<16xi32>], vector<16xf32>,
          %mul3A_187 = arith.mulf %mul3A_183, %gather3A : vector<16xf32>
          %add3A_188 = arith.addf %broadcast_in_dim3A_178, %mul3A_187 : vector<16xf32>
          %add3A_189 = arith.constant 0 : i32
          %add3A_190 = vector.broadcast %add3A_189 : i32 to vector<16xi32>
          %add3A_191 = arith.addi %add3A_176, %add3A_190 : vector<16xi32>
          %gather3A_192 = tpu.vector_load_idx %arg8[%add3A_191, %broadcast_in_dim3A_13] : memref<3712x8xf32, #tpu.memory_space<vmem>>[vector<16xi32>, vector<16xi32>], vector<16xf32>,
          %mul3A_193 = arith.mulf %mul3A_183, %gather3A_192 : vector<16xf32>
          %add3A_194 = arith.addf %broadcast_in_dim3A_180, %mul3A_193 : vector<16xf32>
          %add3A_195 = arith.constant 0 : i32
          %add3A_196 = vector.broadcast %add3A_195 : i32 to vector<16xi32>
          %add3A_197 = arith.addi %add3A_176, %add3A_196 : vector<16xi32>
          %gather3A_198 = tpu.vector_load_idx %arg8[%add3A_197, %broadcast_in_dim3A_15] : memref<3712x8xf32, #tpu.memory_space<vmem>>[vector<16xi32>, vector<16xi32>], vector<16xf32>,
          %mul3A_199 = arith.mulf %mul3A_183, %gather3A_198 : vector<16xf32>
          %add3A_200 = arith.addf %broadcast_in_dim3A_182, %mul3A_199 : vector<16xf32>
          %mul3A_201 = arith.mulf %get3A_154, %get3A_136 : vector<16xf32>
          %add3A_202 = arith.constant 0 : i32
          %add3A_203 = vector.broadcast %add3A_202 : i32 to vector<16xi32>
          %add3A_204 = arith.addi %add3A_176, %add3A_203 : vector<16xi32>
          %gather3A_205 = tpu.vector_load_idx %arg8[%add3A_204, %broadcast_in_dim3A_17] : memref<3712x8xf32, #tpu.memory_space<vmem>>[vector<16xi32>, vector<16xi32>], vector<16xf32>,
          %mul3A_206 = arith.mulf %mul3A_201, %gather3A_205 : vector<16xf32>
          %add3A_207 = arith.addf %add3A_188, %mul3A_206 : vector<16xf32>
          %add3A_208 = arith.constant 0 : i32
          %add3A_209 = vector.broadcast %add3A_208 : i32 to vector<16xi32>
          %add3A_210 = arith.addi %add3A_176, %add3A_209 : vector<16xi32>
          %gather3A_211 = tpu.vector_load_idx %arg8[%add3A_210, %broadcast_in_dim3A_19] : memref<3712x8xf32, #tpu.memory_space<vmem>>[vector<16xi32>, vector<16xi32>], vector<16xf32>,
          %mul3A_212 = arith.mulf %mul3A_201, %gather3A_211 : vector<16xf32>
          %add3A_213 = arith.addf %add3A_194, %mul3A_212 : vector<16xf32>
          %add3A_214 = arith.constant 0 : i32
          %add3A_215 = vector.broadcast %add3A_214 : i32 to vector<16xi32>
          %add3A_216 = arith.addi %add3A_176, %add3A_215 : vector<16xi32>
          %gather3A_217 = tpu.vector_load_idx %arg8[%add3A_216, %broadcast_in_dim3A_21] : memref<3712x8xf32, #tpu.memory_space<vmem>>[vector<16xi32>, vector<16xi32>], vector<16xf32>,
          %mul3A_218 = arith.mulf %mul3A_201, %gather3A_217 : vector<16xf32>
          %add3A_219 = arith.addf %add3A_200, %mul3A_218 : vector<16xf32>
          %mul3A_220 = arith.mulf %get3A_154, %get3A_142 : vector<16xf32>
          %add3A_221 = arith.constant 16 : i32
          %add3A_222 = vector.broadcast %add3A_221 : i32 to vector<16xi32>
          %add3A_223 = arith.addi %add3A_176, %add3A_222 : vector<16xi32>
          %gather3A_224 = tpu.vector_load_idx %arg8[%add3A_223, %broadcast_in_dim3A_23] : memref<3712x8xf32, #tpu.memory_space<vmem>>[vector<16xi32>, vector<16xi32>], vector<16xf32>,
          %mul3A_225 = arith.mulf %mul3A_220, %gather3A_224 : vector<16xf32>
          %add3A_226 = arith.addf %add3A_207, %mul3A_225 : vector<16xf32>
          %add3A_227 = arith.constant 16 : i32
          %add3A_228 = vector.broadcast %add3A_227 : i32 to vector<16xi32>
          %add3A_229 = arith.addi %add3A_176, %add3A_228 : vector<16xi32>
          %gather3A_230 = tpu.vector_load_idx %arg8[%add3A_229, %broadcast_in_dim3A_25] : memref<3712x8xf32, #tpu.memory_space<vmem>>[vector<16xi32>, vector<16xi32>], vector<16xf32>,
          %mul3A_231 = arith.mulf %mul3A_220, %gather3A_230 : vector<16xf32>
          %add3A_232 = arith.addf %add3A_213, %mul3A_231 : vector<16xf32>
          %add3A_233 = arith.constant 16 : i32
          %add3A_234 = vector.broadcast %add3A_233 : i32 to vector<16xi32>
          %add3A_235 = arith.addi %add3A_176, %add3A_234 : vector<16xi32>
          %gather3A_236 = tpu.vector_load_idx %arg8[%add3A_235, %broadcast_in_dim3A_27] : memref<3712x8xf32, #tpu.memory_space<vmem>>[vector<16xi32>, vector<16xi32>], vector<16xf32>,
          %mul3A_237 = arith.mulf %mul3A_220, %gather3A_236 : vector<16xf32>
          %add3A_238 = arith.addf %add3A_219, %mul3A_237 : vector<16xf32>
          %mul3A_239 = arith.mulf %get3A_154, %get3A_148 : vector<16xf32>
          %add3A_240 = arith.constant 16 : i32
          %add3A_241 = vector.broadcast %add3A_240 : i32 to vector<16xi32>
          %add3A_242 = arith.addi %add3A_176, %add3A_241 : vector<16xi32>
          %gather3A_243 = tpu.vector_load_idx %arg8[%add3A_242, %broadcast_in_dim3A_29] : memref<3712x8xf32, #tpu.memory_space<vmem>>[vector<16xi32>, vector<16xi32>], vector<16xf32>,
          %mul3A_244 = arith.mulf %mul3A_239, %gather3A_243 : vector<16xf32>
          %add3A_245 = arith.addf %add3A_226, %mul3A_244 : vector<16xf32>
          %add3A_246 = arith.constant 16 : i32
          %add3A_247 = vector.broadcast %add3A_246 : i32 to vector<16xi32>
          %add3A_248 = arith.addi %add3A_176, %add3A_247 : vector<16xi32>
          %gather3A_249 = tpu.vector_load_idx %arg8[%add3A_248, %broadcast_in_dim3A_31] : memref<3712x8xf32, #tpu.memory_space<vmem>>[vector<16xi32>, vector<16xi32>], vector<16xf32>,
          %mul3A_250 = arith.mulf %mul3A_239, %gather3A_249 : vector<16xf32>
          %add3A_251 = arith.addf %add3A_232, %mul3A_250 : vector<16xf32>
          %add3A_252 = arith.constant 16 : i32
          %add3A_253 = vector.broadcast %add3A_252 : i32 to vector<16xi32>
          %add3A_254 = arith.addi %add3A_176, %add3A_253 : vector<16xi32>
          %gather3A_255 = tpu.vector_load_idx %arg8[%add3A_254, %broadcast_in_dim3A_33] : memref<3712x8xf32, #tpu.memory_space<vmem>>[vector<16xi32>, vector<16xi32>], vector<16xf32>,
          %mul3A_256 = arith.mulf %mul3A_239, %gather3A_255 : vector<16xf32>
          %add3A_257 = arith.addf %add3A_238, %mul3A_256 : vector<16xf32>
          %mul3A_258 = arith.mulf %get3A_160, %get3A_130 : vector<16xf32>
          %add3A_259 = arith.constant 32 : i32
          %add3A_260 = vector.broadcast %add3A_259 : i32 to vector<16xi32>
          %add3A_261 = arith.addi %add3A_176, %add3A_260 : vector<16xi32>
          %gather3A_262 = tpu.vector_load_idx %arg8[%add3A_261, %broadcast_in_dim3A_11] : memref<3712x8xf32, #tpu.memory_space<vmem>>[vector<16xi32>, vector<16xi32>], vector<16xf32>,
          %mul3A_263 = arith.mulf %mul3A_258, %gather3A_262 : vector<16xf32>
          %add3A_264 = arith.addf %add3A_245, %mul3A_263 : vector<16xf32>
          %add3A_265 = arith.constant 32 : i32
          %add3A_266 = vector.broadcast %add3A_265 : i32 to vector<16xi32>
          %add3A_267 = arith.addi %add3A_176, %add3A_266 : vector<16xi32>
          %gather3A_268 = tpu.vector_load_idx %arg8[%add3A_267, %broadcast_in_dim3A_13] : memref<3712x8xf32, #tpu.memory_space<vmem>>[vector<16xi32>, vector<16xi32>], vector<16xf32>,
          %mul3A_269 = arith.mulf %mul3A_258, %gather3A_268 : vector<16xf32>
          %add3A_270 = arith.addf %add3A_251, %mul3A_269 : vector<16xf32>
          %add3A_271 = arith.constant 32 : i32
          %add3A_272 = vector.broadcast %add3A_271 : i32 to vector<16xi32>
          %add3A_273 = arith.addi %add3A_176, %add3A_272 : vector<16xi32>
          %gather3A_274 = tpu.vector_load_idx %arg8[%add3A_273, %broadcast_in_dim3A_15] : memref<3712x8xf32, #tpu.memory_space<vmem>>[vector<16xi32>, vector<16xi32>], vector<16xf32>,
          %mul3A_275 = arith.mulf %mul3A_258, %gather3A_274 : vector<16xf32>
          %add3A_276 = arith.addf %add3A_257, %mul3A_275 : vector<16xf32>
          %mul3A_277 = arith.mulf %get3A_160, %get3A_136 : vector<16xf32>
          %add3A_278 = arith.constant 32 : i32
          %add3A_279 = vector.broadcast %add3A_278 : i32 to vector<16xi32>
          %add3A_280 = arith.addi %add3A_176, %add3A_279 : vector<16xi32>
          %gather3A_281 = tpu.vector_load_idx %arg8[%add3A_280, %broadcast_in_dim3A_17] : memref<3712x8xf32, #tpu.memory_space<vmem>>[vector<16xi32>, vector<16xi32>], vector<16xf32>,
          %mul3A_282 = arith.mulf %mul3A_277, %gather3A_281 : vector<16xf32>
          %add3A_283 = arith.addf %add3A_264, %mul3A_282 : vector<16xf32>
          %add3A_284 = arith.constant 32 : i32
          %add3A_285 = vector.broadcast %add3A_284 : i32 to vector<16xi32>
          %add3A_286 = arith.addi %add3A_176, %add3A_285 : vector<16xi32>
          %gather3A_287 = tpu.vector_load_idx %arg8[%add3A_286, %broadcast_in_dim3A_19] : memref<3712x8xf32, #tpu.memory_space<vmem>>[vector<16xi32>, vector<16xi32>], vector<16xf32>,
          %mul3A_288 = arith.mulf %mul3A_277, %gather3A_287 : vector<16xf32>
          %add3A_289 = arith.addf %add3A_270, %mul3A_288 : vector<16xf32>
          %add3A_290 = arith.constant 32 : i32
          %add3A_291 = vector.broadcast %add3A_290 : i32 to vector<16xi32>
          %add3A_292 = arith.addi %add3A_176, %add3A_291 : vector<16xi32>
          %gather3A_293 = tpu.vector_load_idx %arg8[%add3A_292, %broadcast_in_dim3A_21] : memref<3712x8xf32, #tpu.memory_space<vmem>>[vector<16xi32>, vector<16xi32>], vector<16xf32>,
          %mul3A_294 = arith.mulf %mul3A_277, %gather3A_293 : vector<16xf32>
          %add3A_295 = arith.addf %add3A_276, %mul3A_294 : vector<16xf32>
          %mul3A_296 = arith.mulf %get3A_160, %get3A_142 : vector<16xf32>
          %add3A_297 = arith.constant 48 : i32
          %add3A_298 = vector.broadcast %add3A_297 : i32 to vector<16xi32>
          %add3A_299 = arith.addi %add3A_176, %add3A_298 : vector<16xi32>
          %gather3A_300 = tpu.vector_load_idx %arg8[%add3A_299, %broadcast_in_dim3A_23] : memref<3712x8xf32, #tpu.memory_space<vmem>>[vector<16xi32>, vector<16xi32>], vector<16xf32>,
          %mul3A_301 = arith.mulf %mul3A_296, %gather3A_300 : vector<16xf32>
          %add3A_302 = arith.addf %add3A_283, %mul3A_301 : vector<16xf32>
          %add3A_303 = arith.constant 48 : i32
          %add3A_304 = vector.broadcast %add3A_303 : i32 to vector<16xi32>
          %add3A_305 = arith.addi %add3A_176, %add3A_304 : vector<16xi32>
          %gather3A_306 = tpu.vector_load_idx %arg8[%add3A_305, %broadcast_in_dim3A_25] : memref<3712x8xf32, #tpu.memory_space<vmem>>[vector<16xi32>, vector<16xi32>], vector<16xf32>,
          %mul3A_307 = arith.mulf %mul3A_296, %gather3A_306 : vector<16xf32>
          %add3A_308 = arith.addf %add3A_289, %mul3A_307 : vector<16xf32>
          %add3A_309 = arith.constant 48 : i32
          %add3A_310 = vector.broadcast %add3A_309 : i32 to vector<16xi32>
          %add3A_311 = arith.addi %add3A_176, %add3A_310 : vector<16xi32>
          %gather3A_312 = tpu.vector_load_idx %arg8[%add3A_311, %broadcast_in_dim3A_27] : memref<3712x8xf32, #tpu.memory_space<vmem>>[vector<16xi32>, vector<16xi32>], vector<16xf32>,
          %mul3A_313 = arith.mulf %mul3A_296, %gather3A_312 : vector<16xf32>
          %add3A_314 = arith.addf %add3A_295, %mul3A_313 : vector<16xf32>
          %mul3A_315 = arith.mulf %get3A_160, %get3A_148 : vector<16xf32>
          %add3A_316 = arith.constant 48 : i32
          %add3A_317 = vector.broadcast %add3A_316 : i32 to vector<16xi32>
          %add3A_318 = arith.addi %add3A_176, %add3A_317 : vector<16xi32>
          %gather3A_319 = tpu.vector_load_idx %arg8[%add3A_318, %broadcast_in_dim3A_29] : memref<3712x8xf32, #tpu.memory_space<vmem>>[vector<16xi32>, vector<16xi32>], vector<16xf32>,
          %mul3A_320 = arith.mulf %mul3A_315, %gather3A_319 : vector<16xf32>
          %add3A_321 = arith.addf %add3A_302, %mul3A_320 : vector<16xf32>
          %add3A_322 = arith.constant 48 : i32
          %add3A_323 = vector.broadcast %add3A_322 : i32 to vector<16xi32>
          %add3A_324 = arith.addi %add3A_176, %add3A_323 : vector<16xi32>
          %gather3A_325 = tpu.vector_load_idx %arg8[%add3A_324, %broadcast_in_dim3A_31] : memref<3712x8xf32, #tpu.memory_space<vmem>>[vector<16xi32>, vector<16xi32>], vector<16xf32>,
          %mul3A_326 = arith.mulf %mul3A_315, %gather3A_325 : vector<16xf32>
          %add3A_327 = arith.addf %add3A_308, %mul3A_326 : vector<16xf32>
          %add3A_328 = arith.constant 48 : i32
          %add3A_329 = vector.broadcast %add3A_328 : i32 to vector<16xi32>
          %add3A_330 = arith.addi %add3A_176, %add3A_329 : vector<16xi32>
          %gather3A_331 = tpu.vector_load_idx %arg8[%add3A_330, %broadcast_in_dim3A_33] : memref<3712x8xf32, #tpu.memory_space<vmem>>[vector<16xi32>, vector<16xi32>], vector<16xf32>,
          %mul3A_332 = arith.mulf %mul3A_315, %gather3A_331 : vector<16xf32>
          %add3A_333 = arith.addf %add3A_314, %mul3A_332 : vector<16xf32>
          %mul3A_334 = arith.mulf %get3A_166, %get3A_130 : vector<16xf32>
          %add3A_335 = arith.constant 64 : i32
          %add3A_336 = vector.broadcast %add3A_335 : i32 to vector<16xi32>
          %add3A_337 = arith.addi %add3A_176, %add3A_336 : vector<16xi32>
          %gather3A_338 = tpu.vector_load_idx %arg8[%add3A_337, %broadcast_in_dim3A_11] : memref<3712x8xf32, #tpu.memory_space<vmem>>[vector<16xi32>, vector<16xi32>], vector<16xf32>,
          %mul3A_339 = arith.mulf %mul3A_334, %gather3A_338 : vector<16xf32>
          %add3A_340 = arith.addf %add3A_321, %mul3A_339 : vector<16xf32>
          %add3A_341 = arith.constant 64 : i32
          %add3A_342 = vector.broadcast %add3A_341 : i32 to vector<16xi32>
          %add3A_343 = arith.addi %add3A_176, %add3A_342 : vector<16xi32>
          %gather3A_344 = tpu.vector_load_idx %arg8[%add3A_343, %broadcast_in_dim3A_13] : memref<3712x8xf32, #tpu.memory_space<vmem>>[vector<16xi32>, vector<16xi32>], vector<16xf32>,
          %mul3A_345 = arith.mulf %mul3A_334, %gather3A_344 : vector<16xf32>
          %add3A_346 = arith.addf %add3A_327, %mul3A_345 : vector<16xf32>
          %add3A_347 = arith.constant 64 : i32
          %add3A_348 = vector.broadcast %add3A_347 : i32 to vector<16xi32>
          %add3A_349 = arith.addi %add3A_176, %add3A_348 : vector<16xi32>
          %gather3A_350 = tpu.vector_load_idx %arg8[%add3A_349, %broadcast_in_dim3A_15] : memref<3712x8xf32, #tpu.memory_space<vmem>>[vector<16xi32>, vector<16xi32>], vector<16xf32>,
          %mul3A_351 = arith.mulf %mul3A_334, %gather3A_350 : vector<16xf32>
          %add3A_352 = arith.addf %add3A_333, %mul3A_351 : vector<16xf32>
          %mul3A_353 = arith.mulf %get3A_166, %get3A_136 : vector<16xf32>
          %add3A_354 = arith.constant 64 : i32
          %add3A_355 = vector.broadcast %add3A_354 : i32 to vector<16xi32>
          %add3A_356 = arith.addi %add3A_176, %add3A_355 : vector<16xi32>
          %gather3A_357 = tpu.vector_load_idx %arg8[%add3A_356, %broadcast_in_dim3A_17] : memref<3712x8xf32, #tpu.memory_space<vmem>>[vector<16xi32>, vector<16xi32>], vector<16xf32>,
          %mul3A_358 = arith.mulf %mul3A_353, %gather3A_357 : vector<16xf32>
          %add3A_359 = arith.addf %add3A_340, %mul3A_358 : vector<16xf32>
          %add3A_360 = arith.constant 64 : i32
          %add3A_361 = vector.broadcast %add3A_360 : i32 to vector<16xi32>
          %add3A_362 = arith.addi %add3A_176, %add3A_361 : vector<16xi32>
          %gather3A_363 = tpu.vector_load_idx %arg8[%add3A_362, %broadcast_in_dim3A_19] : memref<3712x8xf32, #tpu.memory_space<vmem>>[vector<16xi32>, vector<16xi32>], vector<16xf32>,
          %mul3A_364 = arith.mulf %mul3A_353, %gather3A_363 : vector<16xf32>
          %add3A_365 = arith.addf %add3A_346, %mul3A_364 : vector<16xf32>
          %add3A_366 = arith.constant 64 : i32
          %add3A_367 = vector.broadcast %add3A_366 : i32 to vector<16xi32>
          %add3A_368 = arith.addi %add3A_176, %add3A_367 : vector<16xi32>
          %gather3A_369 = tpu.vector_load_idx %arg8[%add3A_368, %broadcast_in_dim3A_21] : memref<3712x8xf32, #tpu.memory_space<vmem>>[vector<16xi32>, vector<16xi32>], vector<16xf32>,
          %mul3A_370 = arith.mulf %mul3A_353, %gather3A_369 : vector<16xf32>
          %add3A_371 = arith.addf %add3A_352, %mul3A_370 : vector<16xf32>
          %mul3A_372 = arith.mulf %get3A_166, %get3A_142 : vector<16xf32>
          %add3A_373 = arith.constant 80 : i32
          %add3A_374 = vector.broadcast %add3A_373 : i32 to vector<16xi32>
          %add3A_375 = arith.addi %add3A_176, %add3A_374 : vector<16xi32>
          %gather3A_376 = tpu.vector_load_idx %arg8[%add3A_375, %broadcast_in_dim3A_23] : memref<3712x8xf32, #tpu.memory_space<vmem>>[vector<16xi32>, vector<16xi32>], vector<16xf32>,
          %mul3A_377 = arith.mulf %mul3A_372, %gather3A_376 : vector<16xf32>
          %add3A_378 = arith.addf %add3A_359, %mul3A_377 : vector<16xf32>
          %add3A_379 = arith.constant 80 : i32
          %add3A_380 = vector.broadcast %add3A_379 : i32 to vector<16xi32>
          %add3A_381 = arith.addi %add3A_176, %add3A_380 : vector<16xi32>
          %gather3A_382 = tpu.vector_load_idx %arg8[%add3A_381, %broadcast_in_dim3A_25] : memref<3712x8xf32, #tpu.memory_space<vmem>>[vector<16xi32>, vector<16xi32>], vector<16xf32>,
          %mul3A_383 = arith.mulf %mul3A_372, %gather3A_382 : vector<16xf32>
          %add3A_384 = arith.addf %add3A_365, %mul3A_383 : vector<16xf32>
          %add3A_385 = arith.constant 80 : i32
          %add3A_386 = vector.broadcast %add3A_385 : i32 to vector<16xi32>
          %add3A_387 = arith.addi %add3A_176, %add3A_386 : vector<16xi32>
          %gather3A_388 = tpu.vector_load_idx %arg8[%add3A_387, %broadcast_in_dim3A_27] : memref<3712x8xf32, #tpu.memory_space<vmem>>[vector<16xi32>, vector<16xi32>], vector<16xf32>,
          %mul3A_389 = arith.mulf %mul3A_372, %gather3A_388 : vector<16xf32>
          %add3A_390 = arith.addf %add3A_371, %mul3A_389 : vector<16xf32>
          %mul3A_391 = arith.mulf %get3A_166, %get3A_148 : vector<16xf32>
          %add3A_392 = arith.constant 80 : i32
          %add3A_393 = vector.broadcast %add3A_392 : i32 to vector<16xi32>
          %add3A_394 = arith.addi %add3A_176, %add3A_393 : vector<16xi32>
          %gather3A_395 = tpu.vector_load_idx %arg8[%add3A_394, %broadcast_in_dim3A_29] : memref<3712x8xf32, #tpu.memory_space<vmem>>[vector<16xi32>, vector<16xi32>], vector<16xf32>,
          %mul3A_396 = arith.mulf %mul3A_391, %gather3A_395 : vector<16xf32>
          %add3A_397 = arith.addf %add3A_378, %mul3A_396 : vector<16xf32>
          %add3A_398 = arith.constant 80 : i32
          %add3A_399 = vector.broadcast %add3A_398 : i32 to vector<16xi32>
          %add3A_400 = arith.addi %add3A_176, %add3A_399 : vector<16xi32>
          %gather3A_401 = tpu.vector_load_idx %arg8[%add3A_400, %broadcast_in_dim3A_31] : memref<3712x8xf32, #tpu.memory_space<vmem>>[vector<16xi32>, vector<16xi32>], vector<16xf32>,
          %mul3A_402 = arith.mulf %mul3A_391, %gather3A_401 : vector<16xf32>
          %add3A_403 = arith.addf %add3A_384, %mul3A_402 : vector<16xf32>
          %add3A_404 = arith.constant 80 : i32
          %add3A_405 = vector.broadcast %add3A_404 : i32 to vector<16xi32>
          %add3A_406 = arith.addi %add3A_176, %add3A_405 : vector<16xi32>
          %gather3A_407 = tpu.vector_load_idx %arg8[%add3A_406, %broadcast_in_dim3A_33] : memref<3712x8xf32, #tpu.memory_space<vmem>>[vector<16xi32>, vector<16xi32>], vector<16xf32>,
          %mul3A_408 = arith.mulf %mul3A_391, %gather3A_407 : vector<16xf32>
          %add3A_409 = arith.addf %add3A_390, %mul3A_408 : vector<16xf32>
          %mul3A_410 = arith.mulf %get3A_172, %get3A_130 : vector<16xf32>
          %add3A_411 = arith.constant 96 : i32
          %add3A_412 = vector.broadcast %add3A_411 : i32 to vector<16xi32>
          %add3A_413 = arith.addi %add3A_176, %add3A_412 : vector<16xi32>
          %gather3A_414 = tpu.vector_load_idx %arg8[%add3A_413, %broadcast_in_dim3A_11] : memref<3712x8xf32, #tpu.memory_space<vmem>>[vector<16xi32>, vector<16xi32>], vector<16xf32>,
          %mul3A_415 = arith.mulf %mul3A_410, %gather3A_414 : vector<16xf32>
          %add3A_416 = arith.addf %add3A_397, %mul3A_415 : vector<16xf32>
          %add3A_417 = arith.constant 96 : i32
          %add3A_418 = vector.broadcast %add3A_417 : i32 to vector<16xi32>
          %add3A_419 = arith.addi %add3A_176, %add3A_418 : vector<16xi32>
          %gather3A_420 = tpu.vector_load_idx %arg8[%add3A_419, %broadcast_in_dim3A_13] : memref<3712x8xf32, #tpu.memory_space<vmem>>[vector<16xi32>, vector<16xi32>], vector<16xf32>,
          %mul3A_421 = arith.mulf %mul3A_410, %gather3A_420 : vector<16xf32>
          %add3A_422 = arith.addf %add3A_403, %mul3A_421 : vector<16xf32>
          %add3A_423 = arith.constant 96 : i32
          %add3A_424 = vector.broadcast %add3A_423 : i32 to vector<16xi32>
          %add3A_425 = arith.addi %add3A_176, %add3A_424 : vector<16xi32>
          %gather3A_426 = tpu.vector_load_idx %arg8[%add3A_425, %broadcast_in_dim3A_15] : memref<3712x8xf32, #tpu.memory_space<vmem>>[vector<16xi32>, vector<16xi32>], vector<16xf32>,
          %mul3A_427 = arith.mulf %mul3A_410, %gather3A_426 : vector<16xf32>
          %add3A_428 = arith.addf %add3A_409, %mul3A_427 : vector<16xf32>
          %mul3A_429 = arith.mulf %get3A_172, %get3A_136 : vector<16xf32>
          %add3A_430 = arith.constant 96 : i32
          %add3A_431 = vector.broadcast %add3A_430 : i32 to vector<16xi32>
          %add3A_432 = arith.addi %add3A_176, %add3A_431 : vector<16xi32>
          %gather3A_433 = tpu.vector_load_idx %arg8[%add3A_432, %broadcast_in_dim3A_17] : memref<3712x8xf32, #tpu.memory_space<vmem>>[vector<16xi32>, vector<16xi32>], vector<16xf32>,
          %mul3A_434 = arith.mulf %mul3A_429, %gather3A_433 : vector<16xf32>
          %add3A_435 = arith.addf %add3A_416, %mul3A_434 : vector<16xf32>
          %add3A_436 = arith.constant 96 : i32
          %add3A_437 = vector.broadcast %add3A_436 : i32 to vector<16xi32>
          %add3A_438 = arith.addi %add3A_176, %add3A_437 : vector<16xi32>
          %gather3A_439 = tpu.vector_load_idx %arg8[%add3A_438, %broadcast_in_dim3A_19] : memref<3712x8xf32, #tpu.memory_space<vmem>>[vector<16xi32>, vector<16xi32>], vector<16xf32>,
          %mul3A_440 = arith.mulf %mul3A_429, %gather3A_439 : vector<16xf32>
          %add3A_441 = arith.addf %add3A_422, %mul3A_440 : vector<16xf32>
          %add3A_442 = arith.constant 96 : i32
          %add3A_443 = vector.broadcast %add3A_442 : i32 to vector<16xi32>
          %add3A_444 = arith.addi %add3A_176, %add3A_443 : vector<16xi32>
          %gather3A_445 = tpu.vector_load_idx %arg8[%add3A_444, %broadcast_in_dim3A_21] : memref<3712x8xf32, #tpu.memory_space<vmem>>[vector<16xi32>, vector<16xi32>], vector<16xf32>,
          %mul3A_446 = arith.mulf %mul3A_429, %gather3A_445 : vector<16xf32>
          %add3A_447 = arith.addf %add3A_428, %mul3A_446 : vector<16xf32>
          %mul3A_448 = arith.mulf %get3A_172, %get3A_142 : vector<16xf32>
          %add3A_449 = arith.constant 112 : i32
          %add3A_450 = vector.broadcast %add3A_449 : i32 to vector<16xi32>
          %add3A_451 = arith.addi %add3A_176, %add3A_450 : vector<16xi32>
          %gather3A_452 = tpu.vector_load_idx %arg8[%add3A_451, %broadcast_in_dim3A_23] : memref<3712x8xf32, #tpu.memory_space<vmem>>[vector<16xi32>, vector<16xi32>], vector<16xf32>,
          %mul3A_453 = arith.mulf %mul3A_448, %gather3A_452 : vector<16xf32>
          %add3A_454 = arith.addf %add3A_435, %mul3A_453 : vector<16xf32>
          %add3A_455 = arith.constant 112 : i32
          %add3A_456 = vector.broadcast %add3A_455 : i32 to vector<16xi32>
          %add3A_457 = arith.addi %add3A_176, %add3A_456 : vector<16xi32>
          %gather3A_458 = tpu.vector_load_idx %arg8[%add3A_457, %broadcast_in_dim3A_25] : memref<3712x8xf32, #tpu.memory_space<vmem>>[vector<16xi32>, vector<16xi32>], vector<16xf32>,
          %mul3A_459 = arith.mulf %mul3A_448, %gather3A_458 : vector<16xf32>
          %add3A_460 = arith.addf %add3A_441, %mul3A_459 : vector<16xf32>
          %add3A_461 = arith.constant 112 : i32
          %add3A_462 = vector.broadcast %add3A_461 : i32 to vector<16xi32>
          %add3A_463 = arith.addi %add3A_176, %add3A_462 : vector<16xi32>
          %gather3A_464 = tpu.vector_load_idx %arg8[%add3A_463, %broadcast_in_dim3A_27] : memref<3712x8xf32, #tpu.memory_space<vmem>>[vector<16xi32>, vector<16xi32>], vector<16xf32>,
          %mul3A_465 = arith.mulf %mul3A_448, %gather3A_464 : vector<16xf32>
          %add3A_466 = arith.addf %add3A_447, %mul3A_465 : vector<16xf32>
          %mul3A_467 = arith.mulf %get3A_172, %get3A_148 : vector<16xf32>
          %add3A_468 = arith.constant 112 : i32
          %add3A_469 = vector.broadcast %add3A_468 : i32 to vector<16xi32>
          %add3A_470 = arith.addi %add3A_176, %add3A_469 : vector<16xi32>
          %gather3A_471 = tpu.vector_load_idx %arg8[%add3A_470, %broadcast_in_dim3A_29] : memref<3712x8xf32, #tpu.memory_space<vmem>>[vector<16xi32>, vector<16xi32>], vector<16xf32>,
          %mul3A_472 = arith.mulf %mul3A_467, %gather3A_471 : vector<16xf32>
          %add3A_473 = arith.addf %add3A_454, %mul3A_472 : vector<16xf32>
          %add3A_474 = arith.constant 112 : i32
          %add3A_475 = vector.broadcast %add3A_474 : i32 to vector<16xi32>
          %add3A_476 = arith.addi %add3A_176, %add3A_475 : vector<16xi32>
          %gather3A_477 = tpu.vector_load_idx %arg8[%add3A_476, %broadcast_in_dim3A_31] : memref<3712x8xf32, #tpu.memory_space<vmem>>[vector<16xi32>, vector<16xi32>], vector<16xf32>,
          %mul3A_478 = arith.mulf %mul3A_467, %gather3A_477 : vector<16xf32>
          %add3A_479 = arith.addf %add3A_460, %mul3A_478 : vector<16xf32>
          %add3A_480 = arith.constant 112 : i32
          %add3A_481 = vector.broadcast %add3A_480 : i32 to vector<16xi32>
          %add3A_482 = arith.addi %add3A_176, %add3A_481 : vector<16xi32>
          %gather3A_483 = tpu.vector_load_idx %arg8[%add3A_482, %broadcast_in_dim3A_33] : memref<3712x8xf32, #tpu.memory_space<vmem>>[vector<16xi32>, vector<16xi32>], vector<16xf32>,
          %mul3A_484 = arith.mulf %mul3A_467, %gather3A_483 : vector<16xf32>
          %add3A_485 = arith.addf %add3A_466, %mul3A_484 : vector<16xf32>
          %mul3A_486 = arith.constant 16 : i32
          %mul3A_487 = arith.muli %scan3A_124, %mul3A_486 : i32
          %swap3A = arith.constant 0 : i32
          %swap3A_488 = arith.index_cast %swap3A : i32 to index
          %swap3A_489 = arith.index_cast %mul3A_487 : i32 to index
          %swap3A_490 = tpu.vector_load %arg10[%swap3A_488, %swap3A_489] {strides = array<i32>} : memref<4x464xf32, #tpu.memory_space<vmem>>, vector<16xf32>,
          tpu.vector_store %arg10[%swap3A_488, %swap3A_489], %add3A_473 {strides = array<i32>} : memref<4x464xf32, #tpu.memory_space<vmem>>, vector<16xf32>,
          %mul3A_491 = arith.constant 16 : i32
          %mul3A_492 = arith.muli %scan3A_124, %mul3A_491 : i32
          %swap3A_493 = arith.constant 1 : i32
          %swap3A_494 = arith.index_cast %swap3A_493 : i32 to index
          %swap3A_495 = arith.index_cast %mul3A_492 : i32 to index
          %swap3A_496 = tpu.vector_load %arg10[%swap3A_494, %swap3A_495] {strides = array<i32>} : memref<4x464xf32, #tpu.memory_space<vmem>>, vector<16xf32>,
          tpu.vector_store %arg10[%swap3A_494, %swap3A_495], %add3A_479 {strides = array<i32>} : memref<4x464xf32, #tpu.memory_space<vmem>>, vector<16xf32>,
          %mul3A_497 = arith.constant 16 : i32
          %mul3A_498 = arith.muli %scan3A_124, %mul3A_497 : i32
          %swap3A_499 = arith.constant 2 : i32
          %swap3A_500 = arith.index_cast %swap3A_499 : i32 to index
          %swap3A_501 = arith.index_cast %mul3A_498 : i32 to index
          %swap3A_502 = tpu.vector_load %arg10[%swap3A_500, %swap3A_501] {strides = array<i32>} : memref<4x464xf32, #tpu.memory_space<vmem>>, vector<16xf32>,
          tpu.vector_store %arg10[%swap3A_500, %swap3A_501], %add3A_485 {strides = array<i32>} : memref<4x464xf32, #tpu.memory_space<vmem>>, vector<16xf32>,
          %scan3A_503 = arith.constant 0 : i32
          scf.yield %scan3A_503 : i32
        }
        %scan3A_101 = arith.constant 15 : i32
        %dma_wait3A_102 = arith.constant 0 : i32
        %dma_wait3A_103 = arith.constant 1920 : i32
        %dma_wait3A_104 = arith.constant 0 : i32
        %dma_wait3A_105 = tpu.memref_slice %arg8[%dma_wait3A_103, %dma_wait3A_104] : memref<3712x8xf32, #tpu.memory_space<vmem>> -> memref<1792x8xf32, #tpu.memory_space<vmem>>
        %dma_wait3A_106 = arith.constant 0 : i32
        %dma_wait3A_107 = arith.constant 0 : i32
        %dma_wait3A_108 = tpu.memref_slice %arg2[%dma_wait3A_102, %dma_wait3A_106, %dma_wait3A_107] : memref<2x160080x8xf32, #tpu.memory_space<hbm>> -> memref<1x1792x8xf32, #tpu.memory_space<hbm>>
        %dma_wait3A_109 = tpu.memref_squeeze %dma_wait3A_108 : memref<1x1792x8xf32, #tpu.memory_space<hbm>> -> memref<1792x8xf32, #tpu.memory_space<hbm>>
        %dma_wait3A_110 = arith.constant 1920 : i32
        %dma_wait3A_111 = arith.constant 0 : i32
        %dma_wait3A_112 = tpu.memref_slice %arg8[%dma_wait3A_110, %dma_wait3A_111] : memref<3712x8xf32, #tpu.memory_space<vmem>> -> memref<1792x8xf32, #tpu.memory_space<vmem>>
        %dma_wait3A_113 = arith.constant 0 : i32
        %dma_wait3A_114 = arith.constant 0 : i32
        %dma_wait3A_115 = tpu.memref_slice %arg2[%dma_wait3A_102, %dma_wait3A_113, %dma_wait3A_114] : memref<2x160080x8xf32, #tpu.memory_space<hbm>> -> memref<1x1792x8xf32, #tpu.memory_space<hbm>>
        %dma_wait3A_116 = tpu.memref_squeeze %dma_wait3A_115 : memref<1x1792x8xf32, #tpu.memory_space<hbm>> -> memref<1792x8xf32, #tpu.memory_space<hbm>>
        tpu.wait_dma2 semaphore(%arg12 : memref<!tpu.dma_semaphore, #tpu.memory_space<semaphore_mem>>) src(%dma_wait3A_116 : memref<1792x8xf32, #tpu.memory_space<hbm>>) dst(%dma_wait3A_112 : memref<1792x8xf32, #tpu.memory_space<vmem>>)
        %scan3A_117 = arith.constant 0 : i32
        %scan3A_118 = arith.constant 15 : i32
        %scan3A_119 = arith.constant 14 : i32
        %scan3A_120 = arith.addi %scan3A_118, %scan3A_119 : i32
        %scan3A_121 = arith.constant 1 : i32
        %scan3A_122 = scf.for %scan3A_124 = %scan3A_118 to %scan3A_120 step %scan3A_121 iter_args(%scan3A_125 = %scan3A_117) -> (i32)  : i32 {
          %mul3A_126 = arith.constant 128 : i32
          %mul3A_127 = arith.muli %scan3A_124, %mul3A_126 : i32
          %add3A_128 = arith.constant 0 : i32
          %add3A_129 = arith.addi %mul3A_127, %add3A_128 : i32
          %get3A = arith.index_cast %add3A_129 : i32 to index
          %get3A_130 = tpu.vector_load %arg9[%get3A] {strides = array<i32>} : memref<3712xf32, #tpu.memory_space<vmem>>, vector<16xf32>,
          %mul3A_131 = arith.constant 128 : i32
          %mul3A_132 = arith.muli %scan3A_124, %mul3A_131 : i32
          %add3A_133 = arith.constant 16 : i32
          %add3A_134 = arith.addi %mul3A_132, %add3A_133 : i32
          %get3A_135 = arith.index_cast %add3A_134 : i32 to index
          %get3A_136 = tpu.vector_load %arg9[%get3A_135] {strides = array<i32>} : memref<3712xf32, #tpu.memory_space<vmem>>, vector<16xf32>,
          %mul3A_137 = arith.constant 128 : i32
          %mul3A_138 = arith.muli %scan3A_124, %mul3A_137 : i32
          %add3A_139 = arith.constant 32 : i32
          %add3A_140 = arith.addi %mul3A_138, %add3A_139 : i32
          %get3A_141 = arith.index_cast %add3A_140 : i32 to index
          %get3A_142 = tpu.vector_load %arg9[%get3A_141] {strides = array<i32>} : memref<3712xf32, #tpu.memory_space<vmem>>, vector<16xf32>,
          %mul3A_143 = arith.constant 128 : i32
          %mul3A_144 = arith.muli %scan3A_124, %mul3A_143 : i32
          %add3A_145 = arith.constant 48 : i32
          %add3A_146 = arith.addi %mul3A_144, %add3A_145 : i32
          %get3A_147 = arith.index_cast %add3A_146 : i32 to index
          %get3A_148 = tpu.vector_load %arg9[%get3A_147] {strides = array<i32>} : memref<3712xf32, #tpu.memory_space<vmem>>, vector<16xf32>,
          %mul3A_149 = arith.constant 128 : i32
          %mul3A_150 = arith.muli %scan3A_124, %mul3A_149 : i32
          %add3A_151 = arith.constant 64 : i32
          %add3A_152 = arith.addi %mul3A_150, %add3A_151 : i32
          %get3A_153 = arith.index_cast %add3A_152 : i32 to index
          %get3A_154 = tpu.vector_load %arg9[%get3A_153] {strides = array<i32>} : memref<3712xf32, #tpu.memory_space<vmem>>, vector<16xf32>,
          %mul3A_155 = arith.constant 128 : i32
          %mul3A_156 = arith.muli %scan3A_124, %mul3A_155 : i32
          %add3A_157 = arith.constant 80 : i32
          %add3A_158 = arith.addi %mul3A_156, %add3A_157 : i32
          %get3A_159 = arith.index_cast %add3A_158 : i32 to index
          %get3A_160 = tpu.vector_load %arg9[%get3A_159] {strides = array<i32>} : memref<3712xf32, #tpu.memory_space<vmem>>, vector<16xf32>,
          %mul3A_161 = arith.constant 128 : i32
          %mul3A_162 = arith.muli %scan3A_124, %mul3A_161 : i32
          %add3A_163 = arith.constant 96 : i32
          %add3A_164 = arith.addi %mul3A_162, %add3A_163 : i32
          %get3A_165 = arith.index_cast %add3A_164 : i32 to index
          %get3A_166 = tpu.vector_load %arg9[%get3A_165] {strides = array<i32>} : memref<3712xf32, #tpu.memory_space<vmem>>, vector<16xf32>,
          %mul3A_167 = arith.constant 128 : i32
          %mul3A_168 = arith.muli %scan3A_124, %mul3A_167 : i32
          %add3A_169 = arith.constant 112 : i32
          %add3A_170 = arith.addi %mul3A_168, %add3A_169 : i32
          %get3A_171 = arith.index_cast %add3A_170 : i32 to index
          %get3A_172 = tpu.vector_load %arg9[%get3A_171] {strides = array<i32>} : memref<3712xf32, #tpu.memory_space<vmem>>, vector<16xf32>,
          %mul3A_173 = arith.constant 128 : i32
          %mul3A_174 = arith.muli %scan3A_124, %mul3A_173 : i32
          %add3A_175 = vector.broadcast %mul3A_174 : i32 to vector<16xi32>
          %add3A_176 = arith.addi %iota3A, %add3A_175 : vector<16xi32>
          %broadcast_in_dim3A_177 = arith.constant 0.000000e+00 : f32
          %broadcast_in_dim3A_178 = vector.broadcast %broadcast_in_dim3A_177 : f32 to vector<16xf32>
          %broadcast_in_dim3A_179 = arith.constant 0.000000e+00 : f32
          %broadcast_in_dim3A_180 = vector.broadcast %broadcast_in_dim3A_179 : f32 to vector<16xf32>
          %broadcast_in_dim3A_181 = arith.constant 0.000000e+00 : f32
          %broadcast_in_dim3A_182 = vector.broadcast %broadcast_in_dim3A_181 : f32 to vector<16xf32>
          %mul3A_183 = arith.mulf %get3A_154, %get3A_130 : vector<16xf32>
          %add3A_184 = arith.constant 0 : i32
          %add3A_185 = vector.broadcast %add3A_184 : i32 to vector<16xi32>
          %add3A_186 = arith.addi %add3A_176, %add3A_185 : vector<16xi32>
          %gather3A = tpu.vector_load_idx %arg8[%add3A_186, %broadcast_in_dim3A_11] : memref<3712x8xf32, #tpu.memory_space<vmem>>[vector<16xi32>, vector<16xi32>], vector<16xf32>,
          %mul3A_187 = arith.mulf %mul3A_183, %gather3A : vector<16xf32>
          %add3A_188 = arith.addf %broadcast_in_dim3A_178, %mul3A_187 : vector<16xf32>
          %add3A_189 = arith.constant 0 : i32
          %add3A_190 = vector.broadcast %add3A_189 : i32 to vector<16xi32>
          %add3A_191 = arith.addi %add3A_176, %add3A_190 : vector<16xi32>
          %gather3A_192 = tpu.vector_load_idx %arg8[%add3A_191, %broadcast_in_dim3A_13] : memref<3712x8xf32, #tpu.memory_space<vmem>>[vector<16xi32>, vector<16xi32>], vector<16xf32>,
          %mul3A_193 = arith.mulf %mul3A_183, %gather3A_192 : vector<16xf32>
          %add3A_194 = arith.addf %broadcast_in_dim3A_180, %mul3A_193 : vector<16xf32>
          %add3A_195 = arith.constant 0 : i32
          %add3A_196 = vector.broadcast %add3A_195 : i32 to vector<16xi32>
          %add3A_197 = arith.addi %add3A_176, %add3A_196 : vector<16xi32>
          %gather3A_198 = tpu.vector_load_idx %arg8[%add3A_197, %broadcast_in_dim3A_15] : memref<3712x8xf32, #tpu.memory_space<vmem>>[vector<16xi32>, vector<16xi32>], vector<16xf32>,
          %mul3A_199 = arith.mulf %mul3A_183, %gather3A_198 : vector<16xf32>
          %add3A_200 = arith.addf %broadcast_in_dim3A_182, %mul3A_199 : vector<16xf32>
          %mul3A_201 = arith.mulf %get3A_154, %get3A_136 : vector<16xf32>
          %add3A_202 = arith.constant 0 : i32
          %add3A_203 = vector.broadcast %add3A_202 : i32 to vector<16xi32>
          %add3A_204 = arith.addi %add3A_176, %add3A_203 : vector<16xi32>
          %gather3A_205 = tpu.vector_load_idx %arg8[%add3A_204, %broadcast_in_dim3A_17] : memref<3712x8xf32, #tpu.memory_space<vmem>>[vector<16xi32>, vector<16xi32>], vector<16xf32>,
          %mul3A_206 = arith.mulf %mul3A_201, %gather3A_205 : vector<16xf32>
          %add3A_207 = arith.addf %add3A_188, %mul3A_206 : vector<16xf32>
          %add3A_208 = arith.constant 0 : i32
          %add3A_209 = vector.broadcast %add3A_208 : i32 to vector<16xi32>
          %add3A_210 = arith.addi %add3A_176, %add3A_209 : vector<16xi32>
          %gather3A_211 = tpu.vector_load_idx %arg8[%add3A_210, %broadcast_in_dim3A_19] : memref<3712x8xf32, #tpu.memory_space<vmem>>[vector<16xi32>, vector<16xi32>], vector<16xf32>,
          %mul3A_212 = arith.mulf %mul3A_201, %gather3A_211 : vector<16xf32>
          %add3A_213 = arith.addf %add3A_194, %mul3A_212 : vector<16xf32>
          %add3A_214 = arith.constant 0 : i32
          %add3A_215 = vector.broadcast %add3A_214 : i32 to vector<16xi32>
          %add3A_216 = arith.addi %add3A_176, %add3A_215 : vector<16xi32>
          %gather3A_217 = tpu.vector_load_idx %arg8[%add3A_216, %broadcast_in_dim3A_21] : memref<3712x8xf32, #tpu.memory_space<vmem>>[vector<16xi32>, vector<16xi32>], vector<16xf32>,
          %mul3A_218 = arith.mulf %mul3A_201, %gather3A_217 : vector<16xf32>
          %add3A_219 = arith.addf %add3A_200, %mul3A_218 : vector<16xf32>
          %mul3A_220 = arith.mulf %get3A_154, %get3A_142 : vector<16xf32>
          %add3A_221 = arith.constant 16 : i32
          %add3A_222 = vector.broadcast %add3A_221 : i32 to vector<16xi32>
          %add3A_223 = arith.addi %add3A_176, %add3A_222 : vector<16xi32>
          %gather3A_224 = tpu.vector_load_idx %arg8[%add3A_223, %broadcast_in_dim3A_23] : memref<3712x8xf32, #tpu.memory_space<vmem>>[vector<16xi32>, vector<16xi32>], vector<16xf32>,
          %mul3A_225 = arith.mulf %mul3A_220, %gather3A_224 : vector<16xf32>
          %add3A_226 = arith.addf %add3A_207, %mul3A_225 : vector<16xf32>
          %add3A_227 = arith.constant 16 : i32
          %add3A_228 = vector.broadcast %add3A_227 : i32 to vector<16xi32>
          %add3A_229 = arith.addi %add3A_176, %add3A_228 : vector<16xi32>
          %gather3A_230 = tpu.vector_load_idx %arg8[%add3A_229, %broadcast_in_dim3A_25] : memref<3712x8xf32, #tpu.memory_space<vmem>>[vector<16xi32>, vector<16xi32>], vector<16xf32>,
          %mul3A_231 = arith.mulf %mul3A_220, %gather3A_230 : vector<16xf32>
          %add3A_232 = arith.addf %add3A_213, %mul3A_231 : vector<16xf32>
          %add3A_233 = arith.constant 16 : i32
          %add3A_234 = vector.broadcast %add3A_233 : i32 to vector<16xi32>
          %add3A_235 = arith.addi %add3A_176, %add3A_234 : vector<16xi32>
          %gather3A_236 = tpu.vector_load_idx %arg8[%add3A_235, %broadcast_in_dim3A_27] : memref<3712x8xf32, #tpu.memory_space<vmem>>[vector<16xi32>, vector<16xi32>], vector<16xf32>,
          %mul3A_237 = arith.mulf %mul3A_220, %gather3A_236 : vector<16xf32>
          %add3A_238 = arith.addf %add3A_219, %mul3A_237 : vector<16xf32>
          %mul3A_239 = arith.mulf %get3A_154, %get3A_148 : vector<16xf32>
          %add3A_240 = arith.constant 16 : i32
          %add3A_241 = vector.broadcast %add3A_240 : i32 to vector<16xi32>
          %add3A_242 = arith.addi %add3A_176, %add3A_241 : vector<16xi32>
          %gather3A_243 = tpu.vector_load_idx %arg8[%add3A_242, %broadcast_in_dim3A_29] : memref<3712x8xf32, #tpu.memory_space<vmem>>[vector<16xi32>, vector<16xi32>], vector<16xf32>,
          %mul3A_244 = arith.mulf %mul3A_239, %gather3A_243 : vector<16xf32>
          %add3A_245 = arith.addf %add3A_226, %mul3A_244 : vector<16xf32>
          %add3A_246 = arith.constant 16 : i32
          %add3A_247 = vector.broadcast %add3A_246 : i32 to vector<16xi32>
          %add3A_248 = arith.addi %add3A_176, %add3A_247 : vector<16xi32>
          %gather3A_249 = tpu.vector_load_idx %arg8[%add3A_248, %broadcast_in_dim3A_31] : memref<3712x8xf32, #tpu.memory_space<vmem>>[vector<16xi32>, vector<16xi32>], vector<16xf32>,
          %mul3A_250 = arith.mulf %mul3A_239, %gather3A_249 : vector<16xf32>
          %add3A_251 = arith.addf %add3A_232, %mul3A_250 : vector<16xf32>
          %add3A_252 = arith.constant 16 : i32
          %add3A_253 = vector.broadcast %add3A_252 : i32 to vector<16xi32>
          %add3A_254 = arith.addi %add3A_176, %add3A_253 : vector<16xi32>
          %gather3A_255 = tpu.vector_load_idx %arg8[%add3A_254, %broadcast_in_dim3A_33] : memref<3712x8xf32, #tpu.memory_space<vmem>>[vector<16xi32>, vector<16xi32>], vector<16xf32>,
          %mul3A_256 = arith.mulf %mul3A_239, %gather3A_255 : vector<16xf32>
          %add3A_257 = arith.addf %add3A_238, %mul3A_256 : vector<16xf32>
          %mul3A_258 = arith.mulf %get3A_160, %get3A_130 : vector<16xf32>
          %add3A_259 = arith.constant 32 : i32
          %add3A_260 = vector.broadcast %add3A_259 : i32 to vector<16xi32>
          %add3A_261 = arith.addi %add3A_176, %add3A_260 : vector<16xi32>
          %gather3A_262 = tpu.vector_load_idx %arg8[%add3A_261, %broadcast_in_dim3A_11] : memref<3712x8xf32, #tpu.memory_space<vmem>>[vector<16xi32>, vector<16xi32>], vector<16xf32>,
          %mul3A_263 = arith.mulf %mul3A_258, %gather3A_262 : vector<16xf32>
          %add3A_264 = arith.addf %add3A_245, %mul3A_263 : vector<16xf32>
          %add3A_265 = arith.constant 32 : i32
          %add3A_266 = vector.broadcast %add3A_265 : i32 to vector<16xi32>
          %add3A_267 = arith.addi %add3A_176, %add3A_266 : vector<16xi32>
          %gather3A_268 = tpu.vector_load_idx %arg8[%add3A_267, %broadcast_in_dim3A_13] : memref<3712x8xf32, #tpu.memory_space<vmem>>[vector<16xi32>, vector<16xi32>], vector<16xf32>,
          %mul3A_269 = arith.mulf %mul3A_258, %gather3A_268 : vector<16xf32>
          %add3A_270 = arith.addf %add3A_251, %mul3A_269 : vector<16xf32>
          %add3A_271 = arith.constant 32 : i32
          %add3A_272 = vector.broadcast %add3A_271 : i32 to vector<16xi32>
          %add3A_273 = arith.addi %add3A_176, %add3A_272 : vector<16xi32>
          %gather3A_274 = tpu.vector_load_idx %arg8[%add3A_273, %broadcast_in_dim3A_15] : memref<3712x8xf32, #tpu.memory_space<vmem>>[vector<16xi32>, vector<16xi32>], vector<16xf32>,
          %mul3A_275 = arith.mulf %mul3A_258, %gather3A_274 : vector<16xf32>
          %add3A_276 = arith.addf %add3A_257, %mul3A_275 : vector<16xf32>
          %mul3A_277 = arith.mulf %get3A_160, %get3A_136 : vector<16xf32>
          %add3A_278 = arith.constant 32 : i32
          %add3A_279 = vector.broadcast %add3A_278 : i32 to vector<16xi32>
          %add3A_280 = arith.addi %add3A_176, %add3A_279 : vector<16xi32>
          %gather3A_281 = tpu.vector_load_idx %arg8[%add3A_280, %broadcast_in_dim3A_17] : memref<3712x8xf32, #tpu.memory_space<vmem>>[vector<16xi32>, vector<16xi32>], vector<16xf32>,
          %mul3A_282 = arith.mulf %mul3A_277, %gather3A_281 : vector<16xf32>
          %add3A_283 = arith.addf %add3A_264, %mul3A_282 : vector<16xf32>
          %add3A_284 = arith.constant 32 : i32
          %add3A_285 = vector.broadcast %add3A_284 : i32 to vector<16xi32>
          %add3A_286 = arith.addi %add3A_176, %add3A_285 : vector<16xi32>
          %gather3A_287 = tpu.vector_load_idx %arg8[%add3A_286, %broadcast_in_dim3A_19] : memref<3712x8xf32, #tpu.memory_space<vmem>>[vector<16xi32>, vector<16xi32>], vector<16xf32>,
          %mul3A_288 = arith.mulf %mul3A_277, %gather3A_287 : vector<16xf32>
          %add3A_289 = arith.addf %add3A_270, %mul3A_288 : vector<16xf32>
          %add3A_290 = arith.constant 32 : i32
          %add3A_291 = vector.broadcast %add3A_290 : i32 to vector<16xi32>
          %add3A_292 = arith.addi %add3A_176, %add3A_291 : vector<16xi32>
          %gather3A_293 = tpu.vector_load_idx %arg8[%add3A_292, %broadcast_in_dim3A_21] : memref<3712x8xf32, #tpu.memory_space<vmem>>[vector<16xi32>, vector<16xi32>], vector<16xf32>,
          %mul3A_294 = arith.mulf %mul3A_277, %gather3A_293 : vector<16xf32>
          %add3A_295 = arith.addf %add3A_276, %mul3A_294 : vector<16xf32>
          %mul3A_296 = arith.mulf %get3A_160, %get3A_142 : vector<16xf32>
          %add3A_297 = arith.constant 48 : i32
          %add3A_298 = vector.broadcast %add3A_297 : i32 to vector<16xi32>
          %add3A_299 = arith.addi %add3A_176, %add3A_298 : vector<16xi32>
          %gather3A_300 = tpu.vector_load_idx %arg8[%add3A_299, %broadcast_in_dim3A_23] : memref<3712x8xf32, #tpu.memory_space<vmem>>[vector<16xi32>, vector<16xi32>], vector<16xf32>,
          %mul3A_301 = arith.mulf %mul3A_296, %gather3A_300 : vector<16xf32>
          %add3A_302 = arith.addf %add3A_283, %mul3A_301 : vector<16xf32>
          %add3A_303 = arith.constant 48 : i32
          %add3A_304 = vector.broadcast %add3A_303 : i32 to vector<16xi32>
          %add3A_305 = arith.addi %add3A_176, %add3A_304 : vector<16xi32>
          %gather3A_306 = tpu.vector_load_idx %arg8[%add3A_305, %broadcast_in_dim3A_25] : memref<3712x8xf32, #tpu.memory_space<vmem>>[vector<16xi32>, vector<16xi32>], vector<16xf32>,
          %mul3A_307 = arith.mulf %mul3A_296, %gather3A_306 : vector<16xf32>
          %add3A_308 = arith.addf %add3A_289, %mul3A_307 : vector<16xf32>
          %add3A_309 = arith.constant 48 : i32
          %add3A_310 = vector.broadcast %add3A_309 : i32 to vector<16xi32>
          %add3A_311 = arith.addi %add3A_176, %add3A_310 : vector<16xi32>
          %gather3A_312 = tpu.vector_load_idx %arg8[%add3A_311, %broadcast_in_dim3A_27] : memref<3712x8xf32, #tpu.memory_space<vmem>>[vector<16xi32>, vector<16xi32>], vector<16xf32>,
          %mul3A_313 = arith.mulf %mul3A_296, %gather3A_312 : vector<16xf32>
          %add3A_314 = arith.addf %add3A_295, %mul3A_313 : vector<16xf32>
          %mul3A_315 = arith.mulf %get3A_160, %get3A_148 : vector<16xf32>
          %add3A_316 = arith.constant 48 : i32
          %add3A_317 = vector.broadcast %add3A_316 : i32 to vector<16xi32>
          %add3A_318 = arith.addi %add3A_176, %add3A_317 : vector<16xi32>
          %gather3A_319 = tpu.vector_load_idx %arg8[%add3A_318, %broadcast_in_dim3A_29] : memref<3712x8xf32, #tpu.memory_space<vmem>>[vector<16xi32>, vector<16xi32>], vector<16xf32>,
          %mul3A_320 = arith.mulf %mul3A_315, %gather3A_319 : vector<16xf32>
          %add3A_321 = arith.addf %add3A_302, %mul3A_320 : vector<16xf32>
          %add3A_322 = arith.constant 48 : i32
          %add3A_323 = vector.broadcast %add3A_322 : i32 to vector<16xi32>
          %add3A_324 = arith.addi %add3A_176, %add3A_323 : vector<16xi32>
          %gather3A_325 = tpu.vector_load_idx %arg8[%add3A_324, %broadcast_in_dim3A_31] : memref<3712x8xf32, #tpu.memory_space<vmem>>[vector<16xi32>, vector<16xi32>], vector<16xf32>,
          %mul3A_326 = arith.mulf %mul3A_315, %gather3A_325 : vector<16xf32>
          %add3A_327 = arith.addf %add3A_308, %mul3A_326 : vector<16xf32>
          %add3A_328 = arith.constant 48 : i32
          %add3A_329 = vector.broadcast %add3A_328 : i32 to vector<16xi32>
          %add3A_330 = arith.addi %add3A_176, %add3A_329 : vector<16xi32>
          %gather3A_331 = tpu.vector_load_idx %arg8[%add3A_330, %broadcast_in_dim3A_33] : memref<3712x8xf32, #tpu.memory_space<vmem>>[vector<16xi32>, vector<16xi32>], vector<16xf32>,
          %mul3A_332 = arith.mulf %mul3A_315, %gather3A_331 : vector<16xf32>
          %add3A_333 = arith.addf %add3A_314, %mul3A_332 : vector<16xf32>
          %mul3A_334 = arith.mulf %get3A_166, %get3A_130 : vector<16xf32>
          %add3A_335 = arith.constant 64 : i32
          %add3A_336 = vector.broadcast %add3A_335 : i32 to vector<16xi32>
          %add3A_337 = arith.addi %add3A_176, %add3A_336 : vector<16xi32>
          %gather3A_338 = tpu.vector_load_idx %arg8[%add3A_337, %broadcast_in_dim3A_11] : memref<3712x8xf32, #tpu.memory_space<vmem>>[vector<16xi32>, vector<16xi32>], vector<16xf32>,
          %mul3A_339 = arith.mulf %mul3A_334, %gather3A_338 : vector<16xf32>
          %add3A_340 = arith.addf %add3A_321, %mul3A_339 : vector<16xf32>
          %add3A_341 = arith.constant 64 : i32
          %add3A_342 = vector.broadcast %add3A_341 : i32 to vector<16xi32>
          %add3A_343 = arith.addi %add3A_176, %add3A_342 : vector<16xi32>
          %gather3A_344 = tpu.vector_load_idx %arg8[%add3A_343, %broadcast_in_dim3A_13] : memref<3712x8xf32, #tpu.memory_space<vmem>>[vector<16xi32>, vector<16xi32>], vector<16xf32>,
          %mul3A_345 = arith.mulf %mul3A_334, %gather3A_344 : vector<16xf32>
          %add3A_346 = arith.addf %add3A_327, %mul3A_345 : vector<16xf32>
          %add3A_347 = arith.constant 64 : i32
          %add3A_348 = vector.broadcast %add3A_347 : i32 to vector<16xi32>
          %add3A_349 = arith.addi %add3A_176, %add3A_348 : vector<16xi32>
          %gather3A_350 = tpu.vector_load_idx %arg8[%add3A_349, %broadcast_in_dim3A_15] : memref<3712x8xf32, #tpu.memory_space<vmem>>[vector<16xi32>, vector<16xi32>], vector<16xf32>,
          %mul3A_351 = arith.mulf %mul3A_334, %gather3A_350 : vector<16xf32>
          %add3A_352 = arith.addf %add3A_333, %mul3A_351 : vector<16xf32>
          %mul3A_353 = arith.mulf %get3A_166, %get3A_136 : vector<16xf32>
          %add3A_354 = arith.constant 64 : i32
          %add3A_355 = vector.broadcast %add3A_354 : i32 to vector<16xi32>
          %add3A_356 = arith.addi %add3A_176, %add3A_355 : vector<16xi32>
          %gather3A_357 = tpu.vector_load_idx %arg8[%add3A_356, %broadcast_in_dim3A_17] : memref<3712x8xf32, #tpu.memory_space<vmem>>[vector<16xi32>, vector<16xi32>], vector<16xf32>,
          %mul3A_358 = arith.mulf %mul3A_353, %gather3A_357 : vector<16xf32>
          %add3A_359 = arith.addf %add3A_340, %mul3A_358 : vector<16xf32>
          %add3A_360 = arith.constant 64 : i32
          %add3A_361 = vector.broadcast %add3A_360 : i32 to vector<16xi32>
          %add3A_362 = arith.addi %add3A_176, %add3A_361 : vector<16xi32>
          %gather3A_363 = tpu.vector_load_idx %arg8[%add3A_362, %broadcast_in_dim3A_19] : memref<3712x8xf32, #tpu.memory_space<vmem>>[vector<16xi32>, vector<16xi32>], vector<16xf32>,
          %mul3A_364 = arith.mulf %mul3A_353, %gather3A_363 : vector<16xf32>
          %add3A_365 = arith.addf %add3A_346, %mul3A_364 : vector<16xf32>
          %add3A_366 = arith.constant 64 : i32
          %add3A_367 = vector.broadcast %add3A_366 : i32 to vector<16xi32>
          %add3A_368 = arith.addi %add3A_176, %add3A_367 : vector<16xi32>
          %gather3A_369 = tpu.vector_load_idx %arg8[%add3A_368, %broadcast_in_dim3A_21] : memref<3712x8xf32, #tpu.memory_space<vmem>>[vector<16xi32>, vector<16xi32>], vector<16xf32>,
          %mul3A_370 = arith.mulf %mul3A_353, %gather3A_369 : vector<16xf32>
          %add3A_371 = arith.addf %add3A_352, %mul3A_370 : vector<16xf32>
          %mul3A_372 = arith.mulf %get3A_166, %get3A_142 : vector<16xf32>
          %add3A_373 = arith.constant 80 : i32
          %add3A_374 = vector.broadcast %add3A_373 : i32 to vector<16xi32>
          %add3A_375 = arith.addi %add3A_176, %add3A_374 : vector<16xi32>
          %gather3A_376 = tpu.vector_load_idx %arg8[%add3A_375, %broadcast_in_dim3A_23] : memref<3712x8xf32, #tpu.memory_space<vmem>>[vector<16xi32>, vector<16xi32>], vector<16xf32>,
          %mul3A_377 = arith.mulf %mul3A_372, %gather3A_376 : vector<16xf32>
          %add3A_378 = arith.addf %add3A_359, %mul3A_377 : vector<16xf32>
          %add3A_379 = arith.constant 80 : i32
          %add3A_380 = vector.broadcast %add3A_379 : i32 to vector<16xi32>
          %add3A_381 = arith.addi %add3A_176, %add3A_380 : vector<16xi32>
          %gather3A_382 = tpu.vector_load_idx %arg8[%add3A_381, %broadcast_in_dim3A_25] : memref<3712x8xf32, #tpu.memory_space<vmem>>[vector<16xi32>, vector<16xi32>], vector<16xf32>,
          %mul3A_383 = arith.mulf %mul3A_372, %gather3A_382 : vector<16xf32>
          %add3A_384 = arith.addf %add3A_365, %mul3A_383 : vector<16xf32>
          %add3A_385 = arith.constant 80 : i32
          %add3A_386 = vector.broadcast %add3A_385 : i32 to vector<16xi32>
          %add3A_387 = arith.addi %add3A_176, %add3A_386 : vector<16xi32>
          %gather3A_388 = tpu.vector_load_idx %arg8[%add3A_387, %broadcast_in_dim3A_27] : memref<3712x8xf32, #tpu.memory_space<vmem>>[vector<16xi32>, vector<16xi32>], vector<16xf32>,
          %mul3A_389 = arith.mulf %mul3A_372, %gather3A_388 : vector<16xf32>
          %add3A_390 = arith.addf %add3A_371, %mul3A_389 : vector<16xf32>
          %mul3A_391 = arith.mulf %get3A_166, %get3A_148 : vector<16xf32>
          %add3A_392 = arith.constant 80 : i32
          %add3A_393 = vector.broadcast %add3A_392 : i32 to vector<16xi32>
          %add3A_394 = arith.addi %add3A_176, %add3A_393 : vector<16xi32>
          %gather3A_395 = tpu.vector_load_idx %arg8[%add3A_394, %broadcast_in_dim3A_29] : memref<3712x8xf32, #tpu.memory_space<vmem>>[vector<16xi32>, vector<16xi32>], vector<16xf32>,
          %mul3A_396 = arith.mulf %mul3A_391, %gather3A_395 : vector<16xf32>
          %add3A_397 = arith.addf %add3A_378, %mul3A_396 : vector<16xf32>
          %add3A_398 = arith.constant 80 : i32
          %add3A_399 = vector.broadcast %add3A_398 : i32 to vector<16xi32>
          %add3A_400 = arith.addi %add3A_176, %add3A_399 : vector<16xi32>
          %gather3A_401 = tpu.vector_load_idx %arg8[%add3A_400, %broadcast_in_dim3A_31] : memref<3712x8xf32, #tpu.memory_space<vmem>>[vector<16xi32>, vector<16xi32>], vector<16xf32>,
          %mul3A_402 = arith.mulf %mul3A_391, %gather3A_401 : vector<16xf32>
          %add3A_403 = arith.addf %add3A_384, %mul3A_402 : vector<16xf32>
          %add3A_404 = arith.constant 80 : i32
          %add3A_405 = vector.broadcast %add3A_404 : i32 to vector<16xi32>
          %add3A_406 = arith.addi %add3A_176, %add3A_405 : vector<16xi32>
          %gather3A_407 = tpu.vector_load_idx %arg8[%add3A_406, %broadcast_in_dim3A_33] : memref<3712x8xf32, #tpu.memory_space<vmem>>[vector<16xi32>, vector<16xi32>], vector<16xf32>,
          %mul3A_408 = arith.mulf %mul3A_391, %gather3A_407 : vector<16xf32>
          %add3A_409 = arith.addf %add3A_390, %mul3A_408 : vector<16xf32>
          %mul3A_410 = arith.mulf %get3A_172, %get3A_130 : vector<16xf32>
          %add3A_411 = arith.constant 96 : i32
          %add3A_412 = vector.broadcast %add3A_411 : i32 to vector<16xi32>
          %add3A_413 = arith.addi %add3A_176, %add3A_412 : vector<16xi32>
          %gather3A_414 = tpu.vector_load_idx %arg8[%add3A_413, %broadcast_in_dim3A_11] : memref<3712x8xf32, #tpu.memory_space<vmem>>[vector<16xi32>, vector<16xi32>], vector<16xf32>,
          %mul3A_415 = arith.mulf %mul3A_410, %gather3A_414 : vector<16xf32>
          %add3A_416 = arith.addf %add3A_397, %mul3A_415 : vector<16xf32>
          %add3A_417 = arith.constant 96 : i32
          %add3A_418 = vector.broadcast %add3A_417 : i32 to vector<16xi32>
          %add3A_419 = arith.addi %add3A_176, %add3A_418 : vector<16xi32>
          %gather3A_420 = tpu.vector_load_idx %arg8[%add3A_419, %broadcast_in_dim3A_13] : memref<3712x8xf32, #tpu.memory_space<vmem>>[vector<16xi32>, vector<16xi32>], vector<16xf32>,
          %mul3A_421 = arith.mulf %mul3A_410, %gather3A_420 : vector<16xf32>
          %add3A_422 = arith.addf %add3A_403, %mul3A_421 : vector<16xf32>
          %add3A_423 = arith.constant 96 : i32
          %add3A_424 = vector.broadcast %add3A_423 : i32 to vector<16xi32>
          %add3A_425 = arith.addi %add3A_176, %add3A_424 : vector<16xi32>
          %gather3A_426 = tpu.vector_load_idx %arg8[%add3A_425, %broadcast_in_dim3A_15] : memref<3712x8xf32, #tpu.memory_space<vmem>>[vector<16xi32>, vector<16xi32>], vector<16xf32>,
          %mul3A_427 = arith.mulf %mul3A_410, %gather3A_426 : vector<16xf32>
          %add3A_428 = arith.addf %add3A_409, %mul3A_427 : vector<16xf32>
          %mul3A_429 = arith.mulf %get3A_172, %get3A_136 : vector<16xf32>
          %add3A_430 = arith.constant 96 : i32
          %add3A_431 = vector.broadcast %add3A_430 : i32 to vector<16xi32>
          %add3A_432 = arith.addi %add3A_176, %add3A_431 : vector<16xi32>
          %gather3A_433 = tpu.vector_load_idx %arg8[%add3A_432, %broadcast_in_dim3A_17] : memref<3712x8xf32, #tpu.memory_space<vmem>>[vector<16xi32>, vector<16xi32>], vector<16xf32>,
          %mul3A_434 = arith.mulf %mul3A_429, %gather3A_433 : vector<16xf32>
          %add3A_435 = arith.addf %add3A_416, %mul3A_434 : vector<16xf32>
          %add3A_436 = arith.constant 96 : i32
          %add3A_437 = vector.broadcast %add3A_436 : i32 to vector<16xi32>
          %add3A_438 = arith.addi %add3A_176, %add3A_437 : vector<16xi32>
          %gather3A_439 = tpu.vector_load_idx %arg8[%add3A_438, %broadcast_in_dim3A_19] : memref<3712x8xf32, #tpu.memory_space<vmem>>[vector<16xi32>, vector<16xi32>], vector<16xf32>,
          %mul3A_440 = arith.mulf %mul3A_429, %gather3A_439 : vector<16xf32>
          %add3A_441 = arith.addf %add3A_422, %mul3A_440 : vector<16xf32>
          %add3A_442 = arith.constant 96 : i32
          %add3A_443 = vector.broadcast %add3A_442 : i32 to vector<16xi32>
          %add3A_444 = arith.addi %add3A_176, %add3A_443 : vector<16xi32>
          %gather3A_445 = tpu.vector_load_idx %arg8[%add3A_444, %broadcast_in_dim3A_21] : memref<3712x8xf32, #tpu.memory_space<vmem>>[vector<16xi32>, vector<16xi32>], vector<16xf32>,
          %mul3A_446 = arith.mulf %mul3A_429, %gather3A_445 : vector<16xf32>
          %add3A_447 = arith.addf %add3A_428, %mul3A_446 : vector<16xf32>
          %mul3A_448 = arith.mulf %get3A_172, %get3A_142 : vector<16xf32>
          %add3A_449 = arith.constant 112 : i32
          %add3A_450 = vector.broadcast %add3A_449 : i32 to vector<16xi32>
          %add3A_451 = arith.addi %add3A_176, %add3A_450 : vector<16xi32>
          %gather3A_452 = tpu.vector_load_idx %arg8[%add3A_451, %broadcast_in_dim3A_23] : memref<3712x8xf32, #tpu.memory_space<vmem>>[vector<16xi32>, vector<16xi32>], vector<16xf32>,
          %mul3A_453 = arith.mulf %mul3A_448, %gather3A_452 : vector<16xf32>
          %add3A_454 = arith.addf %add3A_435, %mul3A_453 : vector<16xf32>
          %add3A_455 = arith.constant 112 : i32
          %add3A_456 = vector.broadcast %add3A_455 : i32 to vector<16xi32>
          %add3A_457 = arith.addi %add3A_176, %add3A_456 : vector<16xi32>
          %gather3A_458 = tpu.vector_load_idx %arg8[%add3A_457, %broadcast_in_dim3A_25] : memref<3712x8xf32, #tpu.memory_space<vmem>>[vector<16xi32>, vector<16xi32>], vector<16xf32>,
          %mul3A_459 = arith.mulf %mul3A_448, %gather3A_458 : vector<16xf32>
          %add3A_460 = arith.addf %add3A_441, %mul3A_459 : vector<16xf32>
          %add3A_461 = arith.constant 112 : i32
          %add3A_462 = vector.broadcast %add3A_461 : i32 to vector<16xi32>
          %add3A_463 = arith.addi %add3A_176, %add3A_462 : vector<16xi32>
          %gather3A_464 = tpu.vector_load_idx %arg8[%add3A_463, %broadcast_in_dim3A_27] : memref<3712x8xf32, #tpu.memory_space<vmem>>[vector<16xi32>, vector<16xi32>], vector<16xf32>,
          %mul3A_465 = arith.mulf %mul3A_448, %gather3A_464 : vector<16xf32>
          %add3A_466 = arith.addf %add3A_447, %mul3A_465 : vector<16xf32>
          %mul3A_467 = arith.mulf %get3A_172, %get3A_148 : vector<16xf32>
          %add3A_468 = arith.constant 112 : i32
          %add3A_469 = vector.broadcast %add3A_468 : i32 to vector<16xi32>
          %add3A_470 = arith.addi %add3A_176, %add3A_469 : vector<16xi32>
          %gather3A_471 = tpu.vector_load_idx %arg8[%add3A_470, %broadcast_in_dim3A_29] : memref<3712x8xf32, #tpu.memory_space<vmem>>[vector<16xi32>, vector<16xi32>], vector<16xf32>,
          %mul3A_472 = arith.mulf %mul3A_467, %gather3A_471 : vector<16xf32>
          %add3A_473 = arith.addf %add3A_454, %mul3A_472 : vector<16xf32>
          %add3A_474 = arith.constant 112 : i32
          %add3A_475 = vector.broadcast %add3A_474 : i32 to vector<16xi32>
          %add3A_476 = arith.addi %add3A_176, %add3A_475 : vector<16xi32>
          %gather3A_477 = tpu.vector_load_idx %arg8[%add3A_476, %broadcast_in_dim3A_31] : memref<3712x8xf32, #tpu.memory_space<vmem>>[vector<16xi32>, vector<16xi32>], vector<16xf32>,
          %mul3A_478 = arith.mulf %mul3A_467, %gather3A_477 : vector<16xf32>
          %add3A_479 = arith.addf %add3A_460, %mul3A_478 : vector<16xf32>
          %add3A_480 = arith.constant 112 : i32
          %add3A_481 = vector.broadcast %add3A_480 : i32 to vector<16xi32>
          %add3A_482 = arith.addi %add3A_176, %add3A_481 : vector<16xi32>
          %gather3A_483 = tpu.vector_load_idx %arg8[%add3A_482, %broadcast_in_dim3A_33] : memref<3712x8xf32, #tpu.memory_space<vmem>>[vector<16xi32>, vector<16xi32>], vector<16xf32>,
          %mul3A_484 = arith.mulf %mul3A_467, %gather3A_483 : vector<16xf32>
          %add3A_485 = arith.addf %add3A_466, %mul3A_484 : vector<16xf32>
          %mul3A_486 = arith.constant 16 : i32
          %mul3A_487 = arith.muli %scan3A_124, %mul3A_486 : i32
          %swap3A = arith.constant 0 : i32
          %swap3A_488 = arith.index_cast %swap3A : i32 to index
          %swap3A_489 = arith.index_cast %mul3A_487 : i32 to index
          %swap3A_490 = tpu.vector_load %arg10[%swap3A_488, %swap3A_489] {strides = array<i32>} : memref<4x464xf32, #tpu.memory_space<vmem>>, vector<16xf32>,
          tpu.vector_store %arg10[%swap3A_488, %swap3A_489], %add3A_473 {strides = array<i32>} : memref<4x464xf32, #tpu.memory_space<vmem>>, vector<16xf32>,
          %mul3A_491 = arith.constant 16 : i32
          %mul3A_492 = arith.muli %scan3A_124, %mul3A_491 : i32
          %swap3A_493 = arith.constant 1 : i32
          %swap3A_494 = arith.index_cast %swap3A_493 : i32 to index
          %swap3A_495 = arith.index_cast %mul3A_492 : i32 to index
          %swap3A_496 = tpu.vector_load %arg10[%swap3A_494, %swap3A_495] {strides = array<i32>} : memref<4x464xf32, #tpu.memory_space<vmem>>, vector<16xf32>,
          tpu.vector_store %arg10[%swap3A_494, %swap3A_495], %add3A_479 {strides = array<i32>} : memref<4x464xf32, #tpu.memory_space<vmem>>, vector<16xf32>,
          %mul3A_497 = arith.constant 16 : i32
          %mul3A_498 = arith.muli %scan3A_124, %mul3A_497 : i32
          %swap3A_499 = arith.constant 2 : i32
          %swap3A_500 = arith.index_cast %swap3A_499 : i32 to index
          %swap3A_501 = arith.index_cast %mul3A_498 : i32 to index
          %swap3A_502 = tpu.vector_load %arg10[%swap3A_500, %swap3A_501] {strides = array<i32>} : memref<4x464xf32, #tpu.memory_space<vmem>>, vector<16xf32>,
          tpu.vector_store %arg10[%swap3A_500, %swap3A_501], %add3A_485 {strides = array<i32>} : memref<4x464xf32, #tpu.memory_space<vmem>>, vector<16xf32>,
          %scan3A_503 = arith.constant 0 : i32
          scf.yield %scan3A_503 : i32
        }
        %scan3A_123 = arith.constant 14 : i32
        "tpu.region"() ({
          %run_scoped3A = tpu.sem_alloc : memref<!tpu.dma_semaphore, #tpu.memory_space<semaphore_mem>>
          %dma_start3A_124 = arith.constant 0 : i32
          %dma_start3A_125 = arith.constant 0 : i32
          %dma_start3A_126 = tpu.memref_slice %arg4[%add3A_49, %dma_start3A_124, %dma_start3A_125] : memref<690x4x464xf32, #tpu.memory_space<hbm>> -> memref<1x4x464xf32, #tpu.memory_space<hbm>>
          %dma_start3A_127 = tpu.memref_squeeze %dma_start3A_126 : memref<1x4x464xf32, #tpu.memory_space<hbm>> -> memref<4x464xf32, #tpu.memory_space<hbm>>
          %dma_start3A_128 = arith.constant 0 : i32
          %dma_start3A_129 = arith.constant 0 : i32
          %dma_start3A_130 = tpu.memref_slice %arg4[%add3A_49, %dma_start3A_128, %dma_start3A_129] : memref<690x4x464xf32, #tpu.memory_space<hbm>> -> memref<1x4x464xf32, #tpu.memory_space<hbm>>
          %dma_start3A_131 = tpu.memref_squeeze %dma_start3A_130 : memref<1x4x464xf32, #tpu.memory_space<hbm>> -> memref<4x464xf32, #tpu.memory_space<hbm>>
          tpu.enqueue_dma source(%arg10 : memref<4x464xf32, #tpu.memory_space<vmem>>) target(%dma_start3A_131 : memref<4x464xf32, #tpu.memory_space<hbm>>) target_semaphore(%run_scoped3A : memref<!tpu.dma_semaphore, #tpu.memory_space<semaphore_mem>>)
          %dma_wait3A_132 = arith.constant 0 : i32
          %dma_wait3A_133 = arith.constant 0 : i32
          %dma_wait3A_134 = tpu.memref_slice %arg4[%add3A_49, %dma_wait3A_132, %dma_wait3A_133] : memref<690x4x464xf32, #tpu.memory_space<hbm>> -> memref<1x4x464xf32, #tpu.memory_space<hbm>>
          %dma_wait3A_135 = tpu.memref_squeeze %dma_wait3A_134 : memref<1x4x464xf32, #tpu.memory_space<hbm>> -> memref<4x464xf32, #tpu.memory_space<hbm>>
          %dma_wait3A_136 = arith.constant 0 : i32
          %dma_wait3A_137 = arith.constant 0 : i32
          %dma_wait3A_138 = tpu.memref_slice %arg4[%add3A_49, %dma_wait3A_136, %dma_wait3A_137] : memref<690x4x464xf32, #tpu.memory_space<hbm>> -> memref<1x4x464xf32, #tpu.memory_space<hbm>>
          %dma_wait3A_139 = tpu.memref_squeeze %dma_wait3A_138 : memref<1x4x464xf32, #tpu.memory_space<hbm>> -> memref<4x464xf32, #tpu.memory_space<hbm>>
          tpu.wait_dma2 semaphore(%run_scoped3A : memref<!tpu.dma_semaphore, #tpu.memory_space<semaphore_mem>>) src(%arg10 : memref<4x464xf32, #tpu.memory_space<vmem>>) dst(%dma_wait3A_139 : memref<4x464xf32, #tpu.memory_space<hbm>>)
          tpu.yield
        }) : () -> ()
      } else {
      }
      %scan3A_46 = arith.constant 0 : i32
      scf.yield %scan3A_46 : i32
    }
    %scan3A_39 = arith.constant 22 : i32
    return
  }
}

</mosaic_0001>

<sc_bundles>
// kernel: kernel.3.cloned.1.call-start
scs
__scs_entry_jumppad:
0x0: {  	(pc) =	sbr.rel $0x88, $3  }
0x1: {  	(tag) =	ssettag $0x0;
	lr =	simm.s32 $0x1  }
0x2: {  	[smem:$0x3F9F] =	sst lr;
	_ =	strace $0xD0000000  }
0x3: {  	_ = 	snop  }
0x4: {  	_ = 	snop  }
0x5: {  	_ = 	snop  }
0x6: {  	_ = 	snop  }
0x7: {  	_ = 	snop  }
__scs_overlays_trampoline_lowered:
0x8: {  	[smem:$0x3FAE] =	sst s0  }
0x9: {  	[smem:$0x3FAF] =	sst s1  }
0xa: {  	[smem:$0x3FB0] =	sst s2  }
0xb: {  	[smem:$0x3FB1] =	sst s3  }
0xc: {  	[smem:$0x3FB2] =	sst s4  }
0xd: {  	[smem:$0x3FB3] =	sst s5  }
0xe: {  	[smem:$0x3FB4] =	sst s6  }
0xf: {  	[smem:$0x3FB5] =	sst s7  }
0x10: {  	[smem:$0x3FB6] =	sst s8  }
0x11: {  	[smem:$0x3FB7] =	sst s9;
	s0 =	simm.s32 @!p0 $0x0  }
0x12: {  	s1 =	sld [smem:$0x3F9D];
	s0 =	simm.s32 @p0 $0x1  }
0x13: {  	[smem:$0x3FB8] =	sst s0;
	s0 =	simm.s32 @!p1 $0x0  }
0x14: {  	s2 =	sld [smem:$0x3F9C];
	s0 =	simm.s32 @p1 $0x1  }
0x15: {  	[smem:$0x3FB9] =	sst s0;
	s0 =	simm.s32 @!p2 $0x0  }
0x16: {  	s3 =	sld [smem:$0x3FDB];
	s0 =	simm.s32 @p2 $0x1  }
0x17: {  	s4 =	simm.s32 $0x1BF5;
	[smem:$0x3FBB] =	sst s0  }
0x18: {  	s0 =	sld [smem:$0x3F9E];
	_ =	swait.ge [sflag:s4], $0x0  }
0x19: {  	s7 =	sld [smem:$0x3F9F]  }
0x1a: {  	s8 =	sadd.s32 $0xFFFFE003, lr  }
0x1b: {  	s9 =	sadd.s32 $0xFFFFFEF7, lr;
	s5 =	simm.s32 $0xFFFFFFFF;
	p2 =	slt.u32 s8, $0xFFFFF086  }
0x1c: {  	p1 =	slt.u32 s9, $0xF7A;
	s5 =	simm.s32 @!p2 $0x0  }
0x1d: {  	s5 =	simm.s32 @p1 $0x1;
	p0 =	seq.s32 s7, s2  }
0x1e: {  	s7 =	smul.u32 @!p0 $0xF7A, s2;
	p2 =	seq.s32 @!p0 s5, $0x0  }
0x1f: {  	s9 =	smul.u32 $0xF7A, s1;
	s8 =	simm.s32 @!p0 $0x1BF5;
	p2 =	por !p2, p0  }
0x20: {  	[sflag:s8] =	ssyncset.s32 @!p0 $0xFFFFF086;
	s6 =	sadd.s32 @!p0 s3, s7;
	s7 =	simm.s32 @!p0 $0x108  }
0x21: {  	s3 =	sadd.s32 s3, s9;
	s6 =	sadd.s32 @!p0 $0x88, s6;
	s7 =	simm.s32 @p2 $0x1082  }
0x22: {  	[simem:s7], [sflag:s8] =	dma.local @!p0 [hbm:s6], $0xF7A  }
0x23: {  	s9 =	sor.u32 $0xD0000000, s2;
	s6 =	simm.s32 $0x108;
	_ =	swait.ge @!p0 [sflag:s8], $0x0  }
0x24: {  	s3 =	sadd.s32 $0x88, s3;
	s6 =	simm.s32 @!p1 $0x1082;
	[sflag:s4] =	ssyncset.s32 $0xFFFFF086  }
0x25: {  	[simem:s6], [sflag:s4] =	dma.local [hbm:s3], $0xF7A  }
0x26: {  	[smem:$0x3F9F] =	sst s1;
	(tag) =	ssettag s2;
	_ =	strace s9  }
0x27: {  	s1 =	sld [smem:$0x3FAF]  }
0x28: {  	s2 =	sld [smem:$0x3FB0]  }
0x29: {  	s4 =	sld [smem:$0x3FB2]  }
0x2a: {  	p0 =	seq.s32 s5, $0x0;
	s5 =	sld [smem:$0x3FB3]  }
0x2b: {  	s6 =	sld [smem:$0x3FB4]  }
0x2c: {  	s7 =	sld [smem:$0x3FB5]  }
0x2d: {  	s3 =	simm.s32 $0x108;
	s8 =	sld [smem:$0x3FB6]  }
0x2e: {  	s3 =	simm.s32 @!p0 $0x1082;
	s9 =	sld [smem:$0x3FB7]  }
0x2f: {  	lr =	sadd.s32 s0, s3;
	s0 =	sld [smem:$0x3FAE]  }
0x30: {  	s3 =	sld [smem:$0x3FB1]  }
0x31: {  	[smem:$0x3FBA] =	sst s10  }
0x32: {  	s10 =	sld [smem:$0x3FB8];
	_ =	sdelay $0x3  }
0x33: {  	p0 =	seq.s32 s10, $0x1;
	s10 =	sld [smem:$0x3FBA];
	_ =	sdelay $0x3  }
0x34: {  	[smem:$0x3FBA] =	sst s10  }
0x35: {  	s10 =	sld [smem:$0x3FB9];
	_ =	sdelay $0x3  }
0x36: {  	p1 =	seq.s32 s10, $0x1;
	s10 =	sld [smem:$0x3FBA];
	_ =	sdelay $0x3  }
0x37: {  	[smem:$0x3FBA] =	sst s10  }
0x38: {  	s10 =	sld [smem:$0x3FBB]  }
0x39: {  	_ = 	snop;
	(pc) =	sbr.ind lr, $3  }
0x3a: {  	_ = 	snop  }
0x3b: {  	_ = 	snop  }
0x3c: {  	p2 =	seq.s32 s10, $0x1;
	s10 =	sld [smem:$0x3FBA]  }
0x3d: {  	_ =	shalt  }
0x3e: {  	_ =	shalt  }
0x3f: {  	_ =	shalt  }
0x40: {  	_ =	shalt  }
0x41: {  	_ =	shalt  }
0x42: {  	_ =	shalt  }
0x43: {  	_ =	shalt  }
0x44: {  	_ =	shalt  }
0x45: {  	_ =	shalt  }
0x46: {  	_ =	shalt  }
0x47: {  	_ =	shalt  }
0x48: {  	_ =	shalt  }
0x49: {  	_ =	shalt  }
0x4a: {  	_ =	shalt  }
0x4b: {  	_ =	shalt  }
0x4c: {  	_ =	shalt  }
0x4d: {  	_ =	shalt  }
0x4e: {  	_ =	shalt  }
0x4f: {  	_ =	shalt  }
0x50: {  	_ =	shalt  }
0x51: {  	_ =	shalt  }
0x52: {  	_ =	shalt  }
0x53: {  	_ =	shalt  }
0x54: {  	_ =	shalt  }
0x55: {  	_ =	shalt  }
0x56: {  	_ =	shalt  }
0x57: {  	_ =	shalt  }
0x58: {  	_ =	shalt  }
0x59: {  	_ =	shalt  }
0x5a: {  	_ =	shalt  }
0x5b: {  	_ =	shalt  }
0x5c: {  	_ =	shalt  }
0x5d: {  	_ =	shalt  }
0x5e: {  	_ =	shalt  }
0x5f: {  	_ =	shalt  }
0x60: {  	_ =	shalt  }
0x61: {  	_ =	shalt  }
0x62: {  	_ =	shalt  }
0x63: {  	_ =	shalt  }
0x64: {  	_ =	shalt  }
0x65: {  	_ =	shalt  }
0x66: {  	_ =	shalt  }
0x67: {  	_ =	shalt  }
0x68: {  	_ =	shalt  }
0x69: {  	_ =	shalt  }
0x6a: {  	_ =	shalt  }
0x6b: {  	_ =	shalt  }
0x6c: {  	_ =	shalt  }
0x6d: {  	_ =	shalt  }
0x6e: {  	_ =	shalt  }
0x6f: {  	_ =	shalt  }
0x70: {  	_ =	shalt  }
0x71: {  	_ =	shalt  }
0x72: {  	_ =	shalt  }
0x73: {  	_ =	shalt  }
0x74: {  	_ =	shalt  }
0x75: {  	_ =	shalt  }
0x76: {  	_ =	shalt  }
0x77: {  	_ =	shalt  }
0x78: {  	_ =	shalt  }
0x79: {  	_ =	shalt  }
0x7a: {  	_ =	shalt  }
0x7b: {  	_ =	shalt  }
0x7c: {  	_ =	shalt  }
0x7d: {  	_ =	shalt  }
0x7e: {  	_ =	shalt  }
0x7f: {  	_ =	shalt  }
0x80: {  	_ =	shalt  }
0x81: {  	_ =	shalt  }
0x82: {  	_ =	shalt  }
0x83: {  	_ =	shalt  }
0x84: {  	_ =	shalt  }
0x85: {  	_ =	shalt  }
0x86: {  	_ =	shalt  }
0x87: {  	_ =	shalt  }
.Lfunc_end0:
.L_simem_size_0:
called_computation_lowered:
.L_overlay_start_0:
0x88: {  	s2 =	sld [smem:$0x3FD9]  }
0x89: {  	s3 =	sld [smem:$0x3FFE];
	_ =	sdelay $0x1  }
0x8a: {  	s1 =	srdreg.scid  }
0x8b: {  	s0 =	sand.u32 $0x1, s1  }
0x8c: {  	s17 =	sshll.u32 s0, $0xA;
	s2 =	sadd.s32 s3, s2  }
0x8d: {  	s2 =	sadd.s32 s2, s17  }
0x8e: {  	[smem:$0x3FC6] =	sst s2  }
0x8f: {  	_ = 	snop  }
0x90: {  	s2 =	sld [smem:$0x3FD0];
	(tm) =	ssettm $0x1  }
0x91: {  	s18 =	sld [smem:$0x3FFB];
	_ =	sdelay $0x3  }
0x92: {  	_ =	strace s18  }
0x93: {  	s3 =	sld [smem:$0x3FFC];
	_ =	sdelay $0x3  }
0x94: {  	_ =	strace s3  }
0x95: {  	s3 =	sld [smem:$0x3FFD];
	_ =	sdelay $0x3  }
0x96: {  	_ =	strace s3  }
0x97: {  	_ =	strace $0x8FFFFFFF  }
0x98: {  	s19 =	sld [smem:$0x3FDB];
	_ =	sdelay $0x1  }
0x99: {  	s4 =	simm.s32 $_scs_section_size  }
0x9a: {  	s5 =	simm.s32 $_size__tile_overlayer_lowered;
	s6 =	simm.s32 $_tile_overlayer_lowered  }
0x9b: {  	s22 =	simm.s32 $0x1BFF;
	s21 =	sshll.u32 s6, $0x1;
	s3 =	sadd.s32 s4, s19  }
0x9c: {  	s7 =	simm.s32 $0x0;
	s20 =	sshll.u32 s5, $0x1;
	s5 =	sadd.s32 s21, s3  }
0x9d: {  	[timem:s7], [sflag:s22] =	dma.local [hbm:s5], s20  }
0x9e: {  	_ =	swait.ge [sflag:s22], s20  }
0x9f: {  	s4 =	ssub.s32 $0x0, s20;
	[sflag:s22] =	ssyncset.done $0x0  }
0xa0: {  	[sflag:s22] =	ssyncadd.s32 s4;
	_ =	sdelay $0x1  }
0xa1: {  	s23 =	simm.s32 $0x1B8B  }
0xa2: {  	_ =	swait.ge [sflag:s23], $0x1  }
0xa3: {  	[sflag:s23] =	ssyncset.done $0x0  }
0xa4: {  	s25 =	simm.s32 $0x1B8E;
	s24 =	sld [smem:$0x3FFE];
	[sflag:s23] =	ssyncadd.s32 $0xFFFFFFFF  }
0xa5: {  	s26 =	simm.s32 $execute0_lowered;
	[smem:$0x3FD2] =	sst s25  }
0xa6: {  	s5 =	sshll.u32 s26, $0x1;
	_ =	strace $0x80000046;
	[dreg:$0x1] =	wrdreg $0xFFFFFFFF  }
0xa7: {  	s28 =	simm.s32 $_size_execute0_lowered;
	s3 =	sadd.s32 s3, s5;
	[dreg:$0x0] =	wrdreg $0x0  }
0xa8: {  	s5 =	sshll.u32 s28, $0x1;
	[dreg:$0x2] =	wrdreg s3  }
0xa9: {  	[dreg:$0x3] =	wrdreg s5  }
0xaa: {  	[dreg:$0x4] =	wrdreg $0xC0  }
0xab: {  	_ =	task [dreg:s7], $0x5FFFF  }
0xac: {  	[dreg:$0x1] =	wrdreg $0xFFFFFFFF  }
0xad: {  	[dreg:$0x0] =	wrdreg $0x60  }
0xae: {  	[dreg:$0x2] =	wrdreg s24  }
0xaf: {  	[dreg:$0x3] =	wrdreg s2  }
0xb0: {  	[dreg:$0x4] =	wrdreg $0x0  }
0xb1: {  	[dreg:$0x5] =	wrdreg $0x9  }
0xb2: {  	_ =	task.clear_ibuf [dreg:s7], $0x6FFFF;
	_ =	strace $0x90000046  }
0xb3: {  	s29 =	simm.s32 $0x9;
	_ =	strace $0x80000048  }
0xb4: {  	_ =	swait.ge [sflag:s29], $0x1  }
0xb5: {  	[sflag:s29] =	ssyncadd.s32 $0xFFFFFFFF  }
0xb6: {  	_ =	strace $0x90000048  }
0xb7: {  	_ =	sfence  }
0xb8: {  	s30 =	sld [smem:$0x0];
	_ =	sdelay $0x2  }
0xb9: {  	s31 =	sshll.u32 s1, $0xD;
	s1 =	sshrl.u32 s1, $0x2  }
0xba: {  	s3 =	sand.u32 $0x4000, s31;
	s1 =	sadd.s32 s1, s30  }
0xbb: {  	s0 =	sor.u32 s3, s0;
	s1 =	sshll.u32 s1, $0x11  }
0xbc: {  	s0 =	sor.u32 s1, s0  }
0xbd: {  	s0 =	sadd.s32 $0x8F2B, s0  }
0xbe: {  	[sflag:s0] =	ssyncadd.remote.s32 $0x1  }
0xbf: {  	_ =	sfence.sel $0xFFFF  }
0xc0: {  	[dreg:$0x0] =	wrdreg $0xFFFFFFFF;
	(pc) =	sbr.abs _section_cstart, $3  }
0xc1: {  	[dreg:$0x1] =	wrdreg $0xFFFFFFFF  }
0xc2: {  	_ =	task.clear_ibuf [dreg:s7], $0x2FFFF;
	_ =	strace $0x9FFFFFFF  }
0xc3: {  	(tm) =	ssettm $0x7FFFFFFF  }
tec
execute0_lowered:
.L_overlay_start_1:
0x0: {  	(tag) =	ssettag $0x1  }
0x1: {  	s5 =	rddreg [dreg:$0x0]  }
0x2: {  	s2 =	rddreg [dreg:$0x1]  }
0x3: {  	s3 =	rddreg [dreg:$0x2]  }
0x4: {  	s0 =	srdreg.scid;
	s1 =	rddreg [dreg:$0x3];
	s4 =	simm.s32 $0x0  }
0x5: {  	s12 =	simm.s32 $0x4;
	s13 =	simm.s32 $0x780;
	s14 =	simm.s32 $0x13C48  }
0x6: {  	s15 =	simm.s32 $0x14AC8;
	s16 =	simm.s32 $0x700;
	s17 =	simm.s32 $0x143C8  }
0x7: {  	s18 =	simm.s32 $0x186C8;
	s19 =	simm.s32 $0x2;
	s20 =	simm.s32 $0x1CD48  }
0x8: {  	s21 =	simm.s32 $0x3;
	s8 =	sand.u32 $0x1, s0;
	s0 =	stileid.u32  }
0x9: {  	v0 =	vlaneseq.u32;
	s22 =	simm.s32 $0x0;
	[smem:$0x7FF] =	sst s4;
	s6 =	smul.u32 $0x138A80, s8  }
0xa: {  	v53 =	vmul.u32 $0x8, v0;
	s7 =	smul.u32 $0x138A8, s0;
	s9 =	ssub.s32 $0x2, s8;
	_ =	strace $0x80000047  }
.Ltmp0:
0xb: {  	s31 =	sshll.u32 s0, $0x6;
	s10 =	sshrl.u32 s9, $0x1;
	(pc) =	sbr.rel .LBB2_1-.Ltmp0, $4  }
0xc: {  	s8 =	smul.u32 $0x159, s8;
	v54 =	vor.u32 $0x300, v53;
	[tilespmem:$0x1FFC0] =	vst v53;
	s6 =	sadd.s32 s7, s6;
	s9 =	ssub.s32 s9, s10  }
0xd: {  	v1 =	vimm.s32 $0x0;
	v55 =	vor.u32 $0x280, v53;
	s11 =	sadd.s32 s7, s3;
	s7 =	sor.u32 $0x1C01, s31;
	[tilespmem:$0x1FFD0] =	vst v54;
	s6 =	sshrl.u32 s6, $0x3  }
0xe: {  	v61 =	vor.u32 $0x380, v53;
	v56 =	vor.u32 $0x200, v53;
	v57 =	vor.u32 $0x180, v53;
	[tilespmem:$0x1FFE0] =	vst v55;
	s9 =	smax.u32 s9, $0x1;
	s10 =	sshrl.u32 s11, $0x3;
	s6 =	sadd.s32 s6, s5  }
0xf: {  	v0 =	vimm.f32 $0.0e+00;
	v58 =	vor.u32 $0x100, v53;
	v59 =	vor.u32 $0x80, v53;
	[tilespmem:$0x1FFF0] =	vst v56;
	s11 =	simm.s32 $0x1;
	s5 =	sadd.s32 $0xA00, s5;
	s6 =	sadd.s32 $0x4E3400, s6  }
.LBB2_13:
0x10: {  	s22 =	sadd.s32 $0x1, s22  }
0x11: {  	p0 =	sne.s32 s22, s9  }
.Ltmp1:
0x12: {  	_ = 	snop;
	(pc) =	sbr.rel @!p0 .LBB2_14-.Ltmp1, $1  }
0x13: {  	_ =	sdelay $0x3  }
.LBB2_1:
0x14: {  	[spmem:s10], [sflag:s7] =	dma.local [hbm:s6], $0x2715  }
.Ltmp2:
0x15: {  	_ =	swait.ge [sflag:s11], $0x2715;
	(pc) =	sbr.rel .LBB2_2-.Ltmp2, $4  }
0x16: {  	[sflag:s11] =	ssyncset.done $0x0  }
0x17: {  	[sflag:s11] =	ssyncadd.s32 $0xFFFFD8EB  }
0x18: {  	[bflag:$0x0] =	sbarrier.arrive $0xFFFF  }
0x19: {  	s23 =	simm.s32 $0x0  }
.LBB2_12:
0x1a: {  	s23 =	sadd.s32 $0x1, s23  }
0x1b: {  	p0 =	sne.s32 s23, $0x16  }
.Ltmp3:
0x1c: {  	_ = 	snop;
	(pc) =	sbr.rel @!p0 .LBB2_13-.Ltmp3, $1  }
0x1d: {  	_ =	sdelay $0x3  }
.LBB2_2:
0x1e: {  	s24 =	sshll.u32 s23, $0x4  }
0x1f: {  	s24 =	sor.u32 s0, s24  }
0x20: {  	p0 =	sgt.u32 s24, $0x158  }
.Ltmp4:
0x21: {  	_ = 	snop;
	(pc) =	sbr.rel @p0 .LBB2_12-.Ltmp4, $1  }
0x22: {  	_ =	sdelay $0x3  }
0x23: {  	s24 =	sadd.s32 s8, s24  }
0x24: {  	s25 =	smul.u32 $0x74, s24;
	_ =	sdelay $0x1  }
0x25: {  	s26 =	simm.s32 $0x138A8;
	s28 =	sadd.s32 s2, s25;
	s25 =	simm.s32 $0x0  }
0x26: {  	[tilespmem:s26], [sflag:$0x4] =	stream.linear.gather [hbm4b:s28+s25], $0x3A0, $0x38;
	[tilespmem:$0x1D488] =	vst v63  }
0x27: {  	_ =	swait.ge [sflag:s12], $0x3A0  }
0x28: {  	[sflag:s12] =	ssyncset.done $0x0  }
0x29: {  	[sflag:s12] =	ssyncadd.s32 $0xFFFFFC60  }
0x2a: {  	v11 =	vld [tilespmem:s26+$0x1D0]  }
0x2b: {  	v12 =	vld [tilespmem:s26+$0x0];
	_ =	sdelay $0x3  }
0x2c: {  	v10 =	vtrunc.f32 v11  }
0x2d: {  	v13 =	vtrunc.f32 v12;
	v14 =	vcvt.f32.s32 v10  }
0x2e: {  	v10 =	vcvt.f32.s32 v13  }
0x2f: {  	v13 =	vcvt.s32.f32 v14  }
0x30: {  	v15 =	vcvt.s32.f32 v10  }
0x31: {  	vm0 =	vlt.f32 v11, v13  }
0x32: {  	vm1 =	vlt.f32 v12, v15;
	v16 =	vsel vm0, $0x3F800000, v0;
	v17 =	vsel vm0, $0xFFFFFFFF, v1  }
0x33: {  	v18 =	vsel vm1, $0x3F800000, v0;
	v19 =	vsel vm1, $0xFFFFFFFF, v1;
	v13 =	vsub.f32 v13, v16  }
0x34: {  	v15 =	vsub.f32 v15, v18;
	v10 =	vadd.s32 v10, v19;
	v18 =	vadd.s32 v14, v17  }
0x35: {  	v14 =	vadd.s32 $0x1, v10;
	vm0 =	vgt.s32 v18, $0x0;
	v26 =	vadd.s32 $0x1, v18  }
0x36: {  	v22 =	vadd.s32 $0xFFFFFFFF, v18;
	v25 =	vsub.f32 v11, v13;
	v11 =	vadd.s32 $0x2, v10  }
0x37: {  	v19 =	vnsel vm0, $0x0, v18;
	vm3 =	vgt.s32 v26, $0x0;
	v12 =	vsub.f32 v12, v15  }
0x38: {  	vm1 =	vgt.s32 v22, $0x0;
	vm2 =	vlt.u32 v26, $0x159;
	vm0 =	vgt.s32 v11, $0x0  }
0x39: {  	v27 =	vsub.f32 $2.000000000e+00, v25;
	v13 =	vadd.f32 $1.000000000e+00, v25;
	v15 =	vmul.f32 $1.250000000e+00, v25  }
0x3a: {  	v20 =	vnsel vm0, $0x0, v11;
	vm0 =	vlt.u32 v14, $0x1C8;
	v28 =	vmul.f32 $1.250000000e+00, v12  }
0x3b: {  	v24 =	vsub.f32 $1.000000000e+00, v25;
	v16 =	vsub.f32 $2.000000000e+00, v12;
	v31 =	vmin.u32 v20, $0x1CA  }
0x3c: {  	v20 =	vnsel vm1, $0x0, v22;
	vm1 =	vlt.u32 v18, $0x159;
	v17 =	vmul.f32 $7.500000000e-01, v27  }
0x3d: {  	v14 =	vmul.f32 $7.500000000e-01, v13;
	v15 =	vadd.f32 $-2.250000000e+00, v15;
	v21 =	vmin.u32 v20, $0x158  }
0x3e: {  	v20 =	vsub.f32 $1.000000000e+00, v12;
	v33 =	vmul.f32 $7.500000000e-01, v16;
	v28 =	vadd.f32 $-2.250000000e+00, v28  }
0x3f: {  	v32 =	vmul.f32 $1.250000000e+00, v24;
	v29 =	vsub.f32 $3.750000000e+00, v14;
	v17 =	vsub.f32 $3.750000000e+00, v17  }
0x40: {  	v14 =	vadd.f32 $1.000000000e+00, v12;
	v30 =	vmul.f32 v15, v25;
	v15 =	vshrl.u32 v31, $0x1  }
0x41: {  	v34 =	vmul.f32 $1.250000000e+00, v20;
	v35 =	vsub.f32 $3.750000000e+00, v33;
	v36 =	vmul.f32 v17, v27  }
0x42: {  	v33 =	vand.u32 $0x1, v31;
	v23 =	vmul.f32 $7.500000000e-01, v14;
	v17 =	vmul.f32 v28, v12  }
0x43: {  	s28 =	simm.s32 $0x200;
	v31 =	vadd.f32 $-2.250000000e+00, v34;
	v28 =	vmul.f32 v35, v16;
	v34 =	vadd.f32 $-6.000000000e+00, v36  }
.LBB2_4:
0x44: {  	p0 =	sne.s32 s28, $0x1C00  }
0x45: {  	v29 =	vmul.f32 v29, v13;
	v25 =	vmul.f32 v30, v25;
	v26 =	vnsel vm3, $0x0, v26;
	s26 =	sadd.s32 $0x10, s26;
	s30 =	smov.u32 s28;
	s28 =	sadd.s32 $0x200, s28  }
0x46: {  	vm3 =	vlt.u32 v22, $0x159;
	v27 =	vmul.f32 v34, v27;
	v22 =	vmin.u32 v26, $0x158  }
0x47: {  	v30 =	vadd.f32 $-2.250000000e+00, v32;
	vm4 =	veq.s32 v33, $0x1;
	v26 =	vmul.f32 v31, v20  }
0x48: {  	v18 =	vadd.s32 $0x2, v18;
	v31 =	vsel vm4, $0x159, v1;
	v27 =	vadd.f32 $3.000000000e+00, v27  }
0x49: {  	vm4 =	vlt.u32 v18, $0x159;
	vm5 =	vgt.s32 v18, $0x0;
	v30 =	vmul.f32 v30, v24  }
0x4a: {  	s29 =	sshra.s32 s25, $0x2;
	v19 =	vmin.u32 v19, $0x158;
	s25 =	smov.u32 s30;
	v18 =	vnsel vm5, $0x0, v18;
	v27 =	vnsel vm4, $0x0, v27  }
0x4b: {  	v19 =	vadd.s32 v19, v31;
	v22 =	vadd.s32 v22, v31;
	v24 =	vmul.f32 v30, v24;
	[tilespmem:s29+$0x1BF38] =	vst v27  }
0x4c: {  	v19 =	vmul.u32 $0xE8, v19;
	v22 =	vmul.u32 $0xE8, v22;
	v18 =	vmin.u32 v18, $0x158  }
0x4d: {  	v18 =	vadd.s32 v18, v31;
	v27 =	vadd.f32 $-6.000000000e+00, v28;
	v24 =	vadd.f32 $1.000000000e+00, v24  }
0x4e: {  	v19 =	vadd.s32 v15, v19;
	v22 =	vadd.s32 v15, v22;
	v18 =	vmul.u32 $0xE8, v18  }
0x4f: {  	v28 =	vadd.s32 $0x1, v22;
	v24 =	vnsel vm2, $0x0, v24;
	[tilespmem:s29+$0x13C68] =	vst v19;
	v19 =	vadd.s32 $0x1, v19  }
0x50: {  	v23 =	vsub.f32 $3.750000000e+00, v23;
	v21 =	vadd.s32 v21, v31;
	v18 =	vadd.s32 v15, v18;
	[tilespmem:s29+$0x13C78] =	vst v19  }
0x51: {  	v16 =	vmul.f32 v27, v16;
	v19 =	vmul.f32 v26, v20;
	v20 =	vadd.s32 $0x1, v18;
	[tilespmem:s29+$0x1BF28] =	vst v24  }
0x52: {  	v25 =	vadd.f32 $1.000000000e+00, v25;
	v21 =	vmul.u32 $0xE8, v21;
	v24 =	vadd.f32 $-6.000000000e+00, v29;
	[tilespmem:s29+$0x13CB8] =	vst v20  }
0x53: {  	v16 =	vadd.f32 $3.000000000e+00, v16;
	v20 =	vmul.f32 v23, v14;
	v19 =	vadd.f32 $1.000000000e+00, v19;
	[tilespmem:s29+$0x13CA8] =	vst v18  }
0x54: {  	vm2 =	vlt.u32 v11, $0x1C8;
	v11 =	vnsel vm1, $0x0, v25;
	v13 =	vmul.f32 v24, v13;
	[tilespmem:s29+$0x13C98] =	vst v28  }
0x55: {  	v15 =	vadd.s32 v15, v21;
	v16 =	vnsel vm2, $0x0, v16;
	v18 =	vnsel vm0, $0x0, v19;
	[tilespmem:s29+$0x1BF18] =	vst v11  }
0x56: {  	v12 =	vmul.f32 v17, v12;
	v11 =	vadd.f32 $-6.000000000e+00, v20;
	v13 =	vadd.f32 $3.000000000e+00, v13;
	[tilespmem:s29+$0x13C88] =	vst v22  }
0x57: {  	v17 =	vadd.s32 $0xFFFFFFFF, v10;
	[tilespmem:s29+$0x13C48] =	vst v15;
	v15 =	vadd.s32 $0x1, v15  }
0x58: {  	v12 =	vadd.f32 $1.000000000e+00, v12;
	v11 =	vmul.f32 v11, v14;
	v13 =	vnsel vm3, $0x0, v13;
	[tilespmem:s29+$0x1BEF8] =	vst v16  }
0x59: {  	vm0 =	vlt.u32 v10, $0x1C8;
	[tilespmem:s29+$0x1BEE8] =	vst v18  }
0x5a: {  	v10 =	vadd.f32 $3.000000000e+00, v11;
	v11 =	vnsel vm0, $0x0, v12;
	[tilespmem:s29+$0x1BF08] =	vst v13  }
0x5b: {  	vm0 =	vlt.u32 v17, $0x1C8;
	[tilespmem:s29+$0x1BED8] =	vst v11  }
0x5c: {  	v10 =	vnsel vm0, $0x0, v10;
	[tilespmem:s29+$0x13C58] =	vst v15  }
0x5d: {  	[tilespmem:s29+$0x1BEC8] =	vst v10  }
0x5e: {  	v11 =	vld [tilespmem:s26+$0x1D0]  }
0x5f: {  	v12 =	vld [tilespmem:s26+$0x0];
	_ =	sdelay $0x3  }
0x60: {  	v10 =	vtrunc.f32 v11  }
0x61: {  	v13 =	vtrunc.f32 v12;
	v14 =	vcvt.f32.s32 v10  }
0x62: {  	v10 =	vcvt.f32.s32 v13  }
0x63: {  	v13 =	vcvt.s32.f32 v14  }
0x64: {  	v15 =	vcvt.s32.f32 v10  }
0x65: {  	vm0 =	vlt.f32 v11, v13  }
0x66: {  	vm1 =	vlt.f32 v12, v15;
	v16 =	vsel vm0, $0x3F800000, v0;
	v17 =	vsel vm0, $0xFFFFFFFF, v1  }
0x67: {  	v18 =	vsel vm1, $0x3F800000, v0;
	v19 =	vsel vm1, $0xFFFFFFFF, v1;
	v13 =	vsub.f32 v13, v16  }
0x68: {  	v15 =	vsub.f32 v15, v18;
	v10 =	vadd.s32 v10, v19;
	v18 =	vadd.s32 v14, v17  }
0x69: {  	v25 =	vsub.f32 v11, v13;
	v14 =	vadd.s32 $0x1, v10;
	vm0 =	vgt.s32 v18, $0x0  }
0x6a: {  	v11 =	vadd.s32 $0x2, v10;
	v26 =	vadd.s32 $0x1, v18;
	v19 =	vnsel vm0, $0x0, v18  }
0x6b: {  	vm0 =	vgt.s32 v11, $0x0;
	vm3 =	vgt.s32 v26, $0x0;
	v27 =	vsub.f32 $2.000000000e+00, v25  }
0x6c: {  	v12 =	vsub.f32 v12, v15;
	v13 =	vadd.f32 $1.000000000e+00, v25;
	v15 =	vmul.f32 $1.250000000e+00, v25  }
0x6d: {  	v20 =	vnsel vm0, $0x0, v11;
	vm0 =	vlt.u32 v14, $0x1C8;
	v17 =	vmul.f32 $7.500000000e-01, v27  }
0x6e: {  	v24 =	vsub.f32 $1.000000000e+00, v25;
	v28 =	vmul.f32 $1.250000000e+00, v12;
	v14 =	vmul.f32 $7.500000000e-01, v13  }
0x6f: {  	v22 =	vadd.s32 $0xFFFFFFFF, v18;
	v16 =	vsub.f32 $2.000000000e+00, v12;
	v15 =	vadd.f32 $-2.250000000e+00, v15  }
0x70: {  	vm1 =	vgt.s32 v22, $0x0;
	v31 =	vmin.u32 v20, $0x1CA;
	v29 =	vsub.f32 $3.750000000e+00, v14  }
0x71: {  	v20 =	vnsel vm1, $0x0, v22;
	v14 =	vadd.f32 $1.000000000e+00, v12;
	v30 =	vmul.f32 v15, v25  }
0x72: {  	vm2 =	vlt.u32 v26, $0x159;
	v21 =	vmin.u32 v20, $0x158;
	v15 =	vshrl.u32 v31, $0x1  }
.Ltmp5:
0x73: {  	v20 =	vsub.f32 $1.000000000e+00, v12;
	v33 =	vmul.f32 $7.500000000e-01, v16;
	v17 =	vsub.f32 $3.750000000e+00, v17;
	(pc) =	sbr.rel @p0 .LBB2_4-.Ltmp5, $4  }
0x74: {  	v32 =	vmul.f32 $1.250000000e+00, v24;
	v28 =	vadd.f32 $-2.250000000e+00, v28;
	v23 =	vmul.f32 $7.500000000e-01, v14  }
0x75: {  	v34 =	vmul.f32 $1.250000000e+00, v20;
	v35 =	vsub.f32 $3.750000000e+00, v33;
	v36 =	vmul.f32 v17, v27  }
0x76: {  	vm1 =	vlt.u32 v18, $0x159;
	v33 =	vand.u32 $0x1, v31;
	v17 =	vmul.f32 v28, v12  }
0x77: {  	v31 =	vadd.f32 $-2.250000000e+00, v34;
	v28 =	vmul.f32 v35, v16;
	v34 =	vadd.f32 $-6.000000000e+00, v36  }
0x78: {  	v29 =	vmul.f32 v29, v13  }
0x79: {  	v25 =	vmul.f32 v30, v25;
	v26 =	vnsel vm3, $0x0, v26;
	v30 =	vadd.f32 $-2.250000000e+00, v32  }
0x7a: {  	vm3 =	veq.s32 v33, $0x1;
	v18 =	vadd.s32 $0x2, v18;
	v19 =	vmin.u32 v19, $0x158  }
0x7b: {  	v23 =	vsub.f32 $3.750000000e+00, v23;
	v27 =	vmul.f32 v34, v27;
	v26 =	vmin.u32 v26, $0x158  }
0x7c: {  	v60 =	vsel vm3, $0x159, v1;
	vm3 =	vlt.u32 v18, $0x159;
	vm4 =	vgt.s32 v18, $0x0  }
0x7d: {  	v30 =	vmul.f32 v30, v24;
	v19 =	vadd.s32 v19, v60;
	v27 =	vadd.f32 $3.000000000e+00, v27  }
0x7e: {  	v18 =	vnsel vm4, $0x0, v18;
	v26 =	vadd.s32 v26, v60;
	v19 =	vmul.u32 $0xE8, v19  }
0x7f: {  	s25 =	sshra.s32 s25, $0x2;
	v18 =	vmin.u32 v18, $0x158;
	v26 =	vmul.u32 $0xE8, v26;
	v27 =	vnsel vm3, $0x0, v27  }
0x80: {  	v12 =	vmul.f32 v17, v12;
	v18 =	vadd.s32 v18, v60;
	v19 =	vadd.s32 v15, v19;
	[tilespmem:s25+$0x1BF38] =	vst v27  }
0x81: {  	v24 =	vmul.f32 v30, v24;
	v18 =	vmul.u32 $0xE8, v18;
	v26 =	vadd.s32 v15, v26;
	[tilespmem:s25+$0x13C68] =	vst v19  }
0x82: {  	v28 =	vadd.f32 $-6.000000000e+00, v28;
	v21 =	vadd.s32 v21, v60;
	v19 =	vadd.s32 $0x1, v19;
	[tilespmem:s25+$0x13C88] =	vst v26  }
0x83: {  	v25 =	vadd.f32 $1.000000000e+00, v25;
	v24 =	vadd.f32 $1.000000000e+00, v24;
	[tilespmem:s25+$0x13C78] =	vst v19;
	v18 =	vadd.s32 v15, v18  }
0x84: {  	v12 =	vadd.f32 $1.000000000e+00, v12;
	v16 =	vmul.f32 v28, v16;
	v19 =	vadd.s32 $0x1, v26;
	[tilespmem:s25+$0x13CA8] =	vst v18  }
0x85: {  	v21 =	vmul.u32 $0xE8, v21;
	v27 =	vmul.f32 v31, v20;
	v24 =	vnsel vm2, $0x0, v24;
	[tilespmem:s25+$0x13C98] =	vst v19  }
0x86: {  	v16 =	vadd.f32 $3.000000000e+00, v16;
	[tilespmem:s25+$0x1BF28] =	vst v24;
	v24 =	vadd.s32 $0x1, v18;
	v18 =	vmul.f32 v23, v14  }
0x87: {  	v20 =	vmul.f32 v27, v20;
	v23 =	vnsel vm1, $0x0, v25;
	[tilespmem:s25+$0x13CB8] =	vst v24;
	v24 =	vadd.f32 $-6.000000000e+00, v29  }
0x88: {  	vm1 =	vlt.u32 v11, $0x1C8;
	v11 =	vadd.s32 v15, v21;
	[tilespmem:s25+$0x1BF18] =	vst v23;
	v15 =	vadd.f32 $-6.000000000e+00, v18  }
0x89: {  	v20 =	vadd.f32 $1.000000000e+00, v20;
	v16 =	vnsel vm1, $0x0, v16;
	[tilespmem:s25+$0x13C48] =	vst v11;
	v13 =	vmul.f32 v24, v13  }
0x8a: {  	vm2 =	vlt.u32 v22, $0x159;
	v11 =	vadd.s32 $0x1, v11;
	[tilespmem:s25+$0x1BEF8] =	vst v16;
	v14 =	vmul.f32 v15, v14  }
0x8b: {  	[tilespmem:s25+$0x13C58] =	vst v11;
	v17 =	vnsel vm0, $0x0, v20;
	vm0 =	vlt.u32 v10, $0x1C8;
	v13 =	vadd.f32 $3.000000000e+00, v13  }
0x8c: {  	v10 =	vadd.s32 $0xFFFFFFFF, v10;
	[tilespmem:s25+$0x1BEE8] =	vst v17;
	v12 =	vnsel vm0, $0x0, v12;
	v14 =	vadd.f32 $3.000000000e+00, v14  }
0x8d: {  	vm0 =	vlt.u32 v10, $0x1C8;
	[tilespmem:s25+$0x1BED8] =	vst v12;
	v13 =	vnsel vm2, $0x0, v13  }
0x8e: {  	[tilespmem:s25+$0x1BF08] =	vst v13;
	v10 =	vnsel vm0, $0x0, v14  }
0x8f: {  	[tilespmem:s25+$0x1BEC8] =	vst v10;
	s25 =	simm.s32 $0x13B68  }
0x90: {  	[tilespmem:s15], [sflag:$0x1] =	stream.indirect.gather [spmem:s3], $0x8, s14, s13, $0xb8;
	[tilespmem:$0x1D488] =	vst v63  }
0x91: {  	v11 =	vld [tilespmem:s25+$0x0]  }
0x92: {  	v12 =	vld [tilespmem:s25+$0xFFFFFE30];
	_ =	sdelay $0x3  }
0x93: {  	v10 =	vtrunc.f32 v11  }
0x94: {  	v13 =	vtrunc.f32 v12;
	v14 =	vcvt.f32.s32 v10  }
0x95: {  	v10 =	vcvt.f32.s32 v13  }
0x96: {  	v13 =	vcvt.s32.f32 v14  }
0x97: {  	v15 =	vcvt.s32.f32 v10  }
0x98: {  	vm0 =	vlt.f32 v11, v13  }
0x99: {  	vm1 =	vlt.f32 v12, v15;
	v16 =	vsel vm0, $0x3F800000, v0;
	v17 =	vsel vm0, $0xFFFFFFFF, v1  }
0x9a: {  	v18 =	vsel vm1, $0x3F800000, v0;
	v19 =	vsel vm1, $0xFFFFFFFF, v1;
	v13 =	vsub.f32 v13, v16  }
0x9b: {  	v15 =	vsub.f32 v15, v18;
	v10 =	vadd.s32 v10, v19;
	v18 =	vadd.s32 v14, v17  }
0x9c: {  	v14 =	vadd.s32 $0x1, v10;
	vm0 =	vgt.s32 v18, $0x0;
	v26 =	vadd.s32 $0x1, v18  }
0x9d: {  	v22 =	vadd.s32 $0xFFFFFFFF, v18;
	v25 =	vsub.f32 v11, v13;
	v11 =	vadd.s32 $0x2, v10  }
0x9e: {  	v19 =	vnsel vm0, $0x0, v18;
	vm3 =	vgt.s32 v26, $0x0;
	v12 =	vsub.f32 v12, v15  }
0x9f: {  	vm1 =	vgt.s32 v22, $0x0;
	vm2 =	vlt.u32 v26, $0x159;
	vm0 =	vgt.s32 v11, $0x0  }
0xa0: {  	v27 =	vsub.f32 $2.000000000e+00, v25;
	v13 =	vadd.f32 $1.000000000e+00, v25;
	v15 =	vmul.f32 $1.250000000e+00, v25  }
0xa1: {  	v20 =	vnsel vm0, $0x0, v11;
	vm0 =	vlt.u32 v14, $0x1C8;
	v28 =	vmul.f32 $1.250000000e+00, v12  }
0xa2: {  	v24 =	vsub.f32 $1.000000000e+00, v25;
	v16 =	vsub.f32 $2.000000000e+00, v12;
	v31 =	vmin.u32 v20, $0x1CA  }
0xa3: {  	v20 =	vnsel vm1, $0x0, v22;
	vm1 =	vlt.u32 v18, $0x159;
	v17 =	vmul.f32 $7.500000000e-01, v27  }
0xa4: {  	v14 =	vmul.f32 $7.500000000e-01, v13;
	v15 =	vadd.f32 $-2.250000000e+00, v15;
	v21 =	vmin.u32 v20, $0x158  }
0xa5: {  	v20 =	vsub.f32 $1.000000000e+00, v12;
	v62 =	vmul.f32 $7.500000000e-01, v16;
	v28 =	vadd.f32 $-2.250000000e+00, v28  }
0xa6: {  	v32 =	vmul.f32 $1.250000000e+00, v24;
	v33 =	vand.u32 $0x1, v31;
	v17 =	vsub.f32 $3.750000000e+00, v17  }
0xa7: {  	v29 =	vsub.f32 $3.750000000e+00, v14;
	v14 =	vadd.f32 $1.000000000e+00, v12;
	v30 =	vmul.f32 v15, v25  }
0xa8: {  	v63 =	vmul.f32 $1.250000000e+00, v20;
	v35 =	vsub.f32 $3.750000000e+00, v62;
	v36 =	vmul.f32 v17, v27  }
0xa9: {  	v15 =	vshrl.u32 v31, $0x1;
	v23 =	vmul.f32 $7.500000000e-01, v14;
	v17 =	vmul.f32 v28, v12  }
0xaa: {  	s26 =	simm.s32 $0x0;
	s28 =	simm.s32 $0x200;
	v31 =	vadd.f32 $-2.250000000e+00, v63;
	v28 =	vmul.f32 v35, v16;
	v34 =	vadd.f32 $-6.000000000e+00, v36  }
.LBB2_6:
0xab: {  	p0 =	sne.s32 s28, $0x1A00  }
0xac: {  	v29 =	vmul.f32 v29, v13;
	v25 =	vmul.f32 v30, v25;
	v26 =	vnsel vm3, $0x0, v26;
	s25 =	sadd.s32 $0x10, s25;
	s30 =	smov.u32 s28;
	s28 =	sadd.s32 $0x200, s28  }
0xad: {  	vm3 =	vlt.u32 v22, $0x159;
	v27 =	vmul.f32 v34, v27;
	v22 =	vmin.u32 v26, $0x158  }
0xae: {  	v30 =	vadd.f32 $-2.250000000e+00, v32;
	vm4 =	veq.s32 v33, $0x1;
	v26 =	vmul.f32 v31, v20  }
0xaf: {  	v18 =	vadd.s32 $0x2, v18;
	v31 =	vsel vm4, $0x159, v1;
	v27 =	vadd.f32 $3.000000000e+00, v27  }
0xb0: {  	vm4 =	vlt.u32 v18, $0x159;
	vm5 =	vgt.s32 v18, $0x0;
	v30 =	vmul.f32 v30, v24  }
0xb1: {  	s29 =	sshra.s32 s26, $0x2;
	v19 =	vmin.u32 v19, $0x158;
	s26 =	smov.u32 s30;
	v18 =	vnsel vm5, $0x0, v18;
	v27 =	vnsel vm4, $0x0, v27  }
0xb2: {  	v19 =	vadd.s32 v19, v31;
	v22 =	vadd.s32 v22, v31;
	v24 =	vmul.f32 v30, v24;
	[tilespmem:s29+$0x1C6B8] =	vst v27  }
0xb3: {  	v19 =	vmul.u32 $0xE8, v19;
	v22 =	vmul.u32 $0xE8, v22;
	v18 =	vmin.u32 v18, $0x158  }
0xb4: {  	v18 =	vadd.s32 v18, v31;
	v27 =	vadd.f32 $-6.000000000e+00, v28;
	v24 =	vadd.f32 $1.000000000e+00, v24  }
0xb5: {  	v19 =	vadd.s32 v15, v19;
	v22 =	vadd.s32 v15, v22;
	v18 =	vmul.u32 $0xE8, v18  }
0xb6: {  	v28 =	vadd.s32 $0x1, v22;
	v24 =	vnsel vm2, $0x0, v24;
	[tilespmem:s29+$0x143E8] =	vst v19;
	v19 =	vadd.s32 $0x1, v19  }
0xb7: {  	v23 =	vsub.f32 $3.750000000e+00, v23;
	v21 =	vadd.s32 v21, v31;
	v18 =	vadd.s32 v15, v18;
	[tilespmem:s29+$0x143F8] =	vst v19  }
0xb8: {  	v16 =	vmul.f32 v27, v16;
	v19 =	vmul.f32 v26, v20;
	v20 =	vadd.s32 $0x1, v18;
	[tilespmem:s29+$0x1C6A8] =	vst v24  }
0xb9: {  	v25 =	vadd.f32 $1.000000000e+00, v25;
	v21 =	vmul.u32 $0xE8, v21;
	v24 =	vadd.f32 $-6.000000000e+00, v29;
	[tilespmem:s29+$0x14438] =	vst v20  }
0xba: {  	v16 =	vadd.f32 $3.000000000e+00, v16;
	v20 =	vmul.f32 v23, v14;
	v19 =	vadd.f32 $1.000000000e+00, v19;
	[tilespmem:s29+$0x14428] =	vst v18  }
0xbb: {  	vm2 =	vlt.u32 v11, $0x1C8;
	v11 =	vnsel vm1, $0x0, v25;
	v13 =	vmul.f32 v24, v13;
	[tilespmem:s29+$0x14418] =	vst v28  }
0xbc: {  	v15 =	vadd.s32 v15, v21;
	v16 =	vnsel vm2, $0x0, v16;
	v18 =	vnsel vm0, $0x0, v19;
	[tilespmem:s29+$0x1C698] =	vst v11  }
0xbd: {  	v12 =	vmul.f32 v17, v12;
	v11 =	vadd.f32 $-6.000000000e+00, v20;
	v13 =	vadd.f32 $3.000000000e+00, v13;
	[tilespmem:s29+$0x14408] =	vst v22  }
0xbe: {  	v17 =	vadd.s32 $0xFFFFFFFF, v10;
	[tilespmem:s29+$0x143C8] =	vst v15;
	v15 =	vadd.s32 $0x1, v15  }
0xbf: {  	v12 =	vadd.f32 $1.000000000e+00, v12;
	v11 =	vmul.f32 v11, v14;
	v13 =	vnsel vm3, $0x0, v13;
	[tilespmem:s29+$0x1C678] =	vst v16  }
0xc0: {  	vm0 =	vlt.u32 v10, $0x1C8;
	[tilespmem:s29+$0x1C668] =	vst v18  }
0xc1: {  	v10 =	vadd.f32 $3.000000000e+00, v11;
	v11 =	vnsel vm0, $0x0, v12;
	[tilespmem:s29+$0x1C688] =	vst v13  }
0xc2: {  	vm0 =	vlt.u32 v17, $0x1C8;
	[tilespmem:s29+$0x1C658] =	vst v11  }
0xc3: {  	v10 =	vnsel vm0, $0x0, v10;
	[tilespmem:s29+$0x143D8] =	vst v15  }
0xc4: {  	[tilespmem:s29+$0x1C648] =	vst v10  }
0xc5: {  	v11 =	vld [tilespmem:s25+$0x0]  }
0xc6: {  	v12 =	vld [tilespmem:s25+$0xFFFFFE30];
	_ =	sdelay $0x3  }
0xc7: {  	v10 =	vtrunc.f32 v11  }
0xc8: {  	v13 =	vtrunc.f32 v12;
	v14 =	vcvt.f32.s32 v10  }
0xc9: {  	v10 =	vcvt.f32.s32 v13  }
0xca: {  	v13 =	vcvt.s32.f32 v14  }
0xcb: {  	v15 =	vcvt.s32.f32 v10  }
0xcc: {  	vm0 =	vlt.f32 v11, v13  }
0xcd: {  	vm1 =	vlt.f32 v12, v15;
	v16 =	vsel vm0, $0x3F800000, v0;
	v17 =	vsel vm0, $0xFFFFFFFF, v1  }
0xce: {  	v18 =	vsel vm1, $0x3F800000, v0;
	v19 =	vsel vm1, $0xFFFFFFFF, v1;
	v13 =	vsub.f32 v13, v16  }
0xcf: {  	v15 =	vsub.f32 v15, v18;
	v10 =	vadd.s32 v10, v19;
	v18 =	vadd.s32 v14, v17  }
0xd0: {  	v25 =	vsub.f32 v11, v13;
	v14 =	vadd.s32 $0x1, v10;
	vm0 =	vgt.s32 v18, $0x0  }
0xd1: {  	v11 =	vadd.s32 $0x2, v10;
	v26 =	vadd.s32 $0x1, v18;
	v19 =	vnsel vm0, $0x0, v18  }
0xd2: {  	vm0 =	vgt.s32 v11, $0x0;
	vm3 =	vgt.s32 v26, $0x0;
	v27 =	vsub.f32 $2.000000000e+00, v25  }
0xd3: {  	v12 =	vsub.f32 v12, v15;
	v13 =	vadd.f32 $1.000000000e+00, v25;
	v15 =	vmul.f32 $1.250000000e+00, v25  }
0xd4: {  	v20 =	vnsel vm0, $0x0, v11;
	vm0 =	vlt.u32 v14, $0x1C8;
	v17 =	vmul.f32 $7.500000000e-01, v27  }
0xd5: {  	v24 =	vsub.f32 $1.000000000e+00, v25;
	v28 =	vmul.f32 $1.250000000e+00, v12;
	v14 =	vmul.f32 $7.500000000e-01, v13  }
0xd6: {  	v22 =	vadd.s32 $0xFFFFFFFF, v18;
	v16 =	vsub.f32 $2.000000000e+00, v12;
	v15 =	vadd.f32 $-2.250000000e+00, v15  }
0xd7: {  	vm1 =	vgt.s32 v22, $0x0;
	v31 =	vmin.u32 v20, $0x1CA;
	v29 =	vsub.f32 $3.750000000e+00, v14  }
0xd8: {  	v20 =	vnsel vm1, $0x0, v22;
	v14 =	vadd.f32 $1.000000000e+00, v12;
	v30 =	vmul.f32 v15, v25  }
0xd9: {  	vm2 =	vlt.u32 v26, $0x159;
	v21 =	vmin.u32 v20, $0x158;
	v15 =	vshrl.u32 v31, $0x1  }
.Ltmp6:
0xda: {  	v20 =	vsub.f32 $1.000000000e+00, v12;
	v33 =	vmul.f32 $7.500000000e-01, v16;
	v17 =	vsub.f32 $3.750000000e+00, v17;
	(pc) =	sbr.rel @p0 .LBB2_6-.Ltmp6, $4  }
0xdb: {  	v32 =	vmul.f32 $1.250000000e+00, v24;
	v28 =	vadd.f32 $-2.250000000e+00, v28;
	v23 =	vmul.f32 $7.500000000e-01, v14  }
0xdc: {  	v34 =	vmul.f32 $1.250000000e+00, v20;
	v35 =	vsub.f32 $3.750000000e+00, v33;
	v36 =	vmul.f32 v17, v27  }
0xdd: {  	vm1 =	vlt.u32 v18, $0x159;
	v33 =	vand.u32 $0x1, v31;
	v17 =	vmul.f32 v28, v12  }
0xde: {  	v31 =	vadd.f32 $-2.250000000e+00, v34;
	v28 =	vmul.f32 v35, v16;
	v34 =	vadd.f32 $-6.000000000e+00, v36  }
0xdf: {  	v25 =	vmul.f32 v30, v25;
	v26 =	vnsel vm3, $0x0, v26  }
0xe0: {  	v30 =	vadd.f32 $-2.250000000e+00, v32;
	vm10 =	veq.s32 v33, $0x1;
	v18 =	vadd.s32 $0x2, v18  }
0xe1: {  	v19 =	vmin.u32 v19, $0x158;
	v12 =	vmul.f32 v17, v12;
	vm14 =	vlt.u32 v10, $0x1C8  }
0xe2: {  	v27 =	vmul.f32 v34, v27;
	v26 =	vmin.u32 v26, $0x158;
	v60 =	vsel vm10, $0x159, v1  }
0xe3: {  	vm11 =	vlt.u32 v18, $0x159;
	vm4 =	vgt.s32 v18, $0x0;
	v30 =	vmul.f32 v30, v24  }
0xe4: {  	v18 =	vnsel vm4, $0x0, v18;
	v19 =	vadd.s32 v19, v60;
	v12 =	vadd.f32 $1.000000000e+00, v12  }
0xe5: {  	v26 =	vadd.s32 v26, v60;
	v21 =	vadd.s32 v21, v60;
	v27 =	vadd.f32 $3.000000000e+00, v27  }
0xe6: {  	s25 =	sshra.s32 s26, $0x2;
	v19 =	vmul.u32 $0xE8, v19;
	v18 =	vmin.u32 v18, $0x158;
	v12 =	vnsel vm14, $0x0, v12  }
0xe7: {  	v26 =	vmul.u32 $0xE8, v26;
	v21 =	vmul.u32 $0xE8, v21;
	v27 =	vnsel vm11, $0x0, v27;
	[tilespmem:s25+$0x1C658] =	vst v12  }
0xe8: {  	v24 =	vmul.f32 v30, v24;
	v18 =	vadd.s32 v18, v60;
	v19 =	vadd.s32 v15, v19;
	[tilespmem:s25+$0x1C6B8] =	vst v27  }
0xe9: {  	vm12 =	vlt.u32 v11, $0x1C8;
	v18 =	vmul.u32 $0xE8, v18;
	v26 =	vadd.s32 v15, v26;
	[tilespmem:s25+$0x143E8] =	vst v19  }
0xea: {  	v28 =	vadd.f32 $-6.000000000e+00, v28;
	v11 =	vadd.s32 v15, v21;
	v24 =	vadd.f32 $1.000000000e+00, v24;
	[tilespmem:s25+$0x14408] =	vst v26  }
0xeb: {  	v23 =	vsub.f32 $3.750000000e+00, v23;
	[tilespmem:s25+$0x143C8] =	vst v11;
	v18 =	vadd.s32 v15, v18  }
0xec: {  	v29 =	vmul.f32 v29, v13;
	v16 =	vmul.f32 v28, v16;
	v24 =	vnsel vm2, $0x0, v24;
	[tilespmem:s25+$0x14428] =	vst v18  }
0xed: {  	v27 =	vmul.f32 v31, v20;
	[tilespmem:s25+$0x1C6A8] =	vst v24;
	v24 =	vadd.s32 $0x1, v18;
	v18 =	vmul.f32 v23, v14  }
0xee: {  	v16 =	vadd.f32 $3.000000000e+00, v16;
	v19 =	vadd.s32 $0x1, v19;
	[tilespmem:s25+$0x14438] =	vst v24;
	v24 =	vadd.f32 $-6.000000000e+00, v29  }
0xef: {  	v11 =	vadd.s32 $0x1, v11;
	[tilespmem:s25+$0x143F8] =	vst v19;
	v20 =	vmul.f32 v27, v20;
	v15 =	vadd.f32 $-6.000000000e+00, v18  }
0xf0: {  	v25 =	vadd.f32 $1.000000000e+00, v25;
	v19 =	vadd.s32 $0x1, v26;
	[tilespmem:s25+$0x143D8] =	vst v11;
	v13 =	vmul.f32 v24, v13  }
0xf1: {  	v16 =	vnsel vm12, $0x0, v16;
	[tilespmem:s25+$0x14418] =	vst v19;
	v20 =	vadd.f32 $1.000000000e+00, v20;
	v14 =	vmul.f32 v15, v14  }
0xf2: {  	vm13 =	vlt.u32 v22, $0x159;
	[tilespmem:s25+$0x1C678] =	vst v16;
	v23 =	vnsel vm1, $0x0, v25;
	v13 =	vadd.f32 $3.000000000e+00, v13  }
0xf3: {  	v10 =	vadd.s32 $0xFFFFFFFF, v10;
	[tilespmem:s25+$0x1C698] =	vst v23;
	v17 =	vnsel vm0, $0x0, v20;
	v14 =	vadd.f32 $3.000000000e+00, v14  }
0xf4: {  	vm15 =	vlt.u32 v10, $0x1C8;
	[tilespmem:s25+$0x1C668] =	vst v17;
	v13 =	vnsel vm13, $0x0, v13  }
0xf5: {  	[tilespmem:s25+$0x1C688] =	vst v13;
	v10 =	vnsel vm15, $0x0, v14  }
0xf6: {  	[tilespmem:s25+$0x1C648] =	vst v10  }
0xf7: {  	[tilespmem:s18], [sflag:$0x2] =	stream.indirect.gather [spmem:s3], $0x8, s17, s16, $0xb8;
	[tilespmem:$0x1D488] =	vst v63  }
0xf8: {  	_ =	swait.ge [sflag:s11], $0x3C00  }
0xf9: {  	[sflag:s11] =	ssyncset.done $0x0  }
0xfa: {  	s31 =	simm.s32 $0x0;
	s25 =	simm.s32 $0x1BF08;
	[sflag:s11] =	ssyncadd.s32 $0xFFFFC400  }
0xfb: {  	v10 =	vmov s31;
	v12 =	vld [tilespmem:s25+$0x10]  }
0xfc: {  	v10 =	vshll.u32 v10, $0x3;
	v17 =	vld [tilespmem:s25+$0xFFFFFFF0]  }
0xfd: {  	v11 =	vor.u32 v58, v10;
	v16 =	vld [tilespmem:s25+$0xFFFFFFD0]  }
0xfe: {  	v13 =	vor.u32 v53, v10;
	v18 =	vld [tilespmem:s25+$0xFFFFFFE0]  }
0xff: {  	v14 =	vor.u32 v59, v10;
	v22 =	vld [tilespmem:s25+$0xFFFFFFC0]  }
0x100: {  	v35 =	vor.u32 v57, v10;
	v19 =	vld [tilespmem:s25+$0x0]  }
0x101: {  	v15 =	vor.u32 $0x5, v14;
	v49 =	vld [tilespmem:s25+$0x30]  }
0x102: {  	v20 =	vor.u32 $0x1, v11;
	v23 =	vld.idx.msk [tilespmem:v11+s15+$0x0], $0xffff  }
0x103: {  	v21 =	vor.u32 $0x6, v14;
	v24 =	vor.u32 $0x2, v14;
	v25 =	vld.idx.msk [tilespmem:v13+s15+$0x0], $0xffff  }
0x104: {  	v26 =	vor.u32 $0x1, v14;
	v36 =	vor.u32 $0x1, v35;
	v37 =	vor.u32 $0x2, v35;
	v27 =	vld.idx.msk [tilespmem:v14+s15+$0x0], $0xffff  }
0x105: {  	v39 =	vor.u32 $0x5, v35;
	v41 =	vor.u32 $0x4, v35;
	v42 =	vor.u32 $0x6, v35;
	v35 =	vld.idx.msk [tilespmem:v35+s15+$0x0], $0xffff  }
0x106: {  	v28 =	vor.u32 $0x6, v13;
	v15 =	vld.idx.msk [tilespmem:v15+s15+$0x0], $0xffff  }
0x107: {  	v29 =	vor.u32 $0x1, v13;
	v20 =	vld.idx.msk [tilespmem:v20+s15+$0x0], $0xffff  }
0x108: {  	v30 =	vor.u32 $0x2, v13;
	v21 =	vld.idx.msk [tilespmem:v21+s15+$0x0], $0xffff  }
0x109: {  	v31 =	vor.u32 $0x4, v13;
	v24 =	vld.idx.msk [tilespmem:v24+s15+$0x0], $0xffff  }
0x10a: {  	v43 =	vor.u32 v56, v10;
	v62 =	vor.u32 $0x4, v11;
	v63 =	vor.u32 $0x2, v11;
	v26 =	vld.idx.msk [tilespmem:v26+s15+$0x0], $0xffff  }
0x10b: {  	v0 =	vor.u32 $0x5, v11;
	v40 =	vor.u32 $0x6, v11;
	v14 =	vor.u32 $0x4, v14;
	v28 =	vld.idx.msk [tilespmem:v28+s15+$0x0], $0xffff  }
0x10c: {  	v13 =	vor.u32 $0x5, v13;
	v29 =	vld.idx.msk [tilespmem:v29+s15+$0x0], $0xffff;
	v38 =	vmul.f32 v19, v22;
	v11 =	vmul.f32 v19, v18  }
0x10d: {  	v45 =	vor.u32 v55, v10;
	v30 =	vld.idx.msk [tilespmem:v30+s15+$0x0], $0xffff;
	v44 =	vmul.f32 v19, v17;
	v19 =	vmul.f32 v19, v16  }
0x10e: {  	v46 =	vor.u32 v54, v10;
	v31 =	vld.idx.msk [tilespmem:v31+s15+$0x0], $0xffff;
	v4 =	vmul.f32 v12, v22;
	v52 =	vmul.f32 v12, v17  }
0x10f: {  	v3 =	vor.u32 v61, v10;
	v39 =	vld.idx.msk [tilespmem:v39+s15+$0x0], $0xffff;
	v25 =	vmul.f32 v25, v38;
	v27 =	vmul.f32 v27, v11  }
0x110: {  	v2 =	vor.u32 $0x6, v45;
	v14 =	vld.idx.msk [tilespmem:v14+s15+$0x0], $0xffff;
	v23 =	vmul.f32 v23, v4;
	v26 =	vmul.f32 v26, v11  }
0x111: {  	v47 =	vor.u32 $0x4, v43;
	v13 =	vld.idx.msk [tilespmem:v13+s15+$0x0], $0xffff;
	v24 =	vmul.f32 v24, v11;
	v15 =	vmul.f32 v15, v44  }
0x112: {  	v50 =	vor.u32 $0x1, v45;
	v11 =	vld.idx.msk [tilespmem:v63+s15+$0x0], $0xffff;
	v21 =	vmul.f32 v21, v44;
	v10 =	vmul.f32 v29, v38  }
0x113: {  	v51 =	vor.u32 $0x2, v45;
	v29 =	vmul.f32 v30, v38;
	v30 =	vld.idx.msk [tilespmem:v41+s15+$0x0], $0xffff;
	v28 =	vmul.f32 v28, v19  }
0x114: {  	v1 =	vld.idx.msk [tilespmem:v36+s15+$0x0], $0xffff;
	v5 =	vmul.f32 v20, v4;
	v48 =	vmul.f32 v39, v52;
	v25 =	vadd.f32 $0.0e+00, v25  }
0x115: {  	v37 =	vld.idx.msk [tilespmem:v37+s15+$0x0], $0xffff;
	v10 =	vadd.f32 $0.0e+00, v10;
	v20 =	vadd.f32 $0.0e+00, v29;
	v14 =	vmul.f32 v14, v44  }
0x116: {  	v6 =	vld.idx.msk [tilespmem:v42+s15+$0x0], $0xffff;
	v29 =	vor.u32 $0x2, v43;
	v13 =	vmul.f32 v13, v19;
	v19 =	vmul.f32 v31, v19  }
0x117: {  	v32 =	vld.idx.msk [tilespmem:v62+s15+$0x0], $0xffff;
	v31 =	vor.u32 $0x4, v3;
	v28 =	vadd.f32 v28, v20;
	v38 =	vmul.f32 v11, v4  }
0x118: {  	v34 =	vld.idx.msk [tilespmem:v0+s15+$0x0], $0xffff;
	v11 =	vmul.f32 v12, v18;
	v30 =	vmul.f32 v30, v52;
	v19 =	vadd.f32 v19, v25  }
0x119: {  	v40 =	vld.idx.msk [tilespmem:v40+s15+$0x0], $0xffff;
	v12 =	vmul.f32 v12, v16;
	v10 =	vadd.f32 v13, v10;
	v24 =	vadd.f32 v24, v28  }
0x11a: {  	v60 =	vld.idx.msk [tilespmem:v47+s15+$0x0], $0xffff;
	v28 =	vor.u32 $0x4, v45;
	v13 =	vmul.f32 v35, v11;
	v33 =	vmul.f32 v1, v11  }
0x11b: {  	v62 =	vld.idx.msk [tilespmem:v43+s15+$0x0], $0xffff;
	v25 =	vor.u32 $0x1, v43;
	v7 =	vmul.f32 v37, v11;
	v37 =	vmul.f32 v6, v52  }
0x11c: {  	v20 =	vld.idx.msk [tilespmem:v46+s15+$0x0], $0xffff;
	v52 =	vor.u32 $0x5, v45;
	v19 =	vadd.f32 v27, v19;
	v26 =	vadd.f32 v26, v10  }
0x11d: {  	v39 =	vld.idx.msk [tilespmem:v29+s15+$0x0], $0xffff;
	v29 =	vmul.f32 v49, v16;
	v27 =	vor.u32 $0x5, v43;
	v21 =	vadd.f32 v21, v24  }
0x11e: {  	v24 =	vmul.f32 v32, v12;
	v10 =	vld.idx.msk [tilespmem:v31+s15+$0x0], $0xffff;
	v14 =	vadd.f32 v14, v19;
	v15 =	vadd.f32 v15, v26  }
0x11f: {  	v26 =	vmul.f32 v34, v12;
	v12 =	vmul.f32 v40, v12;
	v34 =	vld.idx.msk [tilespmem:v28+s15+$0x0], $0xffff;
	v28 =	vadd.f32 v38, v21  }
0x120: {  	v31 =	vor.u32 $0x6, v43;
	v21 =	vor.u32 $0x1, v46;
	v63 =	vld.idx.msk [tilespmem:v25+s15+$0x0], $0xffff;
	v14 =	vadd.f32 v23, v14  }
0x121: {  	v25 =	vmul.f32 v49, v17;
	v15 =	vadd.f32 v5, v15;
	v23 =	vld [tilespmem:s25+$0x20];
	v28 =	vadd.f32 v12, v28  }
0x122: {  	v12 =	vor.u32 $0x6, v46;
	v36 =	vld.idx.msk [tilespmem:v27+s15+$0x0], $0xffff;
	v27 =	vmul.f32 v49, v22;
	v32 =	vadd.f32 v24, v14  }
0x123: {  	v11 =	vld.idx.msk [tilespmem:v2+s15+$0x0], $0xffff;
	v14 =	vor.u32 $0x2, v46;
	v26 =	vadd.f32 v26, v15;
	v24 =	vor.u32 $0x4, v46  }
0x124: {  	v19 =	vld.idx.msk [tilespmem:v3+s15+$0x0], $0xffff;
	v15 =	vor.u32 $0x5, v46;
	v41 =	vadd.f32 v7, v28;
	v32 =	vadd.f32 v13, v32  }
0x125: {  	v38 =	vld.idx.msk [tilespmem:v45+s15+$0x0], $0xffff;
	v13 =	vor.u32 $0x1, v3;
	v33 =	vadd.f32 v33, v26;
	v26 =	vmul.f32 v49, v18  }
0x126: {  	v28 =	vld.idx.msk [tilespmem:v31+s15+$0x0], $0xffff;
	v35 =	vmul.f32 v23, v16;
	v16 =	vor.u32 $0x2, v3;
	v40 =	vmul.f32 v23, v22  }
0x127: {  	v31 =	vld.idx.msk [tilespmem:v52+s15+$0x0], $0xffff;
	v22 =	vmul.f32 v23, v17;
	v23 =	vmul.f32 v23, v18;
	v17 =	vor.u32 $0x5, v3  }
0x128: {  	v42 =	vadd.f32 v30, v32;
	v43 =	vadd.f32 v48, v33;
	v32 =	vld.idx.msk [tilespmem:v50+s15+$0x0], $0xffff;
	v33 =	vmul.f32 v60, v35  }
0x129: {  	s28 =	simm.s32 $0x1CF18;
	s29 =	simm.s32 $0x80;
	s26 =	simm.s32 $0x1CF18;
	v18 =	vor.u32 $0x6, v3;
	v30 =	vld.idx.msk [tilespmem:v51+s15+$0x0], $0xffff;
	v45 =	vmul.f32 v62, v40;
	v44 =	vmul.f32 v63, v40  }
.LBB2_8:
0x12a: {  	_ = 	snop  }
0x12b: {  	v51 =	vadd.f32 v45, v42  }
0x12c: {  	v37 =	vadd.f32 v37, v41;
	v39 =	vmul.f32 v39, v40  }
0x12d: {  	v24 =	vld.idx.msk [tilespmem:v24+s15+$0x0], $0xffff;
	v52 =	vadd.f32 v44, v43;
	v33 =	vadd.f32 v33, v51;
	v36 =	vmul.f32 v36, v35  }
0x12e: {  	v21 =	vld.idx.msk [tilespmem:v21+s15+$0x0], $0xffff;
	v38 =	vmul.f32 v38, v23;
	v37 =	vadd.f32 v39, v37;
	v28 =	vmul.f32 v28, v35  }
0x12f: {  	v14 =	vld.idx.msk [tilespmem:v14+s15+$0x0], $0xffff;
	v32 =	vmul.f32 v32, v23;
	v34 =	vmul.f32 v34, v22;
	v60 =	vadd.f32 v36, v52  }
0x130: {  	v15 =	vld.idx.msk [tilespmem:v15+s15+$0x0], $0xffff;
	v23 =	vmul.f32 v30, v23;
	v28 =	vadd.f32 v28, v37;
	v33 =	vadd.f32 v38, v33  }
0x131: {  	v12 =	vld.idx.msk [tilespmem:v12+s15+$0x0], $0xffff;
	v20 =	vmul.f32 v20, v27;
	v31 =	vmul.f32 v31, v22;
	v30 =	vadd.f32 v32, v60  }
0x132: {  	v13 =	vld.idx.msk [tilespmem:v13+s15+$0x0], $0xffff;
	v11 =	vmul.f32 v11, v22;
	v23 =	vadd.f32 v23, v28;
	v28 =	vadd.f32 v34, v33  }
0x133: {  	v16 =	vld.idx.msk [tilespmem:v16+s15+$0x0], $0xffff;
	v21 =	vmul.f32 v21, v27;
	v24 =	vmul.f32 v24, v29;
	v22 =	vadd.f32 v31, v30  }
0x134: {  	v17 =	vld.idx.msk [tilespmem:v17+s15+$0x0], $0xffff;
	v14 =	vmul.f32 v14, v27;
	v11 =	vadd.f32 v11, v23;
	v20 =	vadd.f32 v20, v28  }
0x135: {  	v18 =	vld.idx.msk [tilespmem:v18+s15+$0x0], $0xffff;
	v19 =	vmul.f32 v19, v26;
	v15 =	vmul.f32 v15, v29;
	v21 =	vadd.f32 v21, v22  }
0x136: {  	v12 =	vmul.f32 v12, v29;
	v11 =	vadd.f32 v14, v11;
	v14 =	vadd.f32 v24, v20  }
0x137: {  	v10 =	vmul.f32 v10, v25;
	v13 =	vmul.f32 v13, v26;
	v15 =	vadd.f32 v15, v21  }
0x138: {  	v11 =	vadd.f32 v12, v11;
	v12 =	vadd.f32 v19, v14;
	v14 =	vmul.f32 v16, v26  }
0x139: {  	v13 =	vadd.f32 v13, v15;
	v15 =	vmul.f32 v17, v25  }
0x13a: {  	v11 =	vadd.f32 v14, v11;
	v10 =	vadd.f32 v10, v12;
	v12 =	vmul.f32 v18, v25  }
0x13b: {  	v13 =	vadd.f32 v15, v13  }
0x13c: {  	v11 =	vadd.f32 v12, v11;
	[tilespmem:s26+$0xFFFFFE30] =	vst v10  }
0x13d: {  	s30 =	smov.u32 s29;
	[tilespmem:s26+$0x0] =	vst v13  }
0x13e: {  	s25 =	sadd.s32 $0x80, s25;
	v10 =	vmov s30;
	[tilespmem:s26+$0x1D0] =	vst v11  }
0x13f: {  	v10 =	vshll.u32 v10, $0x3;
	v11 =	vld [tilespmem:s25+$0x10]  }
0x140: {  	v14 =	vor.u32 v58, v10;
	v22 =	vld [tilespmem:s25+$0xFFFFFFF0]  }
0x141: {  	v12 =	vor.u32 v53, v10;
	v27 =	vld [tilespmem:s25+$0xFFFFFFD0]  }
0x142: {  	v13 =	vor.u32 v59, v10;
	v23 =	vld [tilespmem:s25+$0xFFFFFFE0]  }
0x143: {  	v31 =	vor.u32 v57, v10;
	v19 =	vor.u32 $0x1, v12;
	v28 =	vld [tilespmem:s25+$0xFFFFFFC0]  }
0x144: {  	v20 =	vor.u32 $0x2, v12;
	v25 =	vor.u32 $0x4, v12;
	v15 =	vor.u32 $0x5, v13;
	v34 =	vld [tilespmem:s25+$0x0]  }
0x145: {  	v26 =	vor.u32 $0x5, v12;
	v18 =	vor.u32 $0x6, v12;
	v21 =	vor.u32 $0x1, v14;
	v39 =	vld.idx.msk [tilespmem:v14+s15+$0x0], $0xffff  }
0x146: {  	v17 =	vor.u32 $0x4, v13;
	v16 =	vor.u32 $0x1, v13;
	v24 =	vor.u32 $0x2, v14;
	v12 =	vld.idx.msk [tilespmem:v12+s15+$0x0], $0xffff  }
0x147: {  	v29 =	vor.u32 $0x2, v13;
	v37 =	vor.u32 $0x6, v13;
	v30 =	vor.u32 $0x1, v31;
	v13 =	vld.idx.msk [tilespmem:v13+s15+$0x0], $0xffff  }
0x148: {  	v9 =	vmov v57;
	v57 =	vld.idx.msk [tilespmem:v31+s15+$0x0], $0xffff  }
0x149: {  	v45 =	vld.idx.msk [tilespmem:v15+s15+$0x0], $0xffff  }
0x14a: {  	v49 =	vld.idx.msk [tilespmem:v21+s15+$0x0], $0xffff  }
0x14b: {  	v53 =	vld.idx.msk [tilespmem:v24+s15+$0x0], $0xffff  }
0x14c: {  	v48 =	vor.u32 v54, v10;
	v54 =	vld.idx.msk [tilespmem:v30+s15+$0x0], $0xffff  }
0x14d: {  	v37 =	vld.idx.msk [tilespmem:v37+s15+$0x0], $0xffff  }
0x14e: {  	v8 =	vmov v61;
	v38 =	vor.u32 $0x4, v14;
	v29 =	vld.idx.msk [tilespmem:v29+s15+$0x0], $0xffff  }
0x14f: {  	v46 =	vor.u32 v56, v10;
	v47 =	vor.u32 v55, v10;
	v61 =	vor.u32 v61, v10;
	v10 =	vld.idx.msk [tilespmem:v16+s15+$0x0], $0xffff  }
0x150: {  	v0 =	vld.idx.msk [tilespmem:v17+s15+$0x0], $0xffff  }
0x151: {  	v40 =	vor.u32 $0x5, v14;
	v1 =	vld.idx.msk [tilespmem:v18+s15+$0x0], $0xffff  }
0x152: {  	v43 =	vor.u32 $0x6, v14;
	v26 =	vld.idx.msk [tilespmem:v26+s15+$0x0], $0xffff  }
0x153: {  	v36 =	vor.u32 $0x5, v46;
	v38 =	vld.idx.msk [tilespmem:v38+s15+$0x0], $0xffff  }
0x154: {  	v41 =	vor.u32 $0x2, v31;
	v42 =	vor.u32 $0x5, v31;
	v32 =	vor.u32 $0x1, v47;
	v25 =	vld.idx.msk [tilespmem:v25+s15+$0x0], $0xffff  }
0x155: {  	v44 =	vor.u32 $0x6, v31;
	v50 =	vor.u32 $0x1, v46;
	v14 =	vor.u32 $0x4, v31;
	v19 =	vld.idx.msk [tilespmem:v19+s15+$0x0], $0xffff  }
0x156: {  	v35 =	vor.u32 $0x2, v46;
	v51 =	vor.u32 $0x4, v46;
	v31 =	vor.u32 $0x5, v47;
	v40 =	vld.idx.msk [tilespmem:v40+s15+$0x0], $0xffff  }
0x157: {  	v33 =	vor.u32 $0x6, v46;
	v55 =	vor.u32 $0x4, v47;
	v52 =	vmul.f32 v34, v28;
	v43 =	vld.idx.msk [tilespmem:v43+s15+$0x0], $0xffff  }
0x158: {  	v2 =	vmovc v58;
	v58 =	vor.u32 $0x6, v47;
	v60 =	vmul.f32 v34, v23;
	v63 =	vmul.f32 v34, v27;
	v36 =	vld.idx.msk [tilespmem:v36+s15+$0x0], $0xffff  }
0x159: {  	v4 =	vor.u32 $0x4, v61;
	v34 =	vmul.f32 v34, v22;
	v3 =	vmul.f32 v11, v28;
	v32 =	vld.idx.msk [tilespmem:v32+s15+$0x0], $0xffff  }
0x15a: {  	v7 =	vmovc v59;
	v30 =	vor.u32 $0x2, v47;
	v5 =	vmul.f32 v11, v23;
	v56 =	vmul.f32 v12, v52;
	v59 =	vld.idx.msk [tilespmem:v14+s15+$0x0], $0xffff  }
0x15b: {  	v21 =	vor.u32 $0x1, v48;
	v62 =	vmul.f32 v13, v60;
	v31 =	vld.idx.msk [tilespmem:v31+s15+$0x0], $0xffff;
	v6 =	vmul.f32 v10, v60  }
0x15c: {  	v24 =	vor.u32 $0x4, v48;
	v29 =	vmul.f32 v29, v60;
	v10 =	vld.idx.msk [tilespmem:v20+s15+$0x0], $0xffff;
	v0 =	vmul.f32 v0, v34  }
0x15d: {  	v15 =	vor.u32 $0x5, v48;
	v45 =	vmul.f32 v45, v34;
	v60 =	vmul.f32 v37, v34;
	v34 =	vld.idx.msk [tilespmem:v41+s15+$0x0], $0xffff  }
0x15e: {  	v16 =	vor.u32 $0x2, v61;
	v39 =	vmul.f32 v39, v3;
	v41 =	vmul.f32 v49, v3;
	v37 =	vld.idx.msk [tilespmem:v42+s15+$0x0], $0xffff  }
0x15f: {  	v17 =	vor.u32 $0x5, v61;
	v42 =	vmul.f32 v11, v22;
	v49 =	vmul.f32 v11, v27;
	v11 =	vld.idx.msk [tilespmem:v58+s15+$0x0], $0xffff  }
0x160: {  	v14 =	vor.u32 $0x2, v48;
	v26 =	vmul.f32 v26, v63;
	v3 =	vmul.f32 v53, v3;
	v20 =	vld.idx.msk [tilespmem:v48+s15+$0x0], $0xffff  }
0x161: {  	v12 =	vor.u32 $0x6, v48;
	v53 =	vmul.f32 v57, v5;
	v19 =	vmul.f32 v19, v52;
	v30 =	vld.idx.msk [tilespmem:v30+s15+$0x0], $0xffff  }
0x162: {  	v56 =	vadd.f32 $0.0e+00, v56;
	v48 =	vmul.f32 v10, v52;
	v52 =	vmul.f32 v54, v5;
	v10 =	vld.idx.msk [tilespmem:v4+s15+$0x0], $0xffff  }
0x163: {  	v4 =	vmul.f32 v25, v63;
	v5 =	vmul.f32 v34, v5;
	v25 =	vld.idx.msk [tilespmem:v44+s15+$0x0], $0xffff;
	v34 =	vadd.f32 $0.0e+00, v19  }
0x164: {  	v1 =	vmul.f32 v1, v63;
	v44 =	vld [tilespmem:s25+$0x30];
	v58 =	vmul.f32 v37, v42;
	v37 =	vadd.f32 $0.0e+00, v48  }
0x165: {  	v18 =	vor.u32 $0x6, v61;
	v19 =	vld.idx.msk [tilespmem:v61+s15+$0x0], $0xffff;
	v4 =	vadd.f32 v4, v56;
	v26 =	vadd.f32 v26, v34  }
0x166: {  	v13 =	vor.u32 $0x1, v61;
	v40 =	vmul.f32 v40, v49;
	v48 =	vld [tilespmem:s25+$0x20];
	v1 =	vadd.f32 v1, v37  }
0x167: {  	v54 =	vmul.f32 v38, v49;
	v38 =	vld.idx.msk [tilespmem:v47+s15+$0x0], $0xffff;
	v4 =	vadd.f32 v62, v4;
	v6 =	vadd.f32 v6, v26  }
0x168: {  	v57 =	vmul.f32 v59, v42;
	v63 =	vld.idx.msk [tilespmem:v50+s15+$0x0], $0xffff;
	v37 =	vmul.f32 v25, v42;
	v1 =	vadd.f32 v29, v1  }
0x169: {  	v56 =	vld [tilespmem:$0x1FFF0];
	v26 =	vmul.f32 v44, v23;
	v0 =	vadd.f32 v0, v4;
	v4 =	vadd.f32 v45, v6  }
0x16a: {  	v25 =	vmul.f32 v44, v22;
	v6 =	vld.idx.msk [tilespmem:v51+s15+$0x0], $0xffff;
	v29 =	vmul.f32 v44, v27;
	v1 =	vadd.f32 v60, v1  }
0x16b: {  	v62 =	vld.idx.msk [tilespmem:v46+s15+$0x0], $0xffff;
	v22 =	vmul.f32 v48, v22;
	v0 =	vadd.f32 v39, v0;
	v4 =	vadd.f32 v41, v4  }
0x16c: {  	p0 =	sne.s32 s29, $0x700;
	v34 =	vld.idx.msk [tilespmem:v55+s15+$0x0], $0xffff;
	v23 =	vmul.f32 v48, v23;
	v1 =	vadd.f32 v3, v1;
	v3 =	vmul.f32 v43, v49  }
.Ltmp7:
0x16d: {  	v39 =	vld.idx.msk [tilespmem:v35+s15+$0x0], $0xffff;
	v35 =	vmul.f32 v48, v27;
	v0 =	vadd.f32 v54, v0;
	v4 =	vadd.f32 v40, v4;
	(pc) =	sbr.rel @p0 .LBB2_8-.Ltmp7, $4  }
0x16e: {  	v55 =	vld [tilespmem:$0x1FFE0];
	v27 =	vmul.f32 v44, v28;
	v40 =	vmul.f32 v48, v28;
	v1 =	vadd.f32 v3, v1  }
0x16f: {  	v28 =	vld.idx.msk [tilespmem:v33+s15+$0x0], $0xffff;
	v33 =	vmul.f32 v6, v35;
	v0 =	vadd.f32 v53, v0;
	v3 =	vadd.f32 v52, v4  }
0x170: {  	s28 =	sadd.s32 $0x10, s28;
	v59 =	vmovc v7;
	v54 =	vld [tilespmem:$0x1FFD0];
	v45 =	vmul.f32 v62, v40;
	v44 =	vmul.f32 v63, v40;
	v41 =	vadd.f32 v5, v1  }
0x171: {  	s29 =	sadd.s32 $0x80, s29;
	s26 =	smov.u32 s28;
	v61 =	vmovc v8;
	v53 =	vld [tilespmem:$0x1FFC0];
	v42 =	vadd.f32 v57, v0;
	v57 =	vmovc v9;
	v43 =	vadd.f32 v58, v3;
	v58 =	vmov v2  }
0x172: {  	_ =	sdelay $0x2  }
0x173: {  	v0 =	vadd.f32 v37, v41;
	v3 =	vmul.f32 v39, v40;
	v1 =	vadd.f32 v45, v42  }
0x174: {  	v4 =	vld.idx.msk [tilespmem:v24+s15+$0x0], $0xffff;
	v6 =	vmul.f32 v36, v35;
	v24 =	vmul.f32 v38, v23;
	v5 =	vadd.f32 v44, v43  }
0x175: {  	v21 =	vld.idx.msk [tilespmem:v21+s15+$0x0], $0xffff;
	v0 =	vadd.f32 v3, v0;
	v3 =	vmul.f32 v28, v35;
	v1 =	vadd.f32 v33, v1  }
0x176: {  	v14 =	vld.idx.msk [tilespmem:v14+s15+$0x0], $0xffff;
	v28 =	vmul.f32 v34, v22;
	v5 =	vadd.f32 v6, v5;
	v6 =	vmul.f32 v32, v23  }
0x177: {  	v15 =	vld.idx.msk [tilespmem:v15+s15+$0x0], $0xffff;
	v0 =	vadd.f32 v3, v0;
	v3 =	vmul.f32 v30, v23;
	v1 =	vadd.f32 v24, v1  }
0x178: {  	v12 =	vld.idx.msk [tilespmem:v12+s15+$0x0], $0xffff;
	v20 =	vmul.f32 v20, v27;
	v5 =	vadd.f32 v6, v5;
	v6 =	vmul.f32 v31, v22  }
0x179: {  	v13 =	vld.idx.msk [tilespmem:v13+s15+$0x0], $0xffff;
	v0 =	vadd.f32 v3, v0;
	v3 =	vmul.f32 v11, v22;
	v1 =	vadd.f32 v28, v1  }
0x17a: {  	v4 =	vmul.f32 v4, v29;
	v11 =	vld.idx.msk [tilespmem:v16+s15+$0x0], $0xffff;
	v5 =	vadd.f32 v6, v5;
	v6 =	vmul.f32 v21, v27  }
0x17b: {  	v16 =	vld.idx.msk [tilespmem:v17+s15+$0x0], $0xffff;
	v0 =	vadd.f32 v3, v0;
	v3 =	vmul.f32 v14, v27;
	v1 =	vadd.f32 v20, v1  }
0x17c: {  	v14 =	vld.idx.msk [tilespmem:v18+s15+$0x0], $0xffff;
	v5 =	vadd.f32 v6, v5;
	v6 =	vmul.f32 v15, v29;
	v15 =	vmul.f32 v19, v26  }
0x17d: {  	v0 =	vadd.f32 v3, v0;
	v3 =	vmul.f32 v12, v29;
	v1 =	vadd.f32 v4, v1  }
0x17e: {  	v4 =	vadd.f32 v6, v5;
	v5 =	vmul.f32 v13, v26;
	v6 =	vmul.f32 v10, v25  }
0x17f: {  	v0 =	vadd.f32 v3, v0;
	v3 =	vmul.f32 v11, v26;
	v1 =	vadd.f32 v15, v1  }
0x180: {  	v4 =	vadd.f32 v5, v4;
	v5 =	vmul.f32 v16, v25  }
0x181: {  	v0 =	vadd.f32 v3, v0;
	v3 =	vmul.f32 v14, v25;
	v1 =	vadd.f32 v6, v1  }
0x182: {  	v4 =	vadd.f32 v5, v4  }
0x183: {  	v0 =	vadd.f32 v3, v0;
	[tilespmem:s26+$0xFFFFFE30] =	vst v1  }
0x184: {  	[tilespmem:s26+$0x0] =	vst v4  }
0x185: {  	[tilespmem:s26+$0x1D0] =	vst v0  }
0x186: {  	_ =	swait.ge [sflag:s19], $0x3800  }
0x187: {  	s31 =	simm.s32 $0x780;
	[sflag:s19] =	ssyncset.done $0x0  }
0x188: {  	s25 =	simm.s32 $0x1C6B8;
	v0 =	vmov s31;
	[sflag:s19] =	ssyncadd.s32 $0xFFFFC800  }
0x189: {  	v0 =	vshll.u32 v0, $0x3;
	v1 =	vld [tilespmem:s25+$0xFFFFFFE0]  }
0x18a: {  	v3 =	vor.u32 v58, v0;
	v17 =	vld [tilespmem:s25+$0xFFFFFFC0]  }
0x18b: {  	v4 =	vor.u32 v53, v0;
	v16 =	vld [tilespmem:s25+$0xFFFFFFA0]  }
0x18c: {  	v5 =	vor.u32 v59, v0;
	v18 =	vld [tilespmem:s25+$0xFFFFFFB0]  }
0x18d: {  	v29 =	vor.u32 v57, v0;
	v22 =	vld [tilespmem:s25+$0xFFFFFF90]  }
0x18e: {  	v6 =	vor.u32 $0x5, v5;
	v10 =	vld [tilespmem:s25+$0xFFFFFFD0]  }
0x18f: {  	v11 =	vor.u32 $0x1, v3;
	v13 =	vld.idx.msk [tilespmem:v3+s15+$0x0], $0xffff  }
0x190: {  	v12 =	vor.u32 $0x6, v5;
	v14 =	vor.u32 $0x2, v5;
	v15 =	vld.idx.msk [tilespmem:v4+s15+$0x0], $0xffff  }
0x191: {  	v19 =	vor.u32 $0x1, v5;
	v30 =	vor.u32 $0x1, v29;
	v31 =	vor.u32 $0x2, v29;
	v20 =	vld.idx.msk [tilespmem:v5+s15+$0x0], $0xffff  }
0x192: {  	v47 =	vor.u32 $0x5, v29;
	v51 =	vor.u32 $0x4, v29;
	v52 =	vor.u32 $0x6, v29;
	v29 =	vld.idx.msk [tilespmem:v29+s15+$0x0], $0xffff  }
0x193: {  	v21 =	vor.u32 $0x6, v4;
	v6 =	vld.idx.msk [tilespmem:v6+s15+$0x0], $0xffff  }
0x194: {  	v23 =	vor.u32 $0x1, v4;
	v11 =	vld.idx.msk [tilespmem:v11+s15+$0x0], $0xffff  }
0x195: {  	v24 =	vor.u32 $0x2, v4;
	v12 =	vld.idx.msk [tilespmem:v12+s15+$0x0], $0xffff  }
0x196: {  	v25 =	vor.u32 $0x4, v4;
	v14 =	vld.idx.msk [tilespmem:v14+s15+$0x0], $0xffff  }
0x197: {  	v27 =	vor.u32 $0x2, v3;
	v19 =	vld.idx.msk [tilespmem:v19+s15+$0x0], $0xffff  }
0x198: {  	v21 =	vld.idx.msk [tilespmem:v21+s15+$0x0], $0xffff  }
0x199: {  	v39 =	vor.u32 v56, v0;
	v38 =	vor.u32 v55, v0;
	v23 =	vld.idx.msk [tilespmem:v23+s15+$0x0], $0xffff  }
0x19a: {  	v40 =	vor.u32 v54, v0;
	v0 =	vor.u32 v61, v0;
	v5 =	vor.u32 $0x4, v5;
	v24 =	vld.idx.msk [tilespmem:v24+s15+$0x0], $0xffff  }
0x19b: {  	v4 =	vor.u32 $0x5, v4;
	v25 =	vld.idx.msk [tilespmem:v25+s15+$0x0], $0xffff;
	v46 =	vmul.f32 v10, v22;
	v50 =	vmul.f32 v10, v18  }
0x19c: {  	v26 =	vor.u32 $0x4, v3;
	v27 =	vld.idx.msk [tilespmem:v27+s15+$0x0], $0xffff;
	v60 =	vmul.f32 v10, v17;
	v48 =	vmul.f32 v1, v22  }
0x19d: {  	v28 =	vor.u32 $0x5, v3;
	v30 =	vld.idx.msk [tilespmem:v30+s15+$0x0], $0xffff;
	v10 =	vmul.f32 v10, v16;
	v15 =	vmul.f32 v15, v46  }
0x19e: {  	v62 =	vor.u32 $0x6, v38;
	v31 =	vld.idx.msk [tilespmem:v31+s15+$0x0], $0xffff;
	v20 =	vmul.f32 v20, v50;
	v13 =	vmul.f32 v13, v48  }
0x19f: {  	v43 =	vor.u32 $0x5, v39;
	v5 =	vld.idx.msk [tilespmem:v5+s15+$0x0], $0xffff;
	v19 =	vmul.f32 v19, v50;
	v14 =	vmul.f32 v14, v50  }
0x1a0: {  	v3 =	vor.u32 $0x6, v3;
	v4 =	vld.idx.msk [tilespmem:v4+s15+$0x0], $0xffff;
	v6 =	vmul.f32 v6, v60;
	v12 =	vmul.f32 v12, v60  }
0x1a1: {  	v36 =	vld.idx.msk [tilespmem:v52+s15+$0x0], $0xffff;
	v52 =	vor.u32 $0x6, v39;
	v23 =	vmul.f32 v23, v46;
	v24 =	vmul.f32 v24, v46  }
0x1a2: {  	v33 =	vld.idx.msk [tilespmem:v47+s15+$0x0], $0xffff;
	v47 =	vor.u32 $0x5, v38;
	v21 =	vmul.f32 v21, v10;
	v49 =	vmul.f32 v11, v48  }
0x1a3: {  	v50 =	vor.u32 $0x1, v39;
	v46 =	vld [tilespmem:s25+$0xFFFFFFF0];
	v11 =	vadd.f32 $0.0e+00, v23;
	v23 =	vmul.f32 v27, v48  }
0x1a4: {  	v15 =	vadd.f32 $0.0e+00, v15;
	v27 =	vmul.f32 v1, v18;
	v5 =	vmul.f32 v5, v60  }
0x1a5: {  	v63 =	vld.idx.msk [tilespmem:v51+s15+$0x0], $0xffff;
	v24 =	vadd.f32 $0.0e+00, v24;
	v4 =	vmul.f32 v4, v10;
	v10 =	vmul.f32 v25, v10  }
0x1a6: {  	v26 =	vld.idx.msk [tilespmem:v26+s15+$0x0], $0xffff;
	v25 =	vor.u32 $0x4, v0;
	v29 =	vmul.f32 v29, v27;
	v30 =	vmul.f32 v30, v27  }
0x1a7: {  	v3 =	vld.idx.msk [tilespmem:v3+s15+$0x0], $0xffff;
	v27 =	vmul.f32 v31, v27;
	v21 =	vadd.f32 v21, v24;
	v24 =	vmul.f32 v1, v17  }
0x1a8: {  	v31 =	vor.u32 $0x4, v39;
	v1 =	vmul.f32 v1, v16;
	v48 =	vld.idx.msk [tilespmem:v50+s15+$0x0], $0xffff;
	v35 =	vmul.f32 v46, v16  }
0x1a9: {  	v10 =	vadd.f32 v10, v15;
	v15 =	vld.idx.msk [tilespmem:v28+s15+$0x0], $0xffff;
	v4 =	vadd.f32 v4, v11;
	v28 =	vor.u32 $0x2, v39  }
0x1aa: {  	v11 =	vld.idx.msk [tilespmem:v62+s15+$0x0], $0xffff;
	v14 =	vadd.f32 v14, v21;
	v21 =	vor.u32 $0x4, v38;
	v60 =	vmul.f32 v33, v24  }
0x1ab: {  	v37 =	vmul.f32 v36, v24;
	v62 =	vld [tilespmem:s25+$0x0];
	v51 =	vadd.f32 v20, v10;
	v4 =	vadd.f32 v19, v4  }
0x1ac: {  	v12 =	vadd.f32 v12, v14;
	v14 =	vor.u32 $0x2, v40;
	v10 =	vld.idx.msk [tilespmem:v25+s15+$0x0], $0xffff;
	v25 =	vmul.f32 v63, v24  }
0x1ad: {  	v36 =	vld.idx.msk [tilespmem:v43+s15+$0x0], $0xffff;
	v63 =	vor.u32 $0x2, v38;
	v24 =	vor.u32 $0x4, v40;
	v5 =	vadd.f32 v5, v51  }
0x1ae: {  	v20 =	vld.idx.msk [tilespmem:v40+s15+$0x0], $0xffff;
	v4 =	vadd.f32 v6, v4;
	v6 =	vor.u32 $0x1, v38;
	v12 =	vadd.f32 v23, v12  }
0x1af: {  	v19 =	vld.idx.msk [tilespmem:v0+s15+$0x0], $0xffff;
	v23 =	vmul.f32 v46, v18;
	v5 =	vadd.f32 v13, v5;
	v13 =	vmul.f32 v26, v1  }
0x1b0: {  	v38 =	vld.idx.msk [tilespmem:v38+s15+$0x0], $0xffff;
	v15 =	vmul.f32 v15, v1;
	v4 =	vadd.f32 v49, v4;
	v1 =	vmul.f32 v3, v1  }
0x1b1: {  	v34 =	vld.idx.msk [tilespmem:v21+s15+$0x0], $0xffff;
	v21 =	vor.u32 $0x1, v40;
	v26 =	vmul.f32 v62, v18;
	v3 =	vadd.f32 v13, v5  }
0x1b2: {  	v18 =	vor.u32 $0x6, v0;
	v5 =	vld.idx.msk [tilespmem:v31+s15+$0x0], $0xffff;
	v4 =	vadd.f32 v15, v4;
	v1 =	vadd.f32 v1, v12  }
0x1b3: {  	v15 =	vor.u32 $0x5, v40;
	v31 =	vld.idx.msk [tilespmem:v39+s15+$0x0], $0xffff;
	v12 =	vor.u32 $0x6, v40;
	v13 =	vor.u32 $0x1, v0  }
0x1b4: {  	v39 =	vld.idx.msk [tilespmem:v28+s15+$0x0], $0xffff;
	v40 =	vmul.f32 v46, v22;
	v3 =	vadd.f32 v29, v3;
	v4 =	vadd.f32 v30, v4  }
0x1b5: {  	v28 =	vld.idx.msk [tilespmem:v52+s15+$0x0], $0xffff;
	v41 =	vadd.f32 v27, v1;
	v29 =	vmul.f32 v62, v16;
	v27 =	vmul.f32 v62, v22  }
0x1b6: {  	v32 =	vld.idx.msk [tilespmem:v6+s15+$0x0], $0xffff;
	v16 =	vor.u32 $0x2, v0;
	v22 =	vmul.f32 v46, v17;
	v44 =	vmul.f32 v48, v40  }
0x1b7: {  	v30 =	vld.idx.msk [tilespmem:v63+s15+$0x0], $0xffff;
	v42 =	vadd.f32 v25, v3;
	v25 =	vmul.f32 v62, v17;
	v43 =	vadd.f32 v60, v4  }
0x1b8: {  	s28 =	simm.s32 $0x1D008;
	s29 =	simm.s32 $0x800;
	s26 =	simm.s32 $0x1D008;
	v17 =	vor.u32 $0x5, v0;
	v33 =	vmul.f32 v5, v35;
	v45 =	vmul.f32 v31, v40;
	v31 =	vld.idx.msk [tilespmem:v47+s15+$0x0], $0xffff  }
.LBB2_10:
0x1b9: {  	_ = 	snop  }
0x1ba: {  	v1 =	vadd.f32 v45, v42  }
0x1bb: {  	v0 =	vadd.f32 v37, v41;
	v3 =	vmul.f32 v39, v40  }
0x1bc: {  	v4 =	vld.idx.msk [tilespmem:v24+s15+$0x0], $0xffff;
	v5 =	vadd.f32 v44, v43;
	v1 =	vadd.f32 v33, v1;
	v6 =	vmul.f32 v36, v35  }
0x1bd: {  	v21 =	vld.idx.msk [tilespmem:v21+s15+$0x0], $0xffff;
	v24 =	vmul.f32 v38, v23;
	v0 =	vadd.f32 v3, v0;
	v3 =	vmul.f32 v28, v35  }
0x1be: {  	v14 =	vld.idx.msk [tilespmem:v14+s15+$0x0], $0xffff;
	v28 =	vmul.f32 v34, v22;
	v5 =	vadd.f32 v6, v5;
	v6 =	vmul.f32 v32, v23  }
0x1bf: {  	v15 =	vld.idx.msk [tilespmem:v15+s15+$0x0], $0xffff;
	v0 =	vadd.f32 v3, v0;
	v1 =	vadd.f32 v24, v1;
	v3 =	vmul.f32 v30, v23  }
0x1c0: {  	v12 =	vld.idx.msk [tilespmem:v12+s15+$0x0], $0xffff;
	v20 =	vmul.f32 v20, v27;
	v5 =	vadd.f32 v6, v5;
	v6 =	vmul.f32 v31, v22  }
0x1c1: {  	v13 =	vld.idx.msk [tilespmem:v13+s15+$0x0], $0xffff;
	v0 =	vadd.f32 v3, v0;
	v1 =	vadd.f32 v28, v1;
	v3 =	vmul.f32 v11, v22  }
0x1c2: {  	v4 =	vmul.f32 v4, v29;
	v11 =	vld.idx.msk [tilespmem:v16+s15+$0x0], $0xffff;
	v5 =	vadd.f32 v6, v5;
	v6 =	vmul.f32 v21, v27  }
0x1c3: {  	v16 =	vld.idx.msk [tilespmem:v17+s15+$0x0], $0xffff;
	v0 =	vadd.f32 v3, v0;
	v1 =	vadd.f32 v20, v1;
	v3 =	vmul.f32 v14, v27  }
0x1c4: {  	v14 =	vld.idx.msk [tilespmem:v18+s15+$0x0], $0xffff;
	v5 =	vadd.f32 v6, v5;
	v6 =	vmul.f32 v15, v29;
	v15 =	vmul.f32 v19, v26  }
0x1c5: {  	v0 =	vadd.f32 v3, v0;
	v1 =	vadd.f32 v4, v1;
	v3 =	vmul.f32 v12, v29  }
0x1c6: {  	v4 =	vadd.f32 v6, v5;
	v5 =	vmul.f32 v13, v26;
	v6 =	vmul.f32 v10, v25  }
0x1c7: {  	v0 =	vadd.f32 v3, v0;
	v1 =	vadd.f32 v15, v1;
	v3 =	vmul.f32 v11, v26  }
0x1c8: {  	v4 =	vadd.f32 v5, v4;
	v5 =	vmul.f32 v16, v25  }
0x1c9: {  	v0 =	vadd.f32 v3, v0;
	v1 =	vadd.f32 v6, v1;
	v3 =	vmul.f32 v14, v25  }
0x1ca: {  	v4 =	vadd.f32 v5, v4  }
0x1cb: {  	v0 =	vadd.f32 v3, v0;
	[tilespmem:s26+$0xFFFFFE30] =	vst v1  }
0x1cc: {  	s30 =	smov.u32 s29;
	[tilespmem:s26+$0x0] =	vst v4  }
0x1cd: {  	s25 =	sadd.s32 $0x80, s25;
	[tilespmem:s26+$0x1D0] =	vst v0;
	v0 =	vmov s30  }
0x1ce: {  	v1 =	vld [tilespmem:s25+$0xFFFFFFE0];
	v0 =	vshll.u32 v0, $0x3  }
0x1cf: {  	v22 =	vld [tilespmem:s25+$0xFFFFFFC0];
	v5 =	vor.u32 v58, v0  }
0x1d0: {  	v27 =	vld [tilespmem:s25+$0xFFFFFFA0];
	v3 =	vor.u32 v53, v0  }
0x1d1: {  	v23 =	vld [tilespmem:s25+$0xFFFFFFB0];
	v4 =	vor.u32 v59, v0  }
0x1d2: {  	v28 =	vld [tilespmem:s25+$0xFFFFFF90];
	v24 =	vor.u32 v57, v0;
	v6 =	vor.u32 $0x1, v3  }
0x1d3: {  	v20 =	vld [tilespmem:s25+$0xFFFFFFD0];
	v10 =	vor.u32 $0x2, v3;
	v11 =	vor.u32 $0x4, v3;
	v12 =	vor.u32 $0x5, v4  }
0x1d4: {  	v19 =	vor.u32 $0x5, v3;
	v18 =	vor.u32 $0x6, v3;
	v14 =	vor.u32 $0x1, v5;
	v26 =	vld.idx.msk [tilespmem:v5+s15+$0x0], $0xffff  }
0x1d5: {  	v17 =	vor.u32 $0x4, v4;
	v13 =	vor.u32 $0x1, v4;
	v21 =	vor.u32 $0x2, v5;
	v3 =	vld.idx.msk [tilespmem:v3+s15+$0x0], $0xffff  }
0x1d6: {  	v16 =	vor.u32 $0x2, v4;
	v15 =	vor.u32 $0x6, v4;
	v30 =	vor.u32 $0x1, v24;
	v4 =	vld.idx.msk [tilespmem:v4+s15+$0x0], $0xffff  }
0x1d7: {  	v60 =	vor.u32 $0x4, v24;
	v51 =	vld.idx.msk [tilespmem:v24+s15+$0x0], $0xffff  }
0x1d8: {  	v40 =	vld.idx.msk [tilespmem:v12+s15+$0x0], $0xffff  }
0x1d9: {  	v44 =	vld.idx.msk [tilespmem:v14+s15+$0x0], $0xffff  }
0x1da: {  	v48 =	vld.idx.msk [tilespmem:v21+s15+$0x0], $0xffff  }
0x1db: {  	v49 =	vld.idx.msk [tilespmem:v30+s15+$0x0], $0xffff  }
0x1dc: {  	v38 =	vld.idx.msk [tilespmem:v60+s15+$0x0], $0xffff  }
0x1dd: {  	v43 =	vor.u32 v54, v0;
	v54 =	vld.idx.msk [tilespmem:v15+s15+$0x0], $0xffff  }
0x1de: {  	v42 =	vor.u32 v55, v0;
	v25 =	vor.u32 $0x4, v5;
	v55 =	vld.idx.msk [tilespmem:v16+s15+$0x0], $0xffff  }
0x1df: {  	v41 =	vor.u32 v56, v0;
	v56 =	vld.idx.msk [tilespmem:v13+s15+$0x0], $0xffff  }
0x1e0: {  	v58 =	vld.idx.msk [tilespmem:v17+s15+$0x0], $0xffff  }
0x1e1: {  	v59 =	vld.idx.msk [tilespmem:v18+s15+$0x0], $0xffff  }
0x1e2: {  	v0 =	vor.u32 v61, v0;
	v34 =	vor.u32 $0x2, v24;
	v19 =	vld.idx.msk [tilespmem:v19+s15+$0x0], $0xffff  }
0x1e3: {  	v29 =	vor.u32 $0x5, v5;
	v37 =	vor.u32 $0x5, v24;
	v39 =	vor.u32 $0x6, v24;
	v25 =	vld.idx.msk [tilespmem:v25+s15+$0x0], $0xffff  }
0x1e4: {  	v45 =	vor.u32 $0x1, v41;
	v46 =	vor.u32 $0x4, v41;
	v52 =	vor.u32 $0x6, v42;
	v62 =	vld.idx.msk [tilespmem:v11+s15+$0x0], $0xffff  }
0x1e5: {  	v36 =	vor.u32 $0x5, v41;
	v32 =	vor.u32 $0x1, v42;
	v47 =	vmul.f32 v20, v28;
	v6 =	vld.idx.msk [tilespmem:v6+s15+$0x0], $0xffff  }
0x1e6: {  	v50 =	vor.u32 $0x4, v42;
	v53 =	vmul.f32 v20, v23;
	v57 =	vmul.f32 v20, v27;
	v10 =	vld.idx.msk [tilespmem:v10+s15+$0x0], $0xffff  }
0x1e7: {  	v31 =	vor.u32 $0x5, v42;
	v20 =	vmul.f32 v20, v22;
	v60 =	vmul.f32 v1, v28;
	v34 =	vld.idx.msk [tilespmem:v34+s15+$0x0], $0xffff  }
0x1e8: {  	v61 =	vor.u32 $0x4, v0;
	v63 =	vmul.f32 v1, v23;
	v29 =	vld.idx.msk [tilespmem:v29+s15+$0x0], $0xffff;
	v3 =	vmul.f32 v3, v47  }
0x1e9: {  	v5 =	vor.u32 $0x6, v5;
	v11 =	vld.idx.msk [tilespmem:v52+s15+$0x0], $0xffff;
	v4 =	vmul.f32 v4, v53;
	v26 =	vmul.f32 v26, v60  }
0x1ea: {  	v24 =	vor.u32 $0x4, v43;
	v39 =	vld.idx.msk [tilespmem:v39+s15+$0x0], $0xffff;
	v51 =	vmul.f32 v51, v63;
	v56 =	vmul.f32 v56, v53  }
0x1eb: {  	v30 =	vor.u32 $0x2, v42;
	v36 =	vld.idx.msk [tilespmem:v36+s15+$0x0], $0xffff;
	v53 =	vmul.f32 v55, v53;
	v55 =	vmul.f32 v58, v20  }
0x1ec: {  	v21 =	vor.u32 $0x1, v43;
	v32 =	vld.idx.msk [tilespmem:v32+s15+$0x0], $0xffff;
	v40 =	vmul.f32 v40, v20;
	v58 =	vmul.f32 v59, v57  }
0x1ed: {  	v14 =	vor.u32 $0x2, v43;
	v31 =	vld.idx.msk [tilespmem:v31+s15+$0x0], $0xffff;
	v54 =	vmul.f32 v54, v20;
	v59 =	vmul.f32 v19, v57  }
0x1ee: {  	v15 =	vor.u32 $0x5, v43;
	v44 =	vmul.f32 v44, v60;
	v19 =	vld.idx.msk [tilespmem:v37+s15+$0x0], $0xffff;
	v37 =	vmul.f32 v1, v22  }
0x1ef: {  	v12 =	vor.u32 $0x6, v43;
	v1 =	vmul.f32 v1, v27;
	v6 =	vmul.f32 v6, v47;
	v20 =	vld.idx.msk [tilespmem:v43+s15+$0x0], $0xffff  }
0x1f0: {  	v13 =	vor.u32 $0x1, v0;
	v43 =	vmul.f32 v49, v63;
	v49 =	vmul.f32 v34, v63;
	v34 =	vld.idx.msk [tilespmem:v50+s15+$0x0], $0xffff  }
0x1f1: {  	v16 =	vor.u32 $0x2, v0;
	v63 =	vld.idx.msk [tilespmem:v41+s15+$0x0], $0xffff;
	v52 =	vmul.f32 v38, v37;
	v38 =	vmul.f32 v10, v47  }
0x1f2: {  	v3 =	vadd.f32 $0.0e+00, v3;
	v10 =	vld.idx.msk [tilespmem:v61+s15+$0x0], $0xffff;
	v47 =	vmul.f32 v62, v57;
	v6 =	vadd.f32 $0.0e+00, v6  }
0x1f3: {  	v48 =	vmul.f32 v48, v60;
	v57 =	vld [tilespmem:s25+$0x0];
	v60 =	vmul.f32 v25, v1;
	v25 =	vadd.f32 $0.0e+00, v38  }
0x1f4: {  	v3 =	vadd.f32 v47, v3;
	v6 =	vadd.f32 v59, v6;
	v61 =	vmul.f32 v19, v37;
	v19 =	vld.idx.msk [tilespmem:v0+s15+$0x0], $0xffff  }
0x1f5: {  	v17 =	vor.u32 $0x5, v0;
	v18 =	vor.u32 $0x6, v0;
	v0 =	vld [tilespmem:s25+$0xFFFFFFF0];
	v25 =	vadd.f32 v58, v25  }
0x1f6: {  	v35 =	vor.u32 $0x2, v41;
	v3 =	vadd.f32 v4, v3;
	v4 =	vld.idx.msk [tilespmem:v5+s15+$0x0], $0xffff;
	v5 =	vadd.f32 v56, v6  }
0x1f7: {  	v33 =	vor.u32 $0x6, v41;
	v50 =	vld.idx.msk [tilespmem:v45+s15+$0x0], $0xffff;
	v47 =	vmul.f32 v29, v1;
	v6 =	vadd.f32 v53, v25  }
0x1f8: {  	v30 =	vld.idx.msk [tilespmem:v30+s15+$0x0], $0xffff;
	v37 =	vmul.f32 v39, v37;
	v3 =	vadd.f32 v55, v3;
	v5 =	vadd.f32 v40, v5  }
0x1f9: {  	v62 =	vld.idx.msk [tilespmem:v46+s15+$0x0], $0xffff;
	v29 =	vmul.f32 v57, v27;
	v25 =	vmul.f32 v57, v22;
	v6 =	vadd.f32 v54, v6  }
0x1fa: {  	v38 =	vld.idx.msk [tilespmem:v42+s15+$0x0], $0xffff;
	v3 =	vadd.f32 v26, v3;
	v26 =	vmul.f32 v57, v23;
	v5 =	vadd.f32 v44, v5  }
0x1fb: {  	p0 =	sne.s32 s29, $0xE00;
	v39 =	vld.idx.msk [tilespmem:v35+s15+$0x0], $0xffff;
	v35 =	vmul.f32 v0, v27;
	v1 =	vmul.f32 v4, v1;
	v6 =	vadd.f32 v48, v6  }
.Ltmp8:
0x1fc: {  	v59 =	vmovc v7;
	v56 =	vld [tilespmem:$0x1FFF0];
	v27 =	vmul.f32 v57, v28;
	v3 =	vadd.f32 v60, v3;
	v4 =	vadd.f32 v47, v5;
	(pc) =	sbr.rel @p0 .LBB2_10-.Ltmp8, $4  }
0x1fd: {  	v58 =	vmovc v2;
	v53 =	vld [tilespmem:$0x1FFC0];
	v40 =	vmul.f32 v0, v28;
	v22 =	vmul.f32 v0, v22;
	v1 =	vadd.f32 v1, v6  }
0x1fe: {  	v55 =	vld [tilespmem:$0x1FFE0];
	v57 =	vmovc v9;
	v23 =	vmul.f32 v0, v23;
	v3 =	vadd.f32 v51, v3;
	v4 =	vadd.f32 v43, v4  }
0x1ff: {  	s28 =	sadd.s32 $0x10, s28;
	v28 =	vld.idx.msk [tilespmem:v33+s15+$0x0], $0xffff;
	v33 =	vmul.f32 v62, v35;
	v45 =	vmul.f32 v63, v40;
	v41 =	vadd.f32 v49, v1  }
0x200: {  	s29 =	sadd.s32 $0x80, s29;
	s26 =	smov.u32 s28;
	v54 =	vld [tilespmem:$0x1FFD0];
	v44 =	vmul.f32 v50, v40;
	v42 =	vadd.f32 v52, v3;
	v43 =	vadd.f32 v61, v4;
	v61 =	vmovc v8  }
0x201: {  	_ =	sdelay $0x2  }
0x202: {  	v0 =	vadd.f32 v37, v41;
	v3 =	vmul.f32 v39, v40;
	v1 =	vadd.f32 v45, v42  }
0x203: {  	v4 =	vld.idx.msk [tilespmem:v24+s15+$0x0], $0xffff;
	v6 =	vmul.f32 v36, v35;
	v5 =	vadd.f32 v44, v43;
	v42 =	vmul.f32 v38, v23  }
0x204: {  	v21 =	vld.idx.msk [tilespmem:v21+s15+$0x0], $0xffff;
	v0 =	vadd.f32 v3, v0;
	v1 =	vadd.f32 v33, v1;
	v3 =	vmul.f32 v28, v35  }
0x205: {  	v14 =	vld.idx.msk [tilespmem:v14+s15+$0x0], $0xffff;
	v43 =	vmul.f32 v32, v23;
	v44 =	vmul.f32 v34, v22;
	v5 =	vadd.f32 v6, v5  }
0x206: {  	v15 =	vld.idx.msk [tilespmem:v15+s15+$0x0], $0xffff;
	v0 =	vadd.f32 v3, v0;
	v1 =	vadd.f32 v42, v1;
	v3 =	vmul.f32 v30, v23  }
0x207: {  	v12 =	vld.idx.msk [tilespmem:v12+s15+$0x0], $0xffff;
	v20 =	vmul.f32 v20, v27;
	v45 =	vmul.f32 v31, v22;
	v5 =	vadd.f32 v43, v5  }
0x208: {  	v13 =	vld.idx.msk [tilespmem:v13+s15+$0x0], $0xffff;
	v0 =	vadd.f32 v3, v0;
	v1 =	vadd.f32 v44, v1;
	v3 =	vmul.f32 v11, v22  }
0x209: {  	v46 =	vld.idx.msk [tilespmem:v16+s15+$0x0], $0xffff;
	v47 =	vmul.f32 v21, v27;
	v4 =	vmul.f32 v4, v29;
	v5 =	vadd.f32 v45, v5  }
0x20a: {  	v48 =	vld.idx.msk [tilespmem:v17+s15+$0x0], $0xffff;
	v0 =	vadd.f32 v3, v0;
	v1 =	vadd.f32 v20, v1;
	v3 =	vmul.f32 v14, v27  }
0x20b: {  	v49 =	vld.idx.msk [tilespmem:v18+s15+$0x0], $0xffff;
	v51 =	vmul.f32 v19, v26;
	v50 =	vmul.f32 v15, v29;
	v5 =	vadd.f32 v47, v5  }
0x20c: {  	v0 =	vadd.f32 v3, v0;
	v1 =	vadd.f32 v4, v1;
	v3 =	vmul.f32 v12, v29  }
0x20d: {  	v62 =	vmul.f32 v10, v25;
	v60 =	vmul.f32 v13, v26;
	v52 =	vadd.f32 v50, v5  }
0x20e: {  	v0 =	vadd.f32 v3, v0;
	v1 =	vadd.f32 v51, v1;
	v3 =	vmul.f32 v46, v26  }
0x20f: {  	v63 =	vmul.f32 v48, v25;
	v4 =	vadd.f32 v60, v52  }
0x210: {  	v0 =	vadd.f32 v3, v0;
	v1 =	vadd.f32 v62, v1;
	v3 =	vmul.f32 v49, v25  }
0x211: {  	v4 =	vadd.f32 v63, v4  }
0x212: {  	s24 =	smul.u32 $0xE8, s24;
	v0 =	vadd.f32 v3, v0;
	[tilespmem:s26+$0xFFFFFE30] =	vst v1  }
0x213: {  	[tilespmem:s26+$0x0] =	vst v4  }
.Ltmp9:
0x214: {  	s24 =	sadd.s32 s5, s24;
	[tilespmem:s26+$0x1D0] =	vst v0;
	(pc) =	sbr.rel .LBB2_12-.Ltmp9, $4  }
0x215: {  	[hbm4b:s24+s4] =	stream.linear.scatter [tilespmem:s20], [sflag:$0x3], $0x740, $0x38;
	[tilespmem:$0x1D488] =	vst v63  }
0x216: {  	_ =	swait.ge [sflag:s21], $0x740  }
0x217: {  	[sflag:s21] =	ssyncset.done $0x0  }
0x218: {  	v1 =	vimm.s32 $0x0;
	v0 =	vimm.f32 $0.0e+00;
	[sflag:s21] =	ssyncadd.s32 $0xFFFFF8C0  }
.LBB2_14:
0x219: {  	_ =	sfence.sel $0x180000  }
0x21a: {  	[bflag:$0x0] =	sbarrier.arrive $0xFFFF  }
0x21b: {  	p0 =	sne.s32 s0, $0x0;
	_ =	strace $0x90000047  }
0x21c: {  	s0 =	sadd.s32 @!p0 $0x100000, s1;
	[bflag:$0x2] =	sbarrier.arrive $0xFFFF  }
0x21d: {  	[sflag:s0] =	ssyncadd.tile.s32 @!p0 $0x1;
	_ =	shalt  }
.Lfunc_end2:
_tile_overlayer_lowered:
.L_overlay_start_2:
0x21e: {  	(tag) =	ssettag $0x2  }
0x21f: {  	s0 =	rddreg [dreg:$0x0];
	s2 =	stileid.u32  }
0x220: {  	s1 =	rddreg [dreg:$0x1];
	p0 =	sne.s32 s2, $0x0  }
0x221: {  	s3 =	rddreg [dreg:$0x2];
	[bflag:$0x3] =	sbarrier.arrive $0xFFFF;
	s2 =	simm.s32 @!p0 $0x1C03  }
0x222: {  	[timem:s3], [sflag:s2] =	dma.local @!p0 [hbm:s0], s1  }
0x223: {  	s0 =	simm.s32 @!p0 $0x3  }
0x224: {  	_ =	swait.ge @!p0 [sflag:s0], s1  }
0x225: {  	s1 =	ssub.s32 @!p0 $0x0, s1;
	[sflag:s0] =	ssyncset.done @!p0 $0x0  }
0x226: {  	[sflag:s0] =	ssyncadd.s32 @!p0 s1  }
0x227: {  	[bflag:$0x3] =	sbarrier.arrive $0xFFFF  }
0x228: {  	_ =	shalt  }

</sc_bundles>
